<compile_context>
chip_gen: v7x
topology: tpu7x:2x2x1
jax: 0.10.2.dev20260603
libtpu: 0.0.44.dev20260713+nightly
codegen_flags: <defaults>
</compile_context>

<pallas_src>
import dataclasses
import functools

import jax
import jax.numpy as jnp
from jax import lax
from jax.experimental import pallas as pl
from jax.experimental.pallas import tpu as pltpu
from jax.experimental.pallas import tpu_sc as plsc

N = 10000
E = 320000
D = 128

NC = 2
NS = 16
NW = NC * NS
EPW = E // NW
GCH = 192
NFULL = EPW // GCH
TAILE = EPW - NFULL * GCH
RPS = 624
TAIL = N - NS * RPS
TAIL_OFF = NS * RPS

_vmesh = plsc.VectorSubcoreMesh(core_axis_name="c", subcore_axis_name="s")

_no_layout_cp = pltpu.CompilerParams()
if "needs_layout_passes" in pltpu.CompilerParams.__dataclass_fields__:
  _no_layout_cp = dataclasses.replace(_no_layout_cp, needs_layout_passes=False)


def _sc_scatter_sum(values, row_idx, col_idx, zeros_nd):

  @functools.partial(
      pl.kernel,
      mesh=_vmesh,
      out_type=jax.ShapeDtypeStruct((NC, N, D), jnp.float32),
      scratch_types=[
          pltpu.VMEM((GCH,), jnp.int32),
          pltpu.VMEM((GCH,), jnp.int32),
          pltpu.VMEM((GCH,), jnp.int32),
          pltpu.VMEM((GCH,), jnp.int32),
          pltpu.VMEM((TAILE,), jnp.int32),
          pltpu.VMEM((TAILE,), jnp.int32),
          pltpu.VMEM((GCH, D), jnp.float32),
          pltpu.VMEM((GCH, D), jnp.float32),
          pltpu.VMEM_SHARED((N, D), jnp.float32),
          pltpu.SemaphoreType.DMA,
          pltpu.SemaphoreType.DMA,
          pltpu.SemaphoreType.DMA,
          pltpu.SemaphoreType.DMA,
          pltpu.SemaphoreType.DMA,
          pltpu.SemaphoreType.DMA,
      ],
  )
  def k(vals_hbm, row_hbm, col_hbm, zeros_hbm, out_hbm,
        row_a, row_b, col_a, col_b, row_t, col_t, ga, gb, acc,
        sem_a, sem_b, sem_ca, sem_cb, sem_ra, sem_rb):
    cid = lax.axis_index("c")
    sid = lax.axis_index("s")
    wid = sid * NC + cid
    base = wid * EPW

    pltpu.sync_copy(row_hbm.at[pl.ds(base + NFULL * GCH, TAILE)], row_t)
    pltpu.sync_copy(col_hbm.at[pl.ds(base + NFULL * GCH, TAILE)], col_t)
    pltpu.async_copy(vals_hbm.at[row_t], ga.at[pl.ds(0, TAILE)], sem_a)

    pltpu.sync_copy(zeros_hbm.at[pl.ds(sid * RPS, RPS)],
                    acc.at[pl.ds(sid * RPS, RPS)])

    @pl.when(sid == 0)
    def _():
      pltpu.sync_copy(zeros_hbm.at[pl.ds(TAIL_OFF, TAIL)],
                      acc.at[pl.ds(TAIL_OFF, TAIL)])

    plsc.subcore_barrier()

    pltpu.make_async_copy(vals_hbm.at[row_t], ga.at[pl.ds(0, TAILE)],
                          sem_a).wait()
    pltpu.sync_copy(ga.at[pl.ds(0, TAILE)], acc.at[col_t], add=True)

    pltpu.sync_copy(row_hbm.at[pl.ds(base, GCH)], row_a)
    pltpu.async_copy(vals_hbm.at[row_a], ga, sem_a)
    pltpu.async_copy(col_hbm.at[pl.ds(base, GCH)], col_a, sem_ca)
    pltpu.sync_copy(row_hbm.at[pl.ds(base + GCH, GCH)], row_b)
    pltpu.async_copy(vals_hbm.at[row_b], gb, sem_b)
    pltpu.async_copy(col_hbm.at[pl.ds(base + GCH, GCH)], col_b, sem_cb)

    @pl.loop(0, NFULL, step=2)
    def _(k0):
      pltpu.make_async_copy(vals_hbm.at[row_a], ga, sem_a).wait()

      @pl.when(k0 + 2 < NFULL)
      def _():
        pltpu.async_copy(row_hbm.at[pl.ds(base + (k0 + 2) * GCH, GCH)],
                         row_a, sem_ra)

      pltpu.make_async_copy(col_hbm.at[pl.ds(base, GCH)], col_a,
                            sem_ca).wait()
      pltpu.sync_copy(ga, acc.at[col_a], add=True)

      @pl.when(k0 + 2 < NFULL)
      def _():
        pltpu.make_async_copy(row_hbm.at[pl.ds(base, GCH)], row_a,
                              sem_ra).wait()
        pltpu.async_copy(vals_hbm.at[row_a], ga, sem_a)
        pltpu.async_copy(col_hbm.at[pl.ds(base + (k0 + 2) * GCH, GCH)],
                         col_a, sem_ca)

      pltpu.make_async_copy(vals_hbm.at[row_b], gb, sem_b).wait()

      @pl.when(k0 + 3 < NFULL)
      def _():
        pltpu.async_copy(row_hbm.at[pl.ds(base + (k0 + 3) * GCH, GCH)],
                         row_b, sem_rb)

      pltpu.make_async_copy(col_hbm.at[pl.ds(base, GCH)], col_b,
                            sem_cb).wait()
      pltpu.sync_copy(gb, acc.at[col_b], add=True)

      @pl.when(k0 + 3 < NFULL)
      def _():
        pltpu.make_async_copy(row_hbm.at[pl.ds(base, GCH)], row_b,
                              sem_rb).wait()
        pltpu.async_copy(vals_hbm.at[row_b], gb, sem_b)
        pltpu.async_copy(col_hbm.at[pl.ds(base + (k0 + 3) * GCH, GCH)],
                         col_b, sem_cb)

    plsc.subcore_barrier()
    pltpu.sync_copy(acc.at[pl.ds(sid * RPS, RPS)],
                    out_hbm.at[cid].at[pl.ds(sid * RPS, RPS)])

    @pl.when(sid == 0)
    def _():
      pltpu.sync_copy(acc.at[pl.ds(TAIL_OFF, TAIL)],
                      out_hbm.at[cid].at[pl.ds(TAIL_OFF, TAIL)])

  return k(values, row_idx, col_idx, zeros_nd)


NBR = 80


def _sc_count_reg(col_idx, zeros_blk, ident):

  @functools.partial(
      pl.kernel,
      mesh=_vmesh,
      out_type=jax.ShapeDtypeStruct((NC, NBR, 128), jnp.float32),
      compiler_params=_no_layout_cp,
      scratch_types=[
          pltpu.VMEM((EPW,), jnp.int32),
          pltpu.VMEM((NBR, 128), jnp.float32),
          pltpu.VMEM((NBR,), jnp.int32),
          pltpu.VMEM_SHARED((NBR, 128), jnp.float32),
      ],
  )
  def k(col_hbm, zeros_hbm, ident_hbm, out_hbm, col_v, cnt, ident_v, acc):
    cid = lax.axis_index("c")
    sid = lax.axis_index("s")
    wid = sid * NC + cid
    pltpu.sync_copy(col_hbm.at[pl.ds(wid * EPW, EPW)], col_v)
    pltpu.sync_copy(zeros_hbm, cnt)
    pltpu.sync_copy(ident_hbm, ident_v)

    @pl.when(sid == 0)
    def _():
      pltpu.sync_copy(zeros_hbm, acc)

    ones_vec = jnp.ones((16,), jnp.float32)

    @pl.loop(0, EPW // 16)
    def _(i):
      idxv = col_v[pl.ds(i * 16, 16)]
      hi = lax.shift_right_logical(idxv, 7)
      lo = lax.bitwise_and(idxv, 127)
      plsc.addupdate_scatter(cnt, [hi, lo], ones_vec)

    plsc.subcore_barrier()
    pltpu.sync_copy(cnt, acc.at[ident_v], add=True)
    plsc.subcore_barrier()

    @pl.when(sid == 0)
    def _():
      pltpu.sync_copy(acc, out_hbm.at[cid])

  return k(col_idx, zeros_blk, ident)


BR = 1000
GRID = N // BR


def _row_spec():
  return pl.BlockSpec((BR, D), lambda i: (i, 0))


def _w_spec():
  return pl.BlockSpec((D, D), lambda i: (0, 0))


def _b_spec():
  return pl.BlockSpec((1, D), lambda i: (0, 0))


def _cnt_spec():
  return pl.BlockSpec((BR, 1), lambda i: (i, 0))


def _out_nd():
  return jax.ShapeDtypeStruct((N, D), jnp.float32)


def _tc_mm_scale(x, w, c0, c1, bg):

  def kfn(x_ref, w_ref, c0_ref, c1_ref, b_ref, hp_ref, hs_ref):
    h = jnp.dot(x_ref[...], w_ref[...], preferred_element_type=jnp.float32)
    cnt = c0_ref[...] + c1_ref[...]
    dinv = lax.rsqrt(cnt + 1.0)
    hp_ref[...] = h * dinv
    hs_ref[...] = h * (dinv * dinv) + b_ref[...]

  return pl.pallas_call(
      kfn, grid=(GRID,),
      in_specs=[_row_spec(), _w_spec(), _cnt_spec(), _cnt_spec(), _b_spec()],
      out_specs=(_row_spec(), _row_spec()),
      out_shape=(_out_nd(), _out_nd()))(x, w, c0, c1, bg)


def _tc_gcn_combine(p0, p1, c0, c1, hs):

  def kfn(p0_ref, p1_ref, c0_ref, c1_ref, hs_ref, o_ref):
    cnt = c0_ref[...] + c1_ref[...]
    dinv = lax.rsqrt(cnt + 1.0)
    s = (p0_ref[...] + p1_ref[...]) * dinv + hs_ref[...]
    o_ref[...] = jnp.maximum(s, 0.0)

  return pl.pallas_call(
      kfn, grid=(GRID,),
      in_specs=[_row_spec(), _row_spec(),
                _cnt_spec(), _cnt_spec(), _row_spec()],
      out_specs=_row_spec(),
      out_shape=_out_nd())(p0, p1, c0, c1, hs)


def _tc_linear(x, w, b):

  def kfn(x_ref, w_ref, b_ref, o_ref):
    o_ref[...] = jnp.dot(x_ref[...], w_ref[...],
                         preferred_element_type=jnp.float32) + b_ref[...]

  return pl.pallas_call(
      kfn, grid=(GRID,),
      in_specs=[_row_spec(), _w_spec(), _b_spec()],
      out_specs=_row_spec(),
      out_shape=_out_nd())(x, w, b)


def _tc_sage_combine(a0, a1, c0, c1, xr, wl):

  def kfn(a0_ref, a1_ref, c0_ref, c1_ref, xr_ref, wl_ref, o_ref):
    cnt = c0_ref[...] + c1_ref[...]
    agg = (a0_ref[...] + a1_ref[...]) / jnp.maximum(cnt, 1.0)
    s = (jnp.dot(agg, wl_ref[...], preferred_element_type=jnp.float32) +
         xr_ref[...])
    o_ref[...] = jnp.maximum(s, 0.0)

  return pl.pallas_call(
      kfn, grid=(GRID,),
      in_specs=[_row_spec(), _row_spec(), _cnt_spec(), _cnt_spec(),
                _row_spec(), _w_spec()],
      out_specs=_row_spec(),
      out_shape=_out_nd())(a0, a1, c0, c1, xr, wl)


@jax.jit
def kernel(x, edge_index, batch, Wg, bg, Wl1, bl1, Wr1, Wl2, bl2, Wr2):
  del batch
  ei = edge_index.astype(jnp.int32)
  row = ei[0]
  col = ei[1]

  zeros_nd = jnp.zeros((N, D), jnp.float32)
  zeros_blk = jnp.zeros((NBR, 128), jnp.float32)
  ident = jnp.arange(NBR, dtype=jnp.int32)
  bg2 = bg.reshape(1, D)
  bl1_2 = bl1.reshape(1, D)
  bl2_2 = bl2.reshape(1, D)

  counts = _sc_count_reg(col, zeros_blk, ident)
  cflat = counts.reshape(NC, NBR * 128)
  c0 = cflat[0, :N, None]
  c1 = cflat[1, :N, None]
  hp, hs = _tc_mm_scale(x, Wg, c0, c1, bg2)

  p = _sc_scatter_sum(hp, row, col, zeros_nd)
  x1 = _tc_gcn_combine(p[0], p[1], c0, c1, hs)

  a = _sc_scatter_sum(x1, row, col, zeros_nd)
  xr1 = _tc_linear(x1, Wr1, bl1_2)
  x2 = _tc_sage_combine(a[0], a[1], c0, c1, xr1, Wl1)

  b = _sc_scatter_sum(x2, row, col, zeros_nd)
  xr2 = _tc_linear(x2, Wr2, bl2_2)
  x3 = _tc_sage_combine(b[0], b[1], c0, c1, xr2, Wl2)

  return (x1, x2, x3)

# --- scband reference (transcript-rebuilt; emitter-appended) ---
"""Pipeline reference for scband-gcn-gnnmodel-71768903516461 (READ-ONLY COPY).

The authoritative reference and input builder live on the scoring server;
editing this copy changes nothing except your own understanding.
"""

import jax, jax.numpy as jnp
import numpy as np

N_NODES = 10000
N_EDGES = 320000
D = 128


def setup_inputs(seed: int = 0) -> dict:
    key = jax.random.key(seed)
    ks = jax.random.split(key, 12)
    x = jax.random.normal(ks[0], (N_NODES, D), dtype=jnp.float32)
    edge_index = jax.random.randint(ks[1], (2, N_EDGES), 0, N_NODES, dtype=jnp.int64)
    batch = jnp.zeros((N_NODES,), dtype=jnp.int64)
    s = 1.0 / np.sqrt(D)
    Wg = jax.random.uniform(ks[2], (D, D), jnp.float32, -s, s)
    bg = jax.random.uniform(ks[3], (D,), jnp.float32, -s, s)
    Wl1 = jax.random.uniform(ks[4], (D, D), jnp.float32, -s, s)
    bl1 = jax.random.uniform(ks[5], (D,), jnp.float32, -s, s)
    Wr1 = jax.random.uniform(ks[6], (D, D), jnp.float32, -s, s)
    Wl2 = jax.random.uniform(ks[7], (D, D), jnp.float32, -s, s)
    bl2 = jax.random.uniform(ks[8], (D,), jnp.float32, -s, s)
    Wr2 = jax.random.uniform(ks[9], (D, D), jnp.float32, -s, s)
    return {"x": x, "edge_index": edge_index, "batch": batch,
            "Wg": Wg, "bg": bg,
            "Wl1": Wl1, "bl1": bl1, "Wr1": Wr1,
            "Wl2": Wl2, "bl2": bl2, "Wr2": Wr2}


def gcn_conv(x, edge_index, W, b):
    # PyG GCNConv: x' = D^{-1/2}(A+I)D^{-1/2} x W + b
    N = x.shape[0]
    h = x @ W
    loop = jnp.arange(N, dtype=edge_index.dtype)
    row = jnp.concatenate([edge_index[0], loop])
    col = jnp.concatenate([edge_index[1], loop])
    ones = jnp.ones((row.shape[0],), dtype=h.dtype)
    deg = jax.ops.segment_sum(ones, col, num_segments=N)
    dinv = jnp.where(deg > 0, 1.0 / jnp.sqrt(deg), 0.0)
    norm = dinv[row] * dinv[col]
    msg = h[row] * norm[:, None]
    out = jax.ops.segment_sum(msg, col, num_segments=N)
    return out + b


def sage_conv(x, edge_index, Wl, bl, Wr):
    # PyG SAGEConv (mean aggr): x' = mean_{j in N(i)} x_j @ Wl + bl + x_i @ Wr
    N = x.shape[0]
    row, col = edge_index[0], edge_index[1]
    agg = jax.ops.segment_sum(x[row], col, num_segments=N)
    cnt = jax.ops.segment_sum(jnp.ones((row.shape[0],), x.dtype), col, num_segments=N)
    agg = agg / jnp.clip(cnt, 1.0)[:, None]
    return agg @ Wl + bl + x @ Wr


def reference(x, edge_index, batch, Wg, bg, Wl1, bl1, Wr1, Wl2, bl2, Wr2):
    # return_mode == 'sparse': batch is unused
    x1 = jax.nn.relu(gcn_conv(x, edge_index, Wg, bg))
    outs = [x1]
    x2 = jax.nn.relu(sage_conv(x1, edge_index, Wl1, bl1, Wr1))
    outs.append(x2)
    x3 = jax.nn.relu(sage_conv(x2, edge_index, Wl2, bl2, Wr2))
    outs.append(x3)
    return tuple(outs)

if __name__ == "__main__":
    import jax
    _d = setup_inputs()
    print(jax.jit(kernel)(*tuple(_d.values())))

</pallas_src>

<mosaic_0001>
#map = affine_map<(d0, d1) -> (0)>
#map1 = affine_map<(d0, d1) -> (0, 0)>
#map2 = affine_map<(d0, d1) -> (0, 0, 0)>
module attributes {stable_mosaic.version = 14 : i64} {
  func.func @k(%arg0: i32, %arg1: i32, %arg2: memref<320000xi32, #tpu.memory_space<hbm>>, %arg3: memref<80x128xf32, #tpu.memory_space<hbm>>, %arg4: memref<80xi32, #tpu.memory_space<hbm>>, %arg5: memref<2x80x128xf32, #tpu.memory_space<hbm>>, %arg6: memref<10000xi32, #tpu.memory_space<vmem>>, %arg7: memref<80x128xf32, #tpu.memory_space<vmem>>, %arg8: memref<80xi32, #tpu.memory_space<vmem>>, %arg9: memref<80x128xf32, #tpu.memory_space<vmem_shared>>) attributes {dimension_semantics = [#tpu.dimension_semantics<core_parallel>, #tpu.dimension_semantics<subcore_parallel>], iteration_bounds = array<i64: 2, 16>, scalar_prefetch = 0 : i64, scratch_operands = 4 : i64, tpu.core_type = #tpu.core_type<sc_vector_subcore>, window_params = [{transform_indices = #map}, {transform_indices = #map1}, {transform_indices = #map}, {transform_indices = #map2}]} {
    %mul3A = arith.constant 2 : i32
    %mul3A_0 = arith.muli %arg1, %mul3A : i32
    %add3A = arith.addi %mul3A_0, %arg0 : i32
    %mul3A_1 = arith.constant 10000 : i32
    %mul3A_2 = arith.muli %add3A, %mul3A_1 : i32
    "tpu.region"() ({
      %run_scoped3A = tpu.sem_alloc : memref<!tpu.dma_semaphore, #tpu.memory_space<semaphore_mem>>
      %dma_start3A = tpu.memref_slice %arg2[%mul3A_2] : memref<320000xi32, #tpu.memory_space<hbm>> -> memref<10000xi32, #tpu.memory_space<hbm>>
      %dma_start3A_16 = tpu.memref_slice %arg2[%mul3A_2] : memref<320000xi32, #tpu.memory_space<hbm>> -> memref<10000xi32, #tpu.memory_space<hbm>>
      tpu.enqueue_dma source(%dma_start3A_16 : memref<10000xi32, #tpu.memory_space<hbm>>) target(%arg6 : memref<10000xi32, #tpu.memory_space<vmem>>) target_semaphore(%run_scoped3A : memref<!tpu.dma_semaphore, #tpu.memory_space<semaphore_mem>>)
      %dma_wait3A = tpu.memref_slice %arg2[%mul3A_2] : memref<320000xi32, #tpu.memory_space<hbm>> -> memref<10000xi32, #tpu.memory_space<hbm>>
      %dma_wait3A_17 = tpu.memref_slice %arg2[%mul3A_2] : memref<320000xi32, #tpu.memory_space<hbm>> -> memref<10000xi32, #tpu.memory_space<hbm>>
      tpu.wait_dma2 semaphore(%run_scoped3A : memref<!tpu.dma_semaphore, #tpu.memory_space<semaphore_mem>>) src(%dma_wait3A_17 : memref<10000xi32, #tpu.memory_space<hbm>>) dst(%arg6 : memref<10000xi32, #tpu.memory_space<vmem>>)
      tpu.yield
    }) : () -> ()
    "tpu.region"() ({
      %run_scoped3A = tpu.sem_alloc : memref<!tpu.dma_semaphore, #tpu.memory_space<semaphore_mem>>
      tpu.enqueue_dma source(%arg3 : memref<80x128xf32, #tpu.memory_space<hbm>>) target(%arg7 : memref<80x128xf32, #tpu.memory_space<vmem>>) target_semaphore(%run_scoped3A : memref<!tpu.dma_semaphore, #tpu.memory_space<semaphore_mem>>)
      tpu.wait_dma2 semaphore(%run_scoped3A : memref<!tpu.dma_semaphore, #tpu.memory_space<semaphore_mem>>) src(%arg3 : memref<80x128xf32, #tpu.memory_space<hbm>>) dst(%arg7 : memref<80x128xf32, #tpu.memory_space<vmem>>)
      tpu.yield
    }) : () -> ()
    "tpu.region"() ({
      %run_scoped3A = tpu.sem_alloc : memref<!tpu.dma_semaphore, #tpu.memory_space<semaphore_mem>>
      tpu.enqueue_dma source(%arg4 : memref<80xi32, #tpu.memory_space<hbm>>) target(%arg8 : memref<80xi32, #tpu.memory_space<vmem>>) target_semaphore(%run_scoped3A : memref<!tpu.dma_semaphore, #tpu.memory_space<semaphore_mem>>)
      tpu.wait_dma2 semaphore(%run_scoped3A : memref<!tpu.dma_semaphore, #tpu.memory_space<semaphore_mem>>) src(%arg4 : memref<80xi32, #tpu.memory_space<hbm>>) dst(%arg8 : memref<80xi32, #tpu.memory_space<vmem>>)
      tpu.yield
    }) : () -> ()
    %eq3A = arith.constant 0 : i32
    %eq3A_3 = arith.cmpi eq, %arg1, %eq3A : i32
    %convert_element_type3A = arith.extui %eq3A_3 : i1 to i32
    %cond3A = arith.constant 0 : i32
    %cond3A_4 = arith.cmpi ne, %convert_element_type3A, %cond3A : i32
    scf.if %cond3A_4 {
      "tpu.region"() ({
        %run_scoped3A = tpu.sem_alloc : memref<!tpu.dma_semaphore, #tpu.memory_space<semaphore_mem>>
        tpu.enqueue_dma source(%arg3 : memref<80x128xf32, #tpu.memory_space<hbm>>) target(%arg9 : memref<80x128xf32, #tpu.memory_space<vmem_shared>>) target_semaphore(%run_scoped3A : memref<!tpu.dma_semaphore, #tpu.memory_space<semaphore_mem>>)
        tpu.wait_dma2 semaphore(%run_scoped3A : memref<!tpu.dma_semaphore, #tpu.memory_space<semaphore_mem>>) src(%arg3 : memref<80x128xf32, #tpu.memory_space<hbm>>) dst(%arg9 : memref<80x128xf32, #tpu.memory_space<vmem_shared>>)
        tpu.yield
      }) : () -> ()
    } else {
    }
    %broadcast_in_dim3A = arith.constant 1.000000e+00 : f32
    %broadcast_in_dim3A_5 = vector.broadcast %broadcast_in_dim3A : f32 to vector<16xf32>
    %scan3A = arith.constant 0 : i32
    %scan3A_6 = arith.constant 625 : i32
    %scan3A_7 = arith.addi %scan3A, %scan3A_6 : i32
    %scan3A_8 = arith.constant 1 : i32
    scf.for %scan3A_16 = %scan3A to %scan3A_7 step %scan3A_8  : i32 {
      %mul3A_17 = arith.constant 1 : i32
      %mul3A_18 = arith.muli %scan3A_16, %mul3A_17 : i32
      %add3A_19 = arith.constant 0 : i32
      %add3A_20 = arith.addi %add3A_19, %mul3A_18 : i32
      %mul3A_21 = arith.constant 16 : i32
      %mul3A_22 = arith.muli %add3A_20, %mul3A_21 : i32
      %get3A = arith.index_cast %mul3A_22 : i32 to index
      %get3A_23 = tpu.vector_load %arg6[%get3A] {strides = array<i32>} : memref<10000xi32, #tpu.memory_space<vmem>>, vector<16xi32>,
      %shift_right_logical3A = arith.constant 7 : i32
      %shift_right_logical3A_24 = vector.broadcast %shift_right_logical3A : i32 to vector<16xi32>
      %shift_right_logical3A_25 = arith.shrui %get3A_23, %shift_right_logical3A_24 : vector<16xi32>
      %and3A = arith.constant 127 : i32
      %and3A_26 = vector.broadcast %and3A : i32 to vector<16xi32>
      %and3A_27 = arith.andi %get3A_23, %and3A_26 : vector<16xi32>
      tpu.vector_store_idx %arg7[%shift_right_logical3A_25, %and3A_27], %broadcast_in_dim3A_5 {add = true} : memref<80x128xf32, #tpu.memory_space<vmem>>[vector<16xi32>, vector<16xi32>], vector<16xf32>,
    }
    %scan3A_9 = arith.constant 625 : i32
    %barrier3A = arith.constant 0 : index
    tpu.barrier barrier_id(%barrier3A)
    "tpu.region"() ({
      %run_scoped3A = tpu.sem_alloc : memref<!tpu.dma_semaphore, #tpu.memory_space<semaphore_mem>>
      %dma_start3A = arith.constant 0 : i32
      %dma_start3A_16 = arith.constant 0 : i32
      %dma_start3A_17 = tpu.memref_slice %arg9[%dma_start3A, %dma_start3A_16] : memref<80x128xf32, #tpu.memory_space<vmem_shared>> -> memref<80x128xf32, #tpu.memory_space<vmem_shared>>
      tpu.enqueue_indirect_dma source(%arg7 : memref<80x128xf32, #tpu.memory_space<vmem>>) target(%dma_start3A_17 : memref<80x128xf32, #tpu.memory_space<vmem_shared>>) offsets(%arg8 : memref<80xi32, #tpu.memory_space<vmem>>) semaphore(%run_scoped3A : memref<!tpu.dma_semaphore, #tpu.memory_space<semaphore_mem>>) {add = true}
      %dma_wait3A = arith.constant 0 : i32
      %dma_wait3A_18 = arith.constant 0 : i32
      %dma_wait3A_19 = tpu.memref_slice %arg9[%dma_wait3A, %dma_wait3A_18] : memref<80x128xf32, #tpu.memory_space<vmem_shared>> -> memref<80x128xf32, #tpu.memory_space<vmem_shared>>
      tpu.wait_indirect_dma semaphore(%run_scoped3A : memref<!tpu.dma_semaphore, #tpu.memory_space<semaphore_mem>>) src(%arg7 : memref<80x128xf32, #tpu.memory_space<vmem>>) dst(%dma_wait3A_19 : memref<80x128xf32, #tpu.memory_space<vmem_shared>>)
      tpu.yield
    }) : () -> ()
    %barrier3A_10 = arith.constant 0 : index
    tpu.barrier barrier_id(%barrier3A_10)
    %eq3A_11 = arith.constant 0 : i32
    %eq3A_12 = arith.cmpi eq, %arg1, %eq3A_11 : i32
    %convert_element_type3A_13 = arith.extui %eq3A_12 : i1 to i32
    %cond3A_14 = arith.constant 0 : i32
    %cond3A_15 = arith.cmpi ne, %convert_element_type3A_13, %cond3A_14 : i32
    scf.if %cond3A_15 {
      "tpu.region"() ({
        %run_scoped3A = tpu.sem_alloc : memref<!tpu.dma_semaphore, #tpu.memory_space<semaphore_mem>>
        %dma_start3A = arith.constant 0 : i32
        %dma_start3A_16 = arith.constant 0 : i32
        %dma_start3A_17 = tpu.memref_slice %arg5[%arg0, %dma_start3A, %dma_start3A_16] : memref<2x80x128xf32, #tpu.memory_space<hbm>> -> memref<1x80x128xf32, #tpu.memory_space<hbm>>
        %dma_start3A_18 = tpu.memref_squeeze %dma_start3A_17 : memref<1x80x128xf32, #tpu.memory_space<hbm>> -> memref<80x128xf32, #tpu.memory_space<hbm>>
        tpu.enqueue_dma source(%arg9 : memref<80x128xf32, #tpu.memory_space<vmem_shared>>) target(%dma_start3A_18 : memref<80x128xf32, #tpu.memory_space<hbm>>) target_semaphore(%run_scoped3A : memref<!tpu.dma_semaphore, #tpu.memory_space<semaphore_mem>>)
        %dma_wait3A = arith.constant 0 : i32
        %dma_wait3A_19 = arith.constant 0 : i32
        %dma_wait3A_20 = tpu.memref_slice %arg5[%arg0, %dma_wait3A, %dma_wait3A_19] : memref<2x80x128xf32, #tpu.memory_space<hbm>> -> memref<1x80x128xf32, #tpu.memory_space<hbm>>
        %dma_wait3A_21 = tpu.memref_squeeze %dma_wait3A_20 : memref<1x80x128xf32, #tpu.memory_space<hbm>> -> memref<80x128xf32, #tpu.memory_space<hbm>>
        tpu.wait_dma2 semaphore(%run_scoped3A : memref<!tpu.dma_semaphore, #tpu.memory_space<semaphore_mem>>) src(%arg9 : memref<80x128xf32, #tpu.memory_space<vmem_shared>>) dst(%dma_wait3A_21 : memref<80x128xf32, #tpu.memory_space<hbm>>)
        tpu.yield
      }) : () -> ()
    } else {
    }
    return
  }
}

#map = affine_map<(d0, d1) -> (0, 0)>
#map1 = affine_map<(d0, d1) -> (0)>
#map2 = affine_map<(d0, d1) -> (0, 0, 0)>
module attributes {stable_mosaic.version = 14 : i64} {
  func.func @k(%arg0: i32, %arg1: i32, %arg2: memref<10000x128xf32, #tpu.memory_space<hbm>>, %arg3: memref<320000xi32, #tpu.memory_space<hbm>>, %arg4: memref<320000xi32, #tpu.memory_space<hbm>>, %arg5: memref<10000x128xf32, #tpu.memory_space<hbm>>, %arg6: memref<2x10000x128xf32, #tpu.memory_space<hbm>>, %arg7: memref<192xi32, #tpu.memory_space<vmem>>, %arg8: memref<192xi32, #tpu.memory_space<vmem>>, %arg9: memref<192xi32, #tpu.memory_space<vmem>>, %arg10: memref<192xi32, #tpu.memory_space<vmem>>, %arg11: memref<16xi32, #tpu.memory_space<vmem>>, %arg12: memref<16xi32, #tpu.memory_space<vmem>>, %arg13: memref<192x128xf32, #tpu.memory_space<vmem>>, %arg14: memref<192x128xf32, #tpu.memory_space<vmem>>, %arg15: memref<10000x128xf32, #tpu.memory_space<vmem_shared>>, %arg16: memref<!tpu.dma_semaphore, #tpu.memory_space<semaphore_mem>>, %arg17: memref<!tpu.dma_semaphore, #tpu.memory_space<semaphore_mem>>, %arg18: memref<!tpu.dma_semaphore, #tpu.memory_space<semaphore_mem>>, %arg19: memref<!tpu.dma_semaphore, #tpu.memory_space<semaphore_mem>>, %arg20: memref<!tpu.dma_semaphore, #tpu.memory_space<semaphore_mem>>, %arg21: memref<!tpu.dma_semaphore, #tpu.memory_space<semaphore_mem>>) attributes {dimension_semantics = [#tpu.dimension_semantics<core_parallel>, #tpu.dimension_semantics<subcore_parallel>], iteration_bounds = array<i64: 2, 16>, scalar_prefetch = 0 : i64, scratch_operands = 15 : i64, tpu.core_type = #tpu.core_type<sc_vector_subcore>, window_params = [{transform_indices = #map}, {transform_indices = #map1}, {transform_indices = #map1}, {transform_indices = #map}, {transform_indices = #map2}]} {
    %mul3A = arith.constant 2 : i32
    %mul3A_0 = arith.muli %arg1, %mul3A : i32
    %add3A = arith.addi %mul3A_0, %arg0 : i32
    %mul3A_1 = arith.constant 10000 : i32
    %mul3A_2 = arith.muli %add3A, %mul3A_1 : i32
    %add3A_3 = arith.constant 9984 : i32
    %add3A_4 = arith.addi %mul3A_2, %add3A_3 : i32
    "tpu.region"() ({
      %run_scoped3A = tpu.sem_alloc : memref<!tpu.dma_semaphore, #tpu.memory_space<semaphore_mem>>
      %dma_start3A_51 = tpu.memref_slice %arg3[%add3A_4] : memref<320000xi32, #tpu.memory_space<hbm>> -> memref<16xi32, #tpu.memory_space<hbm>>
      %dma_start3A_52 = tpu.memref_slice %arg3[%add3A_4] : memref<320000xi32, #tpu.memory_space<hbm>> -> memref<16xi32, #tpu.memory_space<hbm>>
      tpu.enqueue_dma source(%dma_start3A_52 : memref<16xi32, #tpu.memory_space<hbm>>) target(%arg11 : memref<16xi32, #tpu.memory_space<vmem>>) target_semaphore(%run_scoped3A : memref<!tpu.dma_semaphore, #tpu.memory_space<semaphore_mem>>)
      %dma_wait3A_53 = tpu.memref_slice %arg3[%add3A_4] : memref<320000xi32, #tpu.memory_space<hbm>> -> memref<16xi32, #tpu.memory_space<hbm>>
      %dma_wait3A_54 = tpu.memref_slice %arg3[%add3A_4] : memref<320000xi32, #tpu.memory_space<hbm>> -> memref<16xi32, #tpu.memory_space<hbm>>
      tpu.wait_dma2 semaphore(%run_scoped3A : memref<!tpu.dma_semaphore, #tpu.memory_space<semaphore_mem>>) src(%dma_wait3A_54 : memref<16xi32, #tpu.memory_space<hbm>>) dst(%arg11 : memref<16xi32, #tpu.memory_space<vmem>>)
      tpu.yield
    }) : () -> ()
    %add3A_5 = arith.constant 9984 : i32
    %add3A_6 = arith.addi %mul3A_2, %add3A_5 : i32
    "tpu.region"() ({
      %run_scoped3A = tpu.sem_alloc : memref<!tpu.dma_semaphore, #tpu.memory_space<semaphore_mem>>
      %dma_start3A_51 = tpu.memref_slice %arg4[%add3A_6] : memref<320000xi32, #tpu.memory_space<hbm>> -> memref<16xi32, #tpu.memory_space<hbm>>
      %dma_start3A_52 = tpu.memref_slice %arg4[%add3A_6] : memref<320000xi32, #tpu.memory_space<hbm>> -> memref<16xi32, #tpu.memory_space<hbm>>
      tpu.enqueue_dma source(%dma_start3A_52 : memref<16xi32, #tpu.memory_space<hbm>>) target(%arg12 : memref<16xi32, #tpu.memory_space<vmem>>) target_semaphore(%run_scoped3A : memref<!tpu.dma_semaphore, #tpu.memory_space<semaphore_mem>>)
      %dma_wait3A_53 = tpu.memref_slice %arg4[%add3A_6] : memref<320000xi32, #tpu.memory_space<hbm>> -> memref<16xi32, #tpu.memory_space<hbm>>
      %dma_wait3A_54 = tpu.memref_slice %arg4[%add3A_6] : memref<320000xi32, #tpu.memory_space<hbm>> -> memref<16xi32, #tpu.memory_space<hbm>>
      tpu.wait_dma2 semaphore(%run_scoped3A : memref<!tpu.dma_semaphore, #tpu.memory_space<semaphore_mem>>) src(%dma_wait3A_54 : memref<16xi32, #tpu.memory_space<hbm>>) dst(%arg12 : memref<16xi32, #tpu.memory_space<vmem>>)
      tpu.yield
    }) : () -> ()
    %dma_start3A = arith.constant 0 : i32
    %dma_start3A_7 = arith.constant 0 : i32
    %dma_start3A_8 = tpu.memref_slice %arg13[%dma_start3A, %dma_start3A_7] : memref<192x128xf32, #tpu.memory_space<vmem>> -> memref<16x128xf32, #tpu.memory_space<vmem>>
    %dma_start3A_9 = arith.constant 0 : i32
    %dma_start3A_10 = arith.constant 0 : i32
    %dma_start3A_11 = tpu.memref_slice %arg2[%dma_start3A_9, %dma_start3A_10] : memref<10000x128xf32, #tpu.memory_space<hbm>> -> memref<10000x128xf32, #tpu.memory_space<hbm>>
    tpu.enqueue_indirect_dma source(%dma_start3A_11 : memref<10000x128xf32, #tpu.memory_space<hbm>>) target(%dma_start3A_8 : memref<16x128xf32, #tpu.memory_space<vmem>>) offsets(%arg11 : memref<16xi32, #tpu.memory_space<vmem>>) semaphore(%arg16 : memref<!tpu.dma_semaphore, #tpu.memory_space<semaphore_mem>>)
    %mul3A_12 = arith.constant 624 : i32
    %mul3A_13 = arith.muli %arg1, %mul3A_12 : i32
    %mul3A_14 = arith.constant 624 : i32
    %mul3A_15 = arith.muli %arg1, %mul3A_14 : i32
    "tpu.region"() ({
      %run_scoped3A = tpu.sem_alloc : memref<!tpu.dma_semaphore, #tpu.memory_space<semaphore_mem>>
      %dma_start3A_51 = arith.constant 0 : i32
      %dma_start3A_52 = tpu.memref_slice %arg15[%mul3A_15, %dma_start3A_51] : memref<10000x128xf32, #tpu.memory_space<vmem_shared>> -> memref<624x128xf32, #tpu.memory_space<vmem_shared>>
      %dma_start3A_53 = arith.constant 0 : i32
      %dma_start3A_54 = tpu.memref_slice %arg5[%mul3A_13, %dma_start3A_53] : memref<10000x128xf32, #tpu.memory_space<hbm>> -> memref<624x128xf32, #tpu.memory_space<hbm>>
      tpu.enqueue_dma source(%dma_start3A_54 : memref<624x128xf32, #tpu.memory_space<hbm>>) target(%dma_start3A_52 : memref<624x128xf32, #tpu.memory_space<vmem_shared>>) target_semaphore(%run_scoped3A : memref<!tpu.dma_semaphore, #tpu.memory_space<semaphore_mem>>)
      %dma_wait3A_55 = arith.constant 0 : i32
      %dma_wait3A_56 = tpu.memref_slice %arg15[%mul3A_15, %dma_wait3A_55] : memref<10000x128xf32, #tpu.memory_space<vmem_shared>> -> memref<624x128xf32, #tpu.memory_space<vmem_shared>>
      %dma_wait3A_57 = arith.constant 0 : i32
      %dma_wait3A_58 = tpu.memref_slice %arg5[%mul3A_13, %dma_wait3A_57] : memref<10000x128xf32, #tpu.memory_space<hbm>> -> memref<624x128xf32, #tpu.memory_space<hbm>>
      tpu.wait_dma2 semaphore(%run_scoped3A : memref<!tpu.dma_semaphore, #tpu.memory_space<semaphore_mem>>) src(%dma_wait3A_58 : memref<624x128xf32, #tpu.memory_space<hbm>>) dst(%dma_wait3A_56 : memref<624x128xf32, #tpu.memory_space<vmem_shared>>)
      tpu.yield
    }) : () -> ()
    %eq3A = arith.constant 0 : i32
    %eq3A_16 = arith.cmpi eq, %arg1, %eq3A : i32
    %convert_element_type3A = arith.extui %eq3A_16 : i1 to i32
    %cond3A = arith.constant 0 : i32
    %cond3A_17 = arith.cmpi ne, %convert_element_type3A, %cond3A : i32
    scf.if %cond3A_17 {
      "tpu.region"() ({
        %run_scoped3A = tpu.sem_alloc : memref<!tpu.dma_semaphore, #tpu.memory_space<semaphore_mem>>
        %dma_start3A_51 = arith.constant 9984 : i32
        %dma_start3A_52 = arith.constant 0 : i32
        %dma_start3A_53 = tpu.memref_slice %arg15[%dma_start3A_51, %dma_start3A_52] : memref<10000x128xf32, #tpu.memory_space<vmem_shared>> -> memref<16x128xf32, #tpu.memory_space<vmem_shared>>
        %dma_start3A_54 = arith.constant 9984 : i32
        %dma_start3A_55 = arith.constant 0 : i32
        %dma_start3A_56 = tpu.memref_slice %arg5[%dma_start3A_54, %dma_start3A_55] : memref<10000x128xf32, #tpu.memory_space<hbm>> -> memref<16x128xf32, #tpu.memory_space<hbm>>
        tpu.enqueue_dma source(%dma_start3A_56 : memref<16x128xf32, #tpu.memory_space<hbm>>) target(%dma_start3A_53 : memref<16x128xf32, #tpu.memory_space<vmem_shared>>) target_semaphore(%run_scoped3A : memref<!tpu.dma_semaphore, #tpu.memory_space<semaphore_mem>>)
        %dma_wait3A_57 = arith.constant 9984 : i32
        %dma_wait3A_58 = arith.constant 0 : i32
        %dma_wait3A_59 = tpu.memref_slice %arg15[%dma_wait3A_57, %dma_wait3A_58] : memref<10000x128xf32, #tpu.memory_space<vmem_shared>> -> memref<16x128xf32, #tpu.memory_space<vmem_shared>>
        %dma_wait3A_60 = arith.constant 9984 : i32
        %dma_wait3A_61 = arith.constant 0 : i32
        %dma_wait3A_62 = tpu.memref_slice %arg5[%dma_wait3A_60, %dma_wait3A_61] : memref<10000x128xf32, #tpu.memory_space<hbm>> -> memref<16x128xf32, #tpu.memory_space<hbm>>
        tpu.wait_dma2 semaphore(%run_scoped3A : memref<!tpu.dma_semaphore, #tpu.memory_space<semaphore_mem>>) src(%dma_wait3A_62 : memref<16x128xf32, #tpu.memory_space<hbm>>) dst(%dma_wait3A_59 : memref<16x128xf32, #tpu.memory_space<vmem_shared>>)
        tpu.yield
      }) : () -> ()
    } else {
    }
    %barrier3A = arith.constant 0 : index
    tpu.barrier barrier_id(%barrier3A)
    %dma_wait3A = arith.constant 0 : i32
    %dma_wait3A_18 = arith.constant 0 : i32
    %dma_wait3A_19 = tpu.memref_slice %arg13[%dma_wait3A, %dma_wait3A_18] : memref<192x128xf32, #tpu.memory_space<vmem>> -> memref<16x128xf32, #tpu.memory_space<vmem>>
    %dma_wait3A_20 = arith.constant 0 : i32
    %dma_wait3A_21 = arith.constant 0 : i32
    %dma_wait3A_22 = tpu.memref_slice %arg2[%dma_wait3A_20, %dma_wait3A_21] : memref<10000x128xf32, #tpu.memory_space<hbm>> -> memref<10000x128xf32, #tpu.memory_space<hbm>>
    tpu.wait_indirect_dma semaphore(%arg16 : memref<!tpu.dma_semaphore, #tpu.memory_space<semaphore_mem>>) src(%dma_wait3A_22 : memref<10000x128xf32, #tpu.memory_space<hbm>>) dst(%dma_wait3A_19 : memref<16x128xf32, #tpu.memory_space<vmem>>)
    "tpu.region"() ({
      %run_scoped3A = tpu.sem_alloc : memref<!tpu.dma_semaphore, #tpu.memory_space<semaphore_mem>>
      %dma_start3A_51 = arith.constant 0 : i32
      %dma_start3A_52 = arith.constant 0 : i32
      %dma_start3A_53 = tpu.memref_slice %arg13[%dma_start3A_51, %dma_start3A_52] : memref<192x128xf32, #tpu.memory_space<vmem>> -> memref<16x128xf32, #tpu.memory_space<vmem>>
      %dma_start3A_54 = arith.constant 0 : i32
      %dma_start3A_55 = arith.constant 0 : i32
      %dma_start3A_56 = tpu.memref_slice %arg15[%dma_start3A_54, %dma_start3A_55] : memref<10000x128xf32, #tpu.memory_space<vmem_shared>> -> memref<10000x128xf32, #tpu.memory_space<vmem_shared>>
      tpu.enqueue_indirect_dma source(%dma_start3A_53 : memref<16x128xf32, #tpu.memory_space<vmem>>) target(%dma_start3A_56 : memref<10000x128xf32, #tpu.memory_space<vmem_shared>>) offsets(%arg12 : memref<16xi32, #tpu.memory_space<vmem>>) semaphore(%run_scoped3A : memref<!tpu.dma_semaphore, #tpu.memory_space<semaphore_mem>>) {add = true}
      %dma_wait3A_57 = arith.constant 0 : i32
      %dma_wait3A_58 = arith.constant 0 : i32
      %dma_wait3A_59 = tpu.memref_slice %arg13[%dma_wait3A_57, %dma_wait3A_58] : memref<192x128xf32, #tpu.memory_space<vmem>> -> memref<16x128xf32, #tpu.memory_space<vmem>>
      %dma_wait3A_60 = arith.constant 0 : i32
      %dma_wait3A_61 = arith.constant 0 : i32
      %dma_wait3A_62 = tpu.memref_slice %arg15[%dma_wait3A_60, %dma_wait3A_61] : memref<10000x128xf32, #tpu.memory_space<vmem_shared>> -> memref<10000x128xf32, #tpu.memory_space<vmem_shared>>
      tpu.wait_indirect_dma semaphore(%run_scoped3A : memref<!tpu.dma_semaphore, #tpu.memory_space<semaphore_mem>>) src(%dma_wait3A_59 : memref<16x128xf32, #tpu.memory_space<vmem>>) dst(%dma_wait3A_62 : memref<10000x128xf32, #tpu.memory_space<vmem_shared>>)
      tpu.yield
    }) : () -> ()
    "tpu.region"() ({
      %run_scoped3A = tpu.sem_alloc : memref<!tpu.dma_semaphore, #tpu.memory_space<semaphore_mem>>
      %dma_start3A_51 = tpu.memref_slice %arg3[%mul3A_2] : memref<320000xi32, #tpu.memory_space<hbm>> -> memref<192xi32, #tpu.memory_space<hbm>>
      %dma_start3A_52 = tpu.memref_slice %arg3[%mul3A_2] : memref<320000xi32, #tpu.memory_space<hbm>> -> memref<192xi32, #tpu.memory_space<hbm>>
      tpu.enqueue_dma source(%dma_start3A_52 : memref<192xi32, #tpu.memory_space<hbm>>) target(%arg7 : memref<192xi32, #tpu.memory_space<vmem>>) target_semaphore(%run_scoped3A : memref<!tpu.dma_semaphore, #tpu.memory_space<semaphore_mem>>)
      %dma_wait3A_53 = tpu.memref_slice %arg3[%mul3A_2] : memref<320000xi32, #tpu.memory_space<hbm>> -> memref<192xi32, #tpu.memory_space<hbm>>
      %dma_wait3A_54 = tpu.memref_slice %arg3[%mul3A_2] : memref<320000xi32, #tpu.memory_space<hbm>> -> memref<192xi32, #tpu.memory_space<hbm>>
      tpu.wait_dma2 semaphore(%run_scoped3A : memref<!tpu.dma_semaphore, #tpu.memory_space<semaphore_mem>>) src(%dma_wait3A_54 : memref<192xi32, #tpu.memory_space<hbm>>) dst(%arg7 : memref<192xi32, #tpu.memory_space<vmem>>)
      tpu.yield
    }) : () -> ()
    %dma_start3A_23 = arith.constant 0 : i32
    %dma_start3A_24 = arith.constant 0 : i32
    %dma_start3A_25 = tpu.memref_slice %arg2[%dma_start3A_23, %dma_start3A_24] : memref<10000x128xf32, #tpu.memory_space<hbm>> -> memref<10000x128xf32, #tpu.memory_space<hbm>>
    tpu.enqueue_indirect_dma source(%dma_start3A_25 : memref<10000x128xf32, #tpu.memory_space<hbm>>) target(%arg13 : memref<192x128xf32, #tpu.memory_space<vmem>>) offsets(%arg7 : memref<192xi32, #tpu.memory_space<vmem>>) semaphore(%arg16 : memref<!tpu.dma_semaphore, #tpu.memory_space<semaphore_mem>>)
    %dma_start3A_26 = tpu.memref_slice %arg4[%mul3A_2] : memref<320000xi32, #tpu.memory_space<hbm>> -> memref<192xi32, #tpu.memory_space<hbm>>
    %dma_start3A_27 = tpu.memref_slice %arg4[%mul3A_2] : memref<320000xi32, #tpu.memory_space<hbm>> -> memref<192xi32, #tpu.memory_space<hbm>>
    tpu.enqueue_dma source(%dma_start3A_27 : memref<192xi32, #tpu.memory_space<hbm>>) target(%arg9 : memref<192xi32, #tpu.memory_space<vmem>>) target_semaphore(%arg18 : memref<!tpu.dma_semaphore, #tpu.memory_space<semaphore_mem>>)
    %add3A_28 = arith.constant 192 : i32
    %add3A_29 = arith.addi %mul3A_2, %add3A_28 : i32
    "tpu.region"() ({
      %run_scoped3A = tpu.sem_alloc : memref<!tpu.dma_semaphore, #tpu.memory_space<semaphore_mem>>
      %dma_start3A_51 = tpu.memref_slice %arg3[%add3A_29] : memref<320000xi32, #tpu.memory_space<hbm>> -> memref<192xi32, #tpu.memory_space<hbm>>
      %dma_start3A_52 = tpu.memref_slice %arg3[%add3A_29] : memref<320000xi32, #tpu.memory_space<hbm>> -> memref<192xi32, #tpu.memory_space<hbm>>
      tpu.enqueue_dma source(%dma_start3A_52 : memref<192xi32, #tpu.memory_space<hbm>>) target(%arg8 : memref<192xi32, #tpu.memory_space<vmem>>) target_semaphore(%run_scoped3A : memref<!tpu.dma_semaphore, #tpu.memory_space<semaphore_mem>>)
      %dma_wait3A_53 = tpu.memref_slice %arg3[%add3A_29] : memref<320000xi32, #tpu.memory_space<hbm>> -> memref<192xi32, #tpu.memory_space<hbm>>
      %dma_wait3A_54 = tpu.memref_slice %arg3[%add3A_29] : memref<320000xi32, #tpu.memory_space<hbm>> -> memref<192xi32, #tpu.memory_space<hbm>>
      tpu.wait_dma2 semaphore(%run_scoped3A : memref<!tpu.dma_semaphore, #tpu.memory_space<semaphore_mem>>) src(%dma_wait3A_54 : memref<192xi32, #tpu.memory_space<hbm>>) dst(%arg8 : memref<192xi32, #tpu.memory_space<vmem>>)
      tpu.yield
    }) : () -> ()
    %dma_start3A_30 = arith.constant 0 : i32
    %dma_start3A_31 = arith.constant 0 : i32
    %dma_start3A_32 = tpu.memref_slice %arg2[%dma_start3A_30, %dma_start3A_31] : memref<10000x128xf32, #tpu.memory_space<hbm>> -> memref<10000x128xf32, #tpu.memory_space<hbm>>
    tpu.enqueue_indirect_dma source(%dma_start3A_32 : memref<10000x128xf32, #tpu.memory_space<hbm>>) target(%arg14 : memref<192x128xf32, #tpu.memory_space<vmem>>) offsets(%arg8 : memref<192xi32, #tpu.memory_space<vmem>>) semaphore(%arg17 : memref<!tpu.dma_semaphore, #tpu.memory_space<semaphore_mem>>)
    %add3A_33 = arith.constant 192 : i32
    %add3A_34 = arith.addi %mul3A_2, %add3A_33 : i32
    %dma_start3A_35 = tpu.memref_slice %arg4[%add3A_34] : memref<320000xi32, #tpu.memory_space<hbm>> -> memref<192xi32, #tpu.memory_space<hbm>>
    %dma_start3A_36 = tpu.memref_slice %arg4[%add3A_34] : memref<320000xi32, #tpu.memory_space<hbm>> -> memref<192xi32, #tpu.memory_space<hbm>>
    tpu.enqueue_dma source(%dma_start3A_36 : memref<192xi32, #tpu.memory_space<hbm>>) target(%arg10 : memref<192xi32, #tpu.memory_space<vmem>>) target_semaphore(%arg19 : memref<!tpu.dma_semaphore, #tpu.memory_space<semaphore_mem>>)
    %scan3A = arith.constant 0 : i32
    %scan3A_37 = arith.constant 26 : i32
    %scan3A_38 = arith.addi %scan3A, %scan3A_37 : i32
    %scan3A_39 = arith.constant 1 : i32
    scf.for %scan3A_51 = %scan3A to %scan3A_38 step %scan3A_39  : i32 {
      %mul3A_52 = arith.constant 2 : i32
      %mul3A_53 = arith.muli %scan3A_51, %mul3A_52 : i32
      %add3A_54 = arith.constant 0 : i32
      %add3A_55 = arith.addi %add3A_54, %mul3A_53 : i32
      %dma_wait3A_56 = arith.constant 0 : i32
      %dma_wait3A_57 = arith.constant 0 : i32
      %dma_wait3A_58 = tpu.memref_slice %arg2[%dma_wait3A_56, %dma_wait3A_57] : memref<10000x128xf32, #tpu.memory_space<hbm>> -> memref<10000x128xf32, #tpu.memory_space<hbm>>
      tpu.wait_indirect_dma semaphore(%arg16 : memref<!tpu.dma_semaphore, #tpu.memory_space<semaphore_mem>>) src(%dma_wait3A_58 : memref<10000x128xf32, #tpu.memory_space<hbm>>) dst(%arg13 : memref<192x128xf32, #tpu.memory_space<vmem>>)
      %add3A_59 = arith.constant 2 : i32
      %add3A_60 = arith.addi %add3A_55, %add3A_59 : i32
      %lt3A = arith.constant 52 : i32
      %lt3A_61 = arith.cmpi slt, %add3A_60, %lt3A : i32
      %convert_element_type3A_62 = arith.extui %lt3A_61 : i1 to i32
      %cond3A_63 = arith.constant 0 : i32
      %cond3A_64 = arith.cmpi ne, %convert_element_type3A_62, %cond3A_63 : i32
      scf.if %cond3A_64 {
        %add3A_93 = arith.constant 2 : i32
        %add3A_94 = arith.addi %add3A_55, %add3A_93 : i32
        %mul3A_95 = arith.constant 192 : i32
        %mul3A_96 = arith.muli %add3A_94, %mul3A_95 : i32
        %add3A_97 = arith.addi %mul3A_2, %mul3A_96 : i32
        %dma_start3A_98 = tpu.memref_slice %arg3[%add3A_97] : memref<320000xi32, #tpu.memory_space<hbm>> -> memref<192xi32, #tpu.memory_space<hbm>>
        %dma_start3A_99 = tpu.memref_slice %arg3[%add3A_97] : memref<320000xi32, #tpu.memory_space<hbm>> -> memref<192xi32, #tpu.memory_space<hbm>>
        tpu.enqueue_dma source(%dma_start3A_99 : memref<192xi32, #tpu.memory_space<hbm>>) target(%arg7 : memref<192xi32, #tpu.memory_space<vmem>>) target_semaphore(%arg20 : memref<!tpu.dma_semaphore, #tpu.memory_space<semaphore_mem>>)
      } else {
      }
      %dma_wait3A_65 = tpu.memref_slice %arg4[%mul3A_2] : memref<320000xi32, #tpu.memory_space<hbm>> -> memref<192xi32, #tpu.memory_space<hbm>>
      %dma_wait3A_66 = tpu.memref_slice %arg4[%mul3A_2] : memref<320000xi32, #tpu.memory_space<hbm>> -> memref<192xi32, #tpu.memory_space<hbm>>
      tpu.wait_dma2 semaphore(%arg18 : memref<!tpu.dma_semaphore, #tpu.memory_space<semaphore_mem>>) src(%dma_wait3A_66 : memref<192xi32, #tpu.memory_space<hbm>>) dst(%arg9 : memref<192xi32, #tpu.memory_space<vmem>>)
      "tpu.region"() ({
        %run_scoped3A = tpu.sem_alloc : memref<!tpu.dma_semaphore, #tpu.memory_space<semaphore_mem>>
        %dma_start3A_93 = arith.constant 0 : i32
        %dma_start3A_94 = arith.constant 0 : i32
        %dma_start3A_95 = tpu.memref_slice %arg15[%dma_start3A_93, %dma_start3A_94] : memref<10000x128xf32, #tpu.memory_space<vmem_shared>> -> memref<10000x128xf32, #tpu.memory_space<vmem_shared>>
        tpu.enqueue_indirect_dma source(%arg13 : memref<192x128xf32, #tpu.memory_space<vmem>>) target(%dma_start3A_95 : memref<10000x128xf32, #tpu.memory_space<vmem_shared>>) offsets(%arg9 : memref<192xi32, #tpu.memory_space<vmem>>) semaphore(%run_scoped3A : memref<!tpu.dma_semaphore, #tpu.memory_space<semaphore_mem>>) {add = true}
        %dma_wait3A_96 = arith.constant 0 : i32
        %dma_wait3A_97 = arith.constant 0 : i32
        %dma_wait3A_98 = tpu.memref_slice %arg15[%dma_wait3A_96, %dma_wait3A_97] : memref<10000x128xf32, #tpu.memory_space<vmem_shared>> -> memref<10000x128xf32, #tpu.memory_space<vmem_shared>>
        tpu.wait_indirect_dma semaphore(%run_scoped3A : memref<!tpu.dma_semaphore, #tpu.memory_space<semaphore_mem>>) src(%arg13 : memref<192x128xf32, #tpu.memory_space<vmem>>) dst(%dma_wait3A_98 : memref<10000x128xf32, #tpu.memory_space<vmem_shared>>)
        tpu.yield
      }) : () -> ()
      %add3A_67 = arith.constant 2 : i32
      %add3A_68 = arith.addi %add3A_55, %add3A_67 : i32
      %lt3A_69 = arith.constant 52 : i32
      %lt3A_70 = arith.cmpi slt, %add3A_68, %lt3A_69 : i32
      %convert_element_type3A_71 = arith.extui %lt3A_70 : i1 to i32
      %cond3A_72 = arith.constant 0 : i32
      %cond3A_73 = arith.cmpi ne, %convert_element_type3A_71, %cond3A_72 : i32
      scf.if %cond3A_73 {
        %dma_wait3A_93 = tpu.memref_slice %arg3[%mul3A_2] : memref<320000xi32, #tpu.memory_space<hbm>> -> memref<192xi32, #tpu.memory_space<hbm>>
        %dma_wait3A_94 = tpu.memref_slice %arg3[%mul3A_2] : memref<320000xi32, #tpu.memory_space<hbm>> -> memref<192xi32, #tpu.memory_space<hbm>>
        tpu.wait_dma2 semaphore(%arg20 : memref<!tpu.dma_semaphore, #tpu.memory_space<semaphore_mem>>) src(%dma_wait3A_94 : memref<192xi32, #tpu.memory_space<hbm>>) dst(%arg7 : memref<192xi32, #tpu.memory_space<vmem>>)
        %dma_start3A_95 = arith.constant 0 : i32
        %dma_start3A_96 = arith.constant 0 : i32
        %dma_start3A_97 = tpu.memref_slice %arg2[%dma_start3A_95, %dma_start3A_96] : memref<10000x128xf32, #tpu.memory_space<hbm>> -> memref<10000x128xf32, #tpu.memory_space<hbm>>
        tpu.enqueue_indirect_dma source(%dma_start3A_97 : memref<10000x128xf32, #tpu.memory_space<hbm>>) target(%arg13 : memref<192x128xf32, #tpu.memory_space<vmem>>) offsets(%arg7 : memref<192xi32, #tpu.memory_space<vmem>>) semaphore(%arg16 : memref<!tpu.dma_semaphore, #tpu.memory_space<semaphore_mem>>)
        %add3A_98 = arith.constant 2 : i32
        %add3A_99 = arith.addi %add3A_55, %add3A_98 : i32
        %mul3A_100 = arith.constant 192 : i32
        %mul3A_101 = arith.muli %add3A_99, %mul3A_100 : i32
        %add3A_102 = arith.addi %mul3A_2, %mul3A_101 : i32
        %dma_start3A_103 = tpu.memref_slice %arg4[%add3A_102] : memref<320000xi32, #tpu.memory_space<hbm>> -> memref<192xi32, #tpu.memory_space<hbm>>
        %dma_start3A_104 = tpu.memref_slice %arg4[%add3A_102] : memref<320000xi32, #tpu.memory_space<hbm>> -> memref<192xi32, #tpu.memory_space<hbm>>
        tpu.enqueue_dma source(%dma_start3A_104 : memref<192xi32, #tpu.memory_space<hbm>>) target(%arg9 : memref<192xi32, #tpu.memory_space<vmem>>) target_semaphore(%arg18 : memref<!tpu.dma_semaphore, #tpu.memory_space<semaphore_mem>>)
      } else {
      }
      %dma_wait3A_74 = arith.constant 0 : i32
      %dma_wait3A_75 = arith.constant 0 : i32
      %dma_wait3A_76 = tpu.memref_slice %arg2[%dma_wait3A_74, %dma_wait3A_75] : memref<10000x128xf32, #tpu.memory_space<hbm>> -> memref<10000x128xf32, #tpu.memory_space<hbm>>
      tpu.wait_indirect_dma semaphore(%arg17 : memref<!tpu.dma_semaphore, #tpu.memory_space<semaphore_mem>>) src(%dma_wait3A_76 : memref<10000x128xf32, #tpu.memory_space<hbm>>) dst(%arg14 : memref<192x128xf32, #tpu.memory_space<vmem>>)
      %add3A_77 = arith.constant 3 : i32
      %add3A_78 = arith.addi %add3A_55, %add3A_77 : i32
      %lt3A_79 = arith.constant 52 : i32
      %lt3A_80 = arith.cmpi slt, %add3A_78, %lt3A_79 : i32
      %convert_element_type3A_81 = arith.extui %lt3A_80 : i1 to i32
      %cond3A_82 = arith.constant 0 : i32
      %cond3A_83 = arith.cmpi ne, %convert_element_type3A_81, %cond3A_82 : i32
      scf.if %cond3A_83 {
        %add3A_93 = arith.constant 3 : i32
        %add3A_94 = arith.addi %add3A_55, %add3A_93 : i32
        %mul3A_95 = arith.constant 192 : i32
        %mul3A_96 = arith.muli %add3A_94, %mul3A_95 : i32
        %add3A_97 = arith.addi %mul3A_2, %mul3A_96 : i32
        %dma_start3A_98 = tpu.memref_slice %arg3[%add3A_97] : memref<320000xi32, #tpu.memory_space<hbm>> -> memref<192xi32, #tpu.memory_space<hbm>>
        %dma_start3A_99 = tpu.memref_slice %arg3[%add3A_97] : memref<320000xi32, #tpu.memory_space<hbm>> -> memref<192xi32, #tpu.memory_space<hbm>>
        tpu.enqueue_dma source(%dma_start3A_99 : memref<192xi32, #tpu.memory_space<hbm>>) target(%arg8 : memref<192xi32, #tpu.memory_space<vmem>>) target_semaphore(%arg21 : memref<!tpu.dma_semaphore, #tpu.memory_space<semaphore_mem>>)
      } else {
      }
      %dma_wait3A_84 = tpu.memref_slice %arg4[%mul3A_2] : memref<320000xi32, #tpu.memory_space<hbm>> -> memref<192xi32, #tpu.memory_space<hbm>>
      %dma_wait3A_85 = tpu.memref_slice %arg4[%mul3A_2] : memref<320000xi32, #tpu.memory_space<hbm>> -> memref<192xi32, #tpu.memory_space<hbm>>
      tpu.wait_dma2 semaphore(%arg19 : memref<!tpu.dma_semaphore, #tpu.memory_space<semaphore_mem>>) src(%dma_wait3A_85 : memref<192xi32, #tpu.memory_space<hbm>>) dst(%arg10 : memref<192xi32, #tpu.memory_space<vmem>>)
      "tpu.region"() ({
        %run_scoped3A = tpu.sem_alloc : memref<!tpu.dma_semaphore, #tpu.memory_space<semaphore_mem>>
        %dma_start3A_93 = arith.constant 0 : i32
        %dma_start3A_94 = arith.constant 0 : i32
        %dma_start3A_95 = tpu.memref_slice %arg15[%dma_start3A_93, %dma_start3A_94] : memref<10000x128xf32, #tpu.memory_space<vmem_shared>> -> memref<10000x128xf32, #tpu.memory_space<vmem_shared>>
        tpu.enqueue_indirect_dma source(%arg14 : memref<192x128xf32, #tpu.memory_space<vmem>>) target(%dma_start3A_95 : memref<10000x128xf32, #tpu.memory_space<vmem_shared>>) offsets(%arg10 : memref<192xi32, #tpu.memory_space<vmem>>) semaphore(%run_scoped3A : memref<!tpu.dma_semaphore, #tpu.memory_space<semaphore_mem>>) {add = true}
        %dma_wait3A_96 = arith.constant 0 : i32
        %dma_wait3A_97 = arith.constant 0 : i32
        %dma_wait3A_98 = tpu.memref_slice %arg15[%dma_wait3A_96, %dma_wait3A_97] : memref<10000x128xf32, #tpu.memory_space<vmem_shared>> -> memref<10000x128xf32, #tpu.memory_space<vmem_shared>>
        tpu.wait_indirect_dma semaphore(%run_scoped3A : memref<!tpu.dma_semaphore, #tpu.memory_space<semaphore_mem>>) src(%arg14 : memref<192x128xf32, #tpu.memory_space<vmem>>) dst(%dma_wait3A_98 : memref<10000x128xf32, #tpu.memory_space<vmem_shared>>)
        tpu.yield
      }) : () -> ()
      %add3A_86 = arith.constant 3 : i32
      %add3A_87 = arith.addi %add3A_55, %add3A_86 : i32
      %lt3A_88 = arith.constant 52 : i32
      %lt3A_89 = arith.cmpi slt, %add3A_87, %lt3A_88 : i32
      %convert_element_type3A_90 = arith.extui %lt3A_89 : i1 to i32
      %cond3A_91 = arith.constant 0 : i32
      %cond3A_92 = arith.cmpi ne, %convert_element_type3A_90, %cond3A_91 : i32
      scf.if %cond3A_92 {
        %dma_wait3A_93 = tpu.memref_slice %arg3[%mul3A_2] : memref<320000xi32, #tpu.memory_space<hbm>> -> memref<192xi32, #tpu.memory_space<hbm>>
        %dma_wait3A_94 = tpu.memref_slice %arg3[%mul3A_2] : memref<320000xi32, #tpu.memory_space<hbm>> -> memref<192xi32, #tpu.memory_space<hbm>>
        tpu.wait_dma2 semaphore(%arg21 : memref<!tpu.dma_semaphore, #tpu.memory_space<semaphore_mem>>) src(%dma_wait3A_94 : memref<192xi32, #tpu.memory_space<hbm>>) dst(%arg8 : memref<192xi32, #tpu.memory_space<vmem>>)
        %dma_start3A_95 = arith.constant 0 : i32
        %dma_start3A_96 = arith.constant 0 : i32
        %dma_start3A_97 = tpu.memref_slice %arg2[%dma_start3A_95, %dma_start3A_96] : memref<10000x128xf32, #tpu.memory_space<hbm>> -> memref<10000x128xf32, #tpu.memory_space<hbm>>
        tpu.enqueue_indirect_dma source(%dma_start3A_97 : memref<10000x128xf32, #tpu.memory_space<hbm>>) target(%arg14 : memref<192x128xf32, #tpu.memory_space<vmem>>) offsets(%arg8 : memref<192xi32, #tpu.memory_space<vmem>>) semaphore(%arg17 : memref<!tpu.dma_semaphore, #tpu.memory_space<semaphore_mem>>)
        %add3A_98 = arith.constant 3 : i32
        %add3A_99 = arith.addi %add3A_55, %add3A_98 : i32
        %mul3A_100 = arith.constant 192 : i32
        %mul3A_101 = arith.muli %add3A_99, %mul3A_100 : i32
        %add3A_102 = arith.addi %mul3A_2, %mul3A_101 : i32
        %dma_start3A_103 = tpu.memref_slice %arg4[%add3A_102] : memref<320000xi32, #tpu.memory_space<hbm>> -> memref<192xi32, #tpu.memory_space<hbm>>
        %dma_start3A_104 = tpu.memref_slice %arg4[%add3A_102] : memref<320000xi32, #tpu.memory_space<hbm>> -> memref<192xi32, #tpu.memory_space<hbm>>
        tpu.enqueue_dma source(%dma_start3A_104 : memref<192xi32, #tpu.memory_space<hbm>>) target(%arg10 : memref<192xi32, #tpu.memory_space<vmem>>) target_semaphore(%arg19 : memref<!tpu.dma_semaphore, #tpu.memory_space<semaphore_mem>>)
      } else {
      }
    }
    %scan3A_40 = arith.constant 26 : i32
    %barrier3A_41 = arith.constant 0 : index
    tpu.barrier barrier_id(%barrier3A_41)
    %mul3A_42 = arith.constant 624 : i32
    %mul3A_43 = arith.muli %arg1, %mul3A_42 : i32
    %mul3A_44 = arith.constant 624 : i32
    %mul3A_45 = arith.muli %arg1, %mul3A_44 : i32
    "tpu.region"() ({
      %run_scoped3A = tpu.sem_alloc : memref<!tpu.dma_semaphore, #tpu.memory_space<semaphore_mem>>
      %dma_start3A_51 = arith.constant 0 : i32
      %dma_start3A_52 = arith.constant 0 : i32
      %dma_start3A_53 = tpu.memref_slice %arg6[%arg0, %dma_start3A_51, %dma_start3A_52] : memref<2x10000x128xf32, #tpu.memory_space<hbm>> -> memref<1x10000x128xf32, #tpu.memory_space<hbm>>
      %dma_start3A_54 = tpu.memref_squeeze %dma_start3A_53 : memref<1x10000x128xf32, #tpu.memory_space<hbm>> -> memref<10000x128xf32, #tpu.memory_space<hbm>>
      %dma_start3A_55 = arith.constant 0 : i32
      %dma_start3A_56 = tpu.memref_slice %dma_start3A_54[%mul3A_45, %dma_start3A_55] : memref<10000x128xf32, #tpu.memory_space<hbm>> -> memref<624x128xf32, #tpu.memory_space<hbm>>
      %dma_start3A_57 = arith.constant 0 : i32
      %dma_start3A_58 = tpu.memref_slice %arg15[%mul3A_43, %dma_start3A_57] : memref<10000x128xf32, #tpu.memory_space<vmem_shared>> -> memref<624x128xf32, #tpu.memory_space<vmem_shared>>
      tpu.enqueue_dma source(%dma_start3A_58 : memref<624x128xf32, #tpu.memory_space<vmem_shared>>) target(%dma_start3A_56 : memref<624x128xf32, #tpu.memory_space<hbm>>) target_semaphore(%run_scoped3A : memref<!tpu.dma_semaphore, #tpu.memory_space<semaphore_mem>>)
      %dma_wait3A_59 = arith.constant 0 : i32
      %dma_wait3A_60 = arith.constant 0 : i32
      %dma_wait3A_61 = tpu.memref_slice %arg6[%arg0, %dma_wait3A_59, %dma_wait3A_60] : memref<2x10000x128xf32, #tpu.memory_space<hbm>> -> memref<1x10000x128xf32, #tpu.memory_space<hbm>>
      %dma_wait3A_62 = tpu.memref_squeeze %dma_wait3A_61 : memref<1x10000x128xf32, #tpu.memory_space<hbm>> -> memref<10000x128xf32, #tpu.memory_space<hbm>>
      %dma_wait3A_63 = arith.constant 0 : i32
      %dma_wait3A_64 = tpu.memref_slice %dma_wait3A_62[%mul3A_45, %dma_wait3A_63] : memref<10000x128xf32, #tpu.memory_space<hbm>> -> memref<624x128xf32, #tpu.memory_space<hbm>>
      %dma_wait3A_65 = arith.constant 0 : i32
      %dma_wait3A_66 = tpu.memref_slice %arg15[%mul3A_43, %dma_wait3A_65] : memref<10000x128xf32, #tpu.memory_space<vmem_shared>> -> memref<624x128xf32, #tpu.memory_space<vmem_shared>>
      tpu.wait_dma2 semaphore(%run_scoped3A : memref<!tpu.dma_semaphore, #tpu.memory_space<semaphore_mem>>) src(%dma_wait3A_66 : memref<624x128xf32, #tpu.memory_space<vmem_shared>>) dst(%dma_wait3A_64 : memref<624x128xf32, #tpu.memory_space<hbm>>)
      tpu.yield
    }) : () -> ()
    %eq3A_46 = arith.constant 0 : i32
    %eq3A_47 = arith.cmpi eq, %arg1, %eq3A_46 : i32
    %convert_element_type3A_48 = arith.extui %eq3A_47 : i1 to i32
    %cond3A_49 = arith.constant 0 : i32
    %cond3A_50 = arith.cmpi ne, %convert_element_type3A_48, %cond3A_49 : i32
    scf.if %cond3A_50 {
      "tpu.region"() ({
        %run_scoped3A = tpu.sem_alloc : memref<!tpu.dma_semaphore, #tpu.memory_space<semaphore_mem>>
        %dma_start3A_51 = arith.constant 0 : i32
        %dma_start3A_52 = arith.constant 0 : i32
        %dma_start3A_53 = tpu.memref_slice %arg6[%arg0, %dma_start3A_51, %dma_start3A_52] : memref<2x10000x128xf32, #tpu.memory_space<hbm>> -> memref<1x10000x128xf32, #tpu.memory_space<hbm>>
        %dma_start3A_54 = tpu.memref_squeeze %dma_start3A_53 : memref<1x10000x128xf32, #tpu.memory_space<hbm>> -> memref<10000x128xf32, #tpu.memory_space<hbm>>
        %dma_start3A_55 = arith.constant 9984 : i32
        %dma_start3A_56 = arith.constant 0 : i32
        %dma_start3A_57 = tpu.memref_slice %dma_start3A_54[%dma_start3A_55, %dma_start3A_56] : memref<10000x128xf32, #tpu.memory_space<hbm>> -> memref<16x128xf32, #tpu.memory_space<hbm>>
        %dma_start3A_58 = arith.constant 9984 : i32
        %dma_start3A_59 = arith.constant 0 : i32
        %dma_start3A_60 = tpu.memref_slice %arg15[%dma_start3A_58, %dma_start3A_59] : memref<10000x128xf32, #tpu.memory_space<vmem_shared>> -> memref<16x128xf32, #tpu.memory_space<vmem_shared>>
        tpu.enqueue_dma source(%dma_start3A_60 : memref<16x128xf32, #tpu.memory_space<vmem_shared>>) target(%dma_start3A_57 : memref<16x128xf32, #tpu.memory_space<hbm>>) target_semaphore(%run_scoped3A : memref<!tpu.dma_semaphore, #tpu.memory_space<semaphore_mem>>)
        %dma_wait3A_61 = arith.constant 0 : i32
        %dma_wait3A_62 = arith.constant 0 : i32
        %dma_wait3A_63 = tpu.memref_slice %arg6[%arg0, %dma_wait3A_61, %dma_wait3A_62] : memref<2x10000x128xf32, #tpu.memory_space<hbm>> -> memref<1x10000x128xf32, #tpu.memory_space<hbm>>
        %dma_wait3A_64 = tpu.memref_squeeze %dma_wait3A_63 : memref<1x10000x128xf32, #tpu.memory_space<hbm>> -> memref<10000x128xf32, #tpu.memory_space<hbm>>
        %dma_wait3A_65 = arith.constant 9984 : i32
        %dma_wait3A_66 = arith.constant 0 : i32
        %dma_wait3A_67 = tpu.memref_slice %dma_wait3A_64[%dma_wait3A_65, %dma_wait3A_66] : memref<10000x128xf32, #tpu.memory_space<hbm>> -> memref<16x128xf32, #tpu.memory_space<hbm>>
        %dma_wait3A_68 = arith.constant 9984 : i32
        %dma_wait3A_69 = arith.constant 0 : i32
        %dma_wait3A_70 = tpu.memref_slice %arg15[%dma_wait3A_68, %dma_wait3A_69] : memref<10000x128xf32, #tpu.memory_space<vmem_shared>> -> memref<16x128xf32, #tpu.memory_space<vmem_shared>>
        tpu.wait_dma2 semaphore(%run_scoped3A : memref<!tpu.dma_semaphore, #tpu.memory_space<semaphore_mem>>) src(%dma_wait3A_70 : memref<16x128xf32, #tpu.memory_space<vmem_shared>>) dst(%dma_wait3A_67 : memref<16x128xf32, #tpu.memory_space<hbm>>)
        tpu.yield
      }) : () -> ()
    } else {
    }
    return
  }
}

#map = affine_map<(d0, d1) -> (0, 0)>
#map1 = affine_map<(d0, d1) -> (0)>
#map2 = affine_map<(d0, d1) -> (0, 0, 0)>
module attributes {stable_mosaic.version = 14 : i64} {
  func.func @k(%arg0: i32, %arg1: i32, %arg2: memref<10000x128xf32, #tpu.memory_space<hbm>>, %arg3: memref<320000xi32, #tpu.memory_space<hbm>>, %arg4: memref<320000xi32, #tpu.memory_space<hbm>>, %arg5: memref<10000x128xf32, #tpu.memory_space<hbm>>, %arg6: memref<2x10000x128xf32, #tpu.memory_space<hbm>>, %arg7: memref<192xi32, #tpu.memory_space<vmem>>, %arg8: memref<192xi32, #tpu.memory_space<vmem>>, %arg9: memref<192xi32, #tpu.memory_space<vmem>>, %arg10: memref<192xi32, #tpu.memory_space<vmem>>, %arg11: memref<16xi32, #tpu.memory_space<vmem>>, %arg12: memref<16xi32, #tpu.memory_space<vmem>>, %arg13: memref<192x128xf32, #tpu.memory_space<vmem>>, %arg14: memref<192x128xf32, #tpu.memory_space<vmem>>, %arg15: memref<10000x128xf32, #tpu.memory_space<vmem_shared>>, %arg16: memref<!tpu.dma_semaphore, #tpu.memory_space<semaphore_mem>>, %arg17: memref<!tpu.dma_semaphore, #tpu.memory_space<semaphore_mem>>, %arg18: memref<!tpu.dma_semaphore, #tpu.memory_space<semaphore_mem>>, %arg19: memref<!tpu.dma_semaphore, #tpu.memory_space<semaphore_mem>>, %arg20: memref<!tpu.dma_semaphore, #tpu.memory_space<semaphore_mem>>, %arg21: memref<!tpu.dma_semaphore, #tpu.memory_space<semaphore_mem>>) attributes {dimension_semantics = [#tpu.dimension_semantics<core_parallel>, #tpu.dimension_semantics<subcore_parallel>], iteration_bounds = array<i64: 2, 16>, scalar_prefetch = 0 : i64, scratch_operands = 15 : i64, tpu.core_type = #tpu.core_type<sc_vector_subcore>, window_params = [{transform_indices = #map}, {transform_indices = #map1}, {transform_indices = #map1}, {transform_indices = #map}, {transform_indices = #map2}]} {
    %mul3A = arith.constant 2 : i32
    %mul3A_0 = arith.muli %arg1, %mul3A : i32
    %add3A = arith.addi %mul3A_0, %arg0 : i32
    %mul3A_1 = arith.constant 10000 : i32
    %mul3A_2 = arith.muli %add3A, %mul3A_1 : i32
    %add3A_3 = arith.constant 9984 : i32
    %add3A_4 = arith.addi %mul3A_2, %add3A_3 : i32
    "tpu.region"() ({
      %run_scoped3A = tpu.sem_alloc : memref<!tpu.dma_semaphore, #tpu.memory_space<semaphore_mem>>
      %dma_start3A_51 = tpu.memref_slice %arg3[%add3A_4] : memref<320000xi32, #tpu.memory_space<hbm>> -> memref<16xi32, #tpu.memory_space<hbm>>
      %dma_start3A_52 = tpu.memref_slice %arg3[%add3A_4] : memref<320000xi32, #tpu.memory_space<hbm>> -> memref<16xi32, #tpu.memory_space<hbm>>
      tpu.enqueue_dma source(%dma_start3A_52 : memref<16xi32, #tpu.memory_space<hbm>>) target(%arg11 : memref<16xi32, #tpu.memory_space<vmem>>) target_semaphore(%run_scoped3A : memref<!tpu.dma_semaphore, #tpu.memory_space<semaphore_mem>>)
      %dma_wait3A_53 = tpu.memref_slice %arg3[%add3A_4] : memref<320000xi32, #tpu.memory_space<hbm>> -> memref<16xi32, #tpu.memory_space<hbm>>
      %dma_wait3A_54 = tpu.memref_slice %arg3[%add3A_4] : memref<320000xi32, #tpu.memory_space<hbm>> -> memref<16xi32, #tpu.memory_space<hbm>>
      tpu.wait_dma2 semaphore(%run_scoped3A : memref<!tpu.dma_semaphore, #tpu.memory_space<semaphore_mem>>) src(%dma_wait3A_54 : memref<16xi32, #tpu.memory_space<hbm>>) dst(%arg11 : memref<16xi32, #tpu.memory_space<vmem>>)
      tpu.yield
    }) : () -> ()
    %add3A_5 = arith.constant 9984 : i32
    %add3A_6 = arith.addi %mul3A_2, %add3A_5 : i32
    "tpu.region"() ({
      %run_scoped3A = tpu.sem_alloc : memref<!tpu.dma_semaphore, #tpu.memory_space<semaphore_mem>>
      %dma_start3A_51 = tpu.memref_slice %arg4[%add3A_6] : memref<320000xi32, #tpu.memory_space<hbm>> -> memref<16xi32, #tpu.memory_space<hbm>>
      %dma_start3A_52 = tpu.memref_slice %arg4[%add3A_6] : memref<320000xi32, #tpu.memory_space<hbm>> -> memref<16xi32, #tpu.memory_space<hbm>>
      tpu.enqueue_dma source(%dma_start3A_52 : memref<16xi32, #tpu.memory_space<hbm>>) target(%arg12 : memref<16xi32, #tpu.memory_space<vmem>>) target_semaphore(%run_scoped3A : memref<!tpu.dma_semaphore, #tpu.memory_space<semaphore_mem>>)
      %dma_wait3A_53 = tpu.memref_slice %arg4[%add3A_6] : memref<320000xi32, #tpu.memory_space<hbm>> -> memref<16xi32, #tpu.memory_space<hbm>>
      %dma_wait3A_54 = tpu.memref_slice %arg4[%add3A_6] : memref<320000xi32, #tpu.memory_space<hbm>> -> memref<16xi32, #tpu.memory_space<hbm>>
      tpu.wait_dma2 semaphore(%run_scoped3A : memref<!tpu.dma_semaphore, #tpu.memory_space<semaphore_mem>>) src(%dma_wait3A_54 : memref<16xi32, #tpu.memory_space<hbm>>) dst(%arg12 : memref<16xi32, #tpu.memory_space<vmem>>)
      tpu.yield
    }) : () -> ()
    %dma_start3A = arith.constant 0 : i32
    %dma_start3A_7 = arith.constant 0 : i32
    %dma_start3A_8 = tpu.memref_slice %arg13[%dma_start3A, %dma_start3A_7] : memref<192x128xf32, #tpu.memory_space<vmem>> -> memref<16x128xf32, #tpu.memory_space<vmem>>
    %dma_start3A_9 = arith.constant 0 : i32
    %dma_start3A_10 = arith.constant 0 : i32
    %dma_start3A_11 = tpu.memref_slice %arg2[%dma_start3A_9, %dma_start3A_10] : memref<10000x128xf32, #tpu.memory_space<hbm>> -> memref<10000x128xf32, #tpu.memory_space<hbm>>
    tpu.enqueue_indirect_dma source(%dma_start3A_11 : memref<10000x128xf32, #tpu.memory_space<hbm>>) target(%dma_start3A_8 : memref<16x128xf32, #tpu.memory_space<vmem>>) offsets(%arg11 : memref<16xi32, #tpu.memory_space<vmem>>) semaphore(%arg16 : memref<!tpu.dma_semaphore, #tpu.memory_space<semaphore_mem>>)
    %mul3A_12 = arith.constant 624 : i32
    %mul3A_13 = arith.muli %arg1, %mul3A_12 : i32
    %mul3A_14 = arith.constant 624 : i32
    %mul3A_15 = arith.muli %arg1, %mul3A_14 : i32
    "tpu.region"() ({
      %run_scoped3A = tpu.sem_alloc : memref<!tpu.dma_semaphore, #tpu.memory_space<semaphore_mem>>
      %dma_start3A_51 = arith.constant 0 : i32
      %dma_start3A_52 = tpu.memref_slice %arg15[%mul3A_15, %dma_start3A_51] : memref<10000x128xf32, #tpu.memory_space<vmem_shared>> -> memref<624x128xf32, #tpu.memory_space<vmem_shared>>
      %dma_start3A_53 = arith.constant 0 : i32
      %dma_start3A_54 = tpu.memref_slice %arg5[%mul3A_13, %dma_start3A_53] : memref<10000x128xf32, #tpu.memory_space<hbm>> -> memref<624x128xf32, #tpu.memory_space<hbm>>
      tpu.enqueue_dma source(%dma_start3A_54 : memref<624x128xf32, #tpu.memory_space<hbm>>) target(%dma_start3A_52 : memref<624x128xf32, #tpu.memory_space<vmem_shared>>) target_semaphore(%run_scoped3A : memref<!tpu.dma_semaphore, #tpu.memory_space<semaphore_mem>>)
      %dma_wait3A_55 = arith.constant 0 : i32
      %dma_wait3A_56 = tpu.memref_slice %arg15[%mul3A_15, %dma_wait3A_55] : memref<10000x128xf32, #tpu.memory_space<vmem_shared>> -> memref<624x128xf32, #tpu.memory_space<vmem_shared>>
      %dma_wait3A_57 = arith.constant 0 : i32
      %dma_wait3A_58 = tpu.memref_slice %arg5[%mul3A_13, %dma_wait3A_57] : memref<10000x128xf32, #tpu.memory_space<hbm>> -> memref<624x128xf32, #tpu.memory_space<hbm>>
      tpu.wait_dma2 semaphore(%run_scoped3A : memref<!tpu.dma_semaphore, #tpu.memory_space<semaphore_mem>>) src(%dma_wait3A_58 : memref<624x128xf32, #tpu.memory_space<hbm>>) dst(%dma_wait3A_56 : memref<624x128xf32, #tpu.memory_space<vmem_shared>>)
      tpu.yield
    }) : () -> ()
    %eq3A = arith.constant 0 : i32
    %eq3A_16 = arith.cmpi eq, %arg1, %eq3A : i32
    %convert_element_type3A = arith.extui %eq3A_16 : i1 to i32
    %cond3A = arith.constant 0 : i32
    %cond3A_17 = arith.cmpi ne, %convert_element_type3A, %cond3A : i32
    scf.if %cond3A_17 {
      "tpu.region"() ({
        %run_scoped3A = tpu.sem_alloc : memref<!tpu.dma_semaphore, #tpu.memory_space<semaphore_mem>>
        %dma_start3A_51 = arith.constant 9984 : i32
        %dma_start3A_52 = arith.constant 0 : i32
        %dma_start3A_53 = tpu.memref_slice %arg15[%dma_start3A_51, %dma_start3A_52] : memref<10000x128xf32, #tpu.memory_space<vmem_shared>> -> memref<16x128xf32, #tpu.memory_space<vmem_shared>>
        %dma_start3A_54 = arith.constant 9984 : i32
        %dma_start3A_55 = arith.constant 0 : i32
        %dma_start3A_56 = tpu.memref_slice %arg5[%dma_start3A_54, %dma_start3A_55] : memref<10000x128xf32, #tpu.memory_space<hbm>> -> memref<16x128xf32, #tpu.memory_space<hbm>>
        tpu.enqueue_dma source(%dma_start3A_56 : memref<16x128xf32, #tpu.memory_space<hbm>>) target(%dma_start3A_53 : memref<16x128xf32, #tpu.memory_space<vmem_shared>>) target_semaphore(%run_scoped3A : memref<!tpu.dma_semaphore, #tpu.memory_space<semaphore_mem>>)
        %dma_wait3A_57 = arith.constant 9984 : i32
        %dma_wait3A_58 = arith.constant 0 : i32
        %dma_wait3A_59 = tpu.memref_slice %arg15[%dma_wait3A_57, %dma_wait3A_58] : memref<10000x128xf32, #tpu.memory_space<vmem_shared>> -> memref<16x128xf32, #tpu.memory_space<vmem_shared>>
        %dma_wait3A_60 = arith.constant 9984 : i32
        %dma_wait3A_61 = arith.constant 0 : i32
        %dma_wait3A_62 = tpu.memref_slice %arg5[%dma_wait3A_60, %dma_wait3A_61] : memref<10000x128xf32, #tpu.memory_space<hbm>> -> memref<16x128xf32, #tpu.memory_space<hbm>>
        tpu.wait_dma2 semaphore(%run_scoped3A : memref<!tpu.dma_semaphore, #tpu.memory_space<semaphore_mem>>) src(%dma_wait3A_62 : memref<16x128xf32, #tpu.memory_space<hbm>>) dst(%dma_wait3A_59 : memref<16x128xf32, #tpu.memory_space<vmem_shared>>)
        tpu.yield
      }) : () -> ()
    } else {
    }
    %barrier3A = arith.constant 0 : index
    tpu.barrier barrier_id(%barrier3A)
    %dma_wait3A = arith.constant 0 : i32
    %dma_wait3A_18 = arith.constant 0 : i32
    %dma_wait3A_19 = tpu.memref_slice %arg13[%dma_wait3A, %dma_wait3A_18] : memref<192x128xf32, #tpu.memory_space<vmem>> -> memref<16x128xf32, #tpu.memory_space<vmem>>
    %dma_wait3A_20 = arith.constant 0 : i32
    %dma_wait3A_21 = arith.constant 0 : i32
    %dma_wait3A_22 = tpu.memref_slice %arg2[%dma_wait3A_20, %dma_wait3A_21] : memref<10000x128xf32, #tpu.memory_space<hbm>> -> memref<10000x128xf32, #tpu.memory_space<hbm>>
    tpu.wait_indirect_dma semaphore(%arg16 : memref<!tpu.dma_semaphore, #tpu.memory_space<semaphore_mem>>) src(%dma_wait3A_22 : memref<10000x128xf32, #tpu.memory_space<hbm>>) dst(%dma_wait3A_19 : memref<16x128xf32, #tpu.memory_space<vmem>>)
    "tpu.region"() ({
      %run_scoped3A = tpu.sem_alloc : memref<!tpu.dma_semaphore, #tpu.memory_space<semaphore_mem>>
      %dma_start3A_51 = arith.constant 0 : i32
      %dma_start3A_52 = arith.constant 0 : i32
      %dma_start3A_53 = tpu.memref_slice %arg13[%dma_start3A_51, %dma_start3A_52] : memref<192x128xf32, #tpu.memory_space<vmem>> -> memref<16x128xf32, #tpu.memory_space<vmem>>
      %dma_start3A_54 = arith.constant 0 : i32
      %dma_start3A_55 = arith.constant 0 : i32
      %dma_start3A_56 = tpu.memref_slice %arg15[%dma_start3A_54, %dma_start3A_55] : memref<10000x128xf32, #tpu.memory_space<vmem_shared>> -> memref<10000x128xf32, #tpu.memory_space<vmem_shared>>
      tpu.enqueue_indirect_dma source(%dma_start3A_53 : memref<16x128xf32, #tpu.memory_space<vmem>>) target(%dma_start3A_56 : memref<10000x128xf32, #tpu.memory_space<vmem_shared>>) offsets(%arg12 : memref<16xi32, #tpu.memory_space<vmem>>) semaphore(%run_scoped3A : memref<!tpu.dma_semaphore, #tpu.memory_space<semaphore_mem>>) {add = true}
      %dma_wait3A_57 = arith.constant 0 : i32
      %dma_wait3A_58 = arith.constant 0 : i32
      %dma_wait3A_59 = tpu.memref_slice %arg13[%dma_wait3A_57, %dma_wait3A_58] : memref<192x128xf32, #tpu.memory_space<vmem>> -> memref<16x128xf32, #tpu.memory_space<vmem>>
      %dma_wait3A_60 = arith.constant 0 : i32
      %dma_wait3A_61 = arith.constant 0 : i32
      %dma_wait3A_62 = tpu.memref_slice %arg15[%dma_wait3A_60, %dma_wait3A_61] : memref<10000x128xf32, #tpu.memory_space<vmem_shared>> -> memref<10000x128xf32, #tpu.memory_space<vmem_shared>>
      tpu.wait_indirect_dma semaphore(%run_scoped3A : memref<!tpu.dma_semaphore, #tpu.memory_space<semaphore_mem>>) src(%dma_wait3A_59 : memref<16x128xf32, #tpu.memory_space<vmem>>) dst(%dma_wait3A_62 : memref<10000x128xf32, #tpu.memory_space<vmem_shared>>)
      tpu.yield
    }) : () -> ()
    "tpu.region"() ({
      %run_scoped3A = tpu.sem_alloc : memref<!tpu.dma_semaphore, #tpu.memory_space<semaphore_mem>>
      %dma_start3A_51 = tpu.memref_slice %arg3[%mul3A_2] : memref<320000xi32, #tpu.memory_space<hbm>> -> memref<192xi32, #tpu.memory_space<hbm>>
      %dma_start3A_52 = tpu.memref_slice %arg3[%mul3A_2] : memref<320000xi32, #tpu.memory_space<hbm>> -> memref<192xi32, #tpu.memory_space<hbm>>
      tpu.enqueue_dma source(%dma_start3A_52 : memref<192xi32, #tpu.memory_space<hbm>>) target(%arg7 : memref<192xi32, #tpu.memory_space<vmem>>) target_semaphore(%run_scoped3A : memref<!tpu.dma_semaphore, #tpu.memory_space<semaphore_mem>>)
      %dma_wait3A_53 = tpu.memref_slice %arg3[%mul3A_2] : memref<320000xi32, #tpu.memory_space<hbm>> -> memref<192xi32, #tpu.memory_space<hbm>>
      %dma_wait3A_54 = tpu.memref_slice %arg3[%mul3A_2] : memref<320000xi32, #tpu.memory_space<hbm>> -> memref<192xi32, #tpu.memory_space<hbm>>
      tpu.wait_dma2 semaphore(%run_scoped3A : memref<!tpu.dma_semaphore, #tpu.memory_space<semaphore_mem>>) src(%dma_wait3A_54 : memref<192xi32, #tpu.memory_space<hbm>>) dst(%arg7 : memref<192xi32, #tpu.memory_space<vmem>>)
      tpu.yield
    }) : () -> ()
    %dma_start3A_23 = arith.constant 0 : i32
    %dma_start3A_24 = arith.constant 0 : i32
    %dma_start3A_25 = tpu.memref_slice %arg2[%dma_start3A_23, %dma_start3A_24] : memref<10000x128xf32, #tpu.memory_space<hbm>> -> memref<10000x128xf32, #tpu.memory_space<hbm>>
    tpu.enqueue_indirect_dma source(%dma_start3A_25 : memref<10000x128xf32, #tpu.memory_space<hbm>>) target(%arg13 : memref<192x128xf32, #tpu.memory_space<vmem>>) offsets(%arg7 : memref<192xi32, #tpu.memory_space<vmem>>) semaphore(%arg16 : memref<!tpu.dma_semaphore, #tpu.memory_space<semaphore_mem>>)
    %dma_start3A_26 = tpu.memref_slice %arg4[%mul3A_2] : memref<320000xi32, #tpu.memory_space<hbm>> -> memref<192xi32, #tpu.memory_space<hbm>>
    %dma_start3A_27 = tpu.memref_slice %arg4[%mul3A_2] : memref<320000xi32, #tpu.memory_space<hbm>> -> memref<192xi32, #tpu.memory_space<hbm>>
    tpu.enqueue_dma source(%dma_start3A_27 : memref<192xi32, #tpu.memory_space<hbm>>) target(%arg9 : memref<192xi32, #tpu.memory_space<vmem>>) target_semaphore(%arg18 : memref<!tpu.dma_semaphore, #tpu.memory_space<semaphore_mem>>)
    %add3A_28 = arith.constant 192 : i32
    %add3A_29 = arith.addi %mul3A_2, %add3A_28 : i32
    "tpu.region"() ({
      %run_scoped3A = tpu.sem_alloc : memref<!tpu.dma_semaphore, #tpu.memory_space<semaphore_mem>>
      %dma_start3A_51 = tpu.memref_slice %arg3[%add3A_29] : memref<320000xi32, #tpu.memory_space<hbm>> -> memref<192xi32, #tpu.memory_space<hbm>>
      %dma_start3A_52 = tpu.memref_slice %arg3[%add3A_29] : memref<320000xi32, #tpu.memory_space<hbm>> -> memref<192xi32, #tpu.memory_space<hbm>>
      tpu.enqueue_dma source(%dma_start3A_52 : memref<192xi32, #tpu.memory_space<hbm>>) target(%arg8 : memref<192xi32, #tpu.memory_space<vmem>>) target_semaphore(%run_scoped3A : memref<!tpu.dma_semaphore, #tpu.memory_space<semaphore_mem>>)
      %dma_wait3A_53 = tpu.memref_slice %arg3[%add3A_29] : memref<320000xi32, #tpu.memory_space<hbm>> -> memref<192xi32, #tpu.memory_space<hbm>>
      %dma_wait3A_54 = tpu.memref_slice %arg3[%add3A_29] : memref<320000xi32, #tpu.memory_space<hbm>> -> memref<192xi32, #tpu.memory_space<hbm>>
      tpu.wait_dma2 semaphore(%run_scoped3A : memref<!tpu.dma_semaphore, #tpu.memory_space<semaphore_mem>>) src(%dma_wait3A_54 : memref<192xi32, #tpu.memory_space<hbm>>) dst(%arg8 : memref<192xi32, #tpu.memory_space<vmem>>)
      tpu.yield
    }) : () -> ()
    %dma_start3A_30 = arith.constant 0 : i32
    %dma_start3A_31 = arith.constant 0 : i32
    %dma_start3A_32 = tpu.memref_slice %arg2[%dma_start3A_30, %dma_start3A_31] : memref<10000x128xf32, #tpu.memory_space<hbm>> -> memref<10000x128xf32, #tpu.memory_space<hbm>>
    tpu.enqueue_indirect_dma source(%dma_start3A_32 : memref<10000x128xf32, #tpu.memory_space<hbm>>) target(%arg14 : memref<192x128xf32, #tpu.memory_space<vmem>>) offsets(%arg8 : memref<192xi32, #tpu.memory_space<vmem>>) semaphore(%arg17 : memref<!tpu.dma_semaphore, #tpu.memory_space<semaphore_mem>>)
    %add3A_33 = arith.constant 192 : i32
    %add3A_34 = arith.addi %mul3A_2, %add3A_33 : i32
    %dma_start3A_35 = tpu.memref_slice %arg4[%add3A_34] : memref<320000xi32, #tpu.memory_space<hbm>> -> memref<192xi32, #tpu.memory_space<hbm>>
    %dma_start3A_36 = tpu.memref_slice %arg4[%add3A_34] : memref<320000xi32, #tpu.memory_space<hbm>> -> memref<192xi32, #tpu.memory_space<hbm>>
    tpu.enqueue_dma source(%dma_start3A_36 : memref<192xi32, #tpu.memory_space<hbm>>) target(%arg10 : memref<192xi32, #tpu.memory_space<vmem>>) target_semaphore(%arg19 : memref<!tpu.dma_semaphore, #tpu.memory_space<semaphore_mem>>)
    %scan3A = arith.constant 0 : i32
    %scan3A_37 = arith.constant 26 : i32
    %scan3A_38 = arith.addi %scan3A, %scan3A_37 : i32
    %scan3A_39 = arith.constant 1 : i32
    scf.for %scan3A_51 = %scan3A to %scan3A_38 step %scan3A_39  : i32 {
      %mul3A_52 = arith.constant 2 : i32
      %mul3A_53 = arith.muli %scan3A_51, %mul3A_52 : i32
      %add3A_54 = arith.constant 0 : i32
      %add3A_55 = arith.addi %add3A_54, %mul3A_53 : i32
      %dma_wait3A_56 = arith.constant 0 : i32
      %dma_wait3A_57 = arith.constant 0 : i32
      %dma_wait3A_58 = tpu.memref_slice %arg2[%dma_wait3A_56, %dma_wait3A_57] : memref<10000x128xf32, #tpu.memory_space<hbm>> -> memref<10000x128xf32, #tpu.memory_space<hbm>>
      tpu.wait_indirect_dma semaphore(%arg16 : memref<!tpu.dma_semaphore, #tpu.memory_space<semaphore_mem>>) src(%dma_wait3A_58 : memref<10000x128xf32, #tpu.memory_space<hbm>>) dst(%arg13 : memref<192x128xf32, #tpu.memory_space<vmem>>)
      %add3A_59 = arith.constant 2 : i32
      %add3A_60 = arith.addi %add3A_55, %add3A_59 : i32
      %lt3A = arith.constant 52 : i32
      %lt3A_61 = arith.cmpi slt, %add3A_60, %lt3A : i32
      %convert_element_type3A_62 = arith.extui %lt3A_61 : i1 to i32
      %cond3A_63 = arith.constant 0 : i32
      %cond3A_64 = arith.cmpi ne, %convert_element_type3A_62, %cond3A_63 : i32
      scf.if %cond3A_64 {
        %add3A_93 = arith.constant 2 : i32
        %add3A_94 = arith.addi %add3A_55, %add3A_93 : i32
        %mul3A_95 = arith.constant 192 : i32
        %mul3A_96 = arith.muli %add3A_94, %mul3A_95 : i32
        %add3A_97 = arith.addi %mul3A_2, %mul3A_96 : i32
        %dma_start3A_98 = tpu.memref_slice %arg3[%add3A_97] : memref<320000xi32, #tpu.memory_space<hbm>> -> memref<192xi32, #tpu.memory_space<hbm>>
        %dma_start3A_99 = tpu.memref_slice %arg3[%add3A_97] : memref<320000xi32, #tpu.memory_space<hbm>> -> memref<192xi32, #tpu.memory_space<hbm>>
        tpu.enqueue_dma source(%dma_start3A_99 : memref<192xi32, #tpu.memory_space<hbm>>) target(%arg7 : memref<192xi32, #tpu.memory_space<vmem>>) target_semaphore(%arg20 : memref<!tpu.dma_semaphore, #tpu.memory_space<semaphore_mem>>)
      } else {
      }
      %dma_wait3A_65 = tpu.memref_slice %arg4[%mul3A_2] : memref<320000xi32, #tpu.memory_space<hbm>> -> memref<192xi32, #tpu.memory_space<hbm>>
      %dma_wait3A_66 = tpu.memref_slice %arg4[%mul3A_2] : memref<320000xi32, #tpu.memory_space<hbm>> -> memref<192xi32, #tpu.memory_space<hbm>>
      tpu.wait_dma2 semaphore(%arg18 : memref<!tpu.dma_semaphore, #tpu.memory_space<semaphore_mem>>) src(%dma_wait3A_66 : memref<192xi32, #tpu.memory_space<hbm>>) dst(%arg9 : memref<192xi32, #tpu.memory_space<vmem>>)
      "tpu.region"() ({
        %run_scoped3A = tpu.sem_alloc : memref<!tpu.dma_semaphore, #tpu.memory_space<semaphore_mem>>
        %dma_start3A_93 = arith.constant 0 : i32
        %dma_start3A_94 = arith.constant 0 : i32
        %dma_start3A_95 = tpu.memref_slice %arg15[%dma_start3A_93, %dma_start3A_94] : memref<10000x128xf32, #tpu.memory_space<vmem_shared>> -> memref<10000x128xf32, #tpu.memory_space<vmem_shared>>
        tpu.enqueue_indirect_dma source(%arg13 : memref<192x128xf32, #tpu.memory_space<vmem>>) target(%dma_start3A_95 : memref<10000x128xf32, #tpu.memory_space<vmem_shared>>) offsets(%arg9 : memref<192xi32, #tpu.memory_space<vmem>>) semaphore(%run_scoped3A : memref<!tpu.dma_semaphore, #tpu.memory_space<semaphore_mem>>) {add = true}
        %dma_wait3A_96 = arith.constant 0 : i32
        %dma_wait3A_97 = arith.constant 0 : i32
        %dma_wait3A_98 = tpu.memref_slice %arg15[%dma_wait3A_96, %dma_wait3A_97] : memref<10000x128xf32, #tpu.memory_space<vmem_shared>> -> memref<10000x128xf32, #tpu.memory_space<vmem_shared>>
        tpu.wait_indirect_dma semaphore(%run_scoped3A : memref<!tpu.dma_semaphore, #tpu.memory_space<semaphore_mem>>) src(%arg13 : memref<192x128xf32, #tpu.memory_space<vmem>>) dst(%dma_wait3A_98 : memref<10000x128xf32, #tpu.memory_space<vmem_shared>>)
        tpu.yield
      }) : () -> ()
      %add3A_67 = arith.constant 2 : i32
      %add3A_68 = arith.addi %add3A_55, %add3A_67 : i32
      %lt3A_69 = arith.constant 52 : i32
      %lt3A_70 = arith.cmpi slt, %add3A_68, %lt3A_69 : i32
      %convert_element_type3A_71 = arith.extui %lt3A_70 : i1 to i32
      %cond3A_72 = arith.constant 0 : i32
      %cond3A_73 = arith.cmpi ne, %convert_element_type3A_71, %cond3A_72 : i32
      scf.if %cond3A_73 {
        %dma_wait3A_93 = tpu.memref_slice %arg3[%mul3A_2] : memref<320000xi32, #tpu.memory_space<hbm>> -> memref<192xi32, #tpu.memory_space<hbm>>
        %dma_wait3A_94 = tpu.memref_slice %arg3[%mul3A_2] : memref<320000xi32, #tpu.memory_space<hbm>> -> memref<192xi32, #tpu.memory_space<hbm>>
        tpu.wait_dma2 semaphore(%arg20 : memref<!tpu.dma_semaphore, #tpu.memory_space<semaphore_mem>>) src(%dma_wait3A_94 : memref<192xi32, #tpu.memory_space<hbm>>) dst(%arg7 : memref<192xi32, #tpu.memory_space<vmem>>)
        %dma_start3A_95 = arith.constant 0 : i32
        %dma_start3A_96 = arith.constant 0 : i32
        %dma_start3A_97 = tpu.memref_slice %arg2[%dma_start3A_95, %dma_start3A_96] : memref<10000x128xf32, #tpu.memory_space<hbm>> -> memref<10000x128xf32, #tpu.memory_space<hbm>>
        tpu.enqueue_indirect_dma source(%dma_start3A_97 : memref<10000x128xf32, #tpu.memory_space<hbm>>) target(%arg13 : memref<192x128xf32, #tpu.memory_space<vmem>>) offsets(%arg7 : memref<192xi32, #tpu.memory_space<vmem>>) semaphore(%arg16 : memref<!tpu.dma_semaphore, #tpu.memory_space<semaphore_mem>>)
        %add3A_98 = arith.constant 2 : i32
        %add3A_99 = arith.addi %add3A_55, %add3A_98 : i32
        %mul3A_100 = arith.constant 192 : i32
        %mul3A_101 = arith.muli %add3A_99, %mul3A_100 : i32
        %add3A_102 = arith.addi %mul3A_2, %mul3A_101 : i32
        %dma_start3A_103 = tpu.memref_slice %arg4[%add3A_102] : memref<320000xi32, #tpu.memory_space<hbm>> -> memref<192xi32, #tpu.memory_space<hbm>>
        %dma_start3A_104 = tpu.memref_slice %arg4[%add3A_102] : memref<320000xi32, #tpu.memory_space<hbm>> -> memref<192xi32, #tpu.memory_space<hbm>>
        tpu.enqueue_dma source(%dma_start3A_104 : memref<192xi32, #tpu.memory_space<hbm>>) target(%arg9 : memref<192xi32, #tpu.memory_space<vmem>>) target_semaphore(%arg18 : memref<!tpu.dma_semaphore, #tpu.memory_space<semaphore_mem>>)
      } else {
      }
      %dma_wait3A_74 = arith.constant 0 : i32
      %dma_wait3A_75 = arith.constant 0 : i32
      %dma_wait3A_76 = tpu.memref_slice %arg2[%dma_wait3A_74, %dma_wait3A_75] : memref<10000x128xf32, #tpu.memory_space<hbm>> -> memref<10000x128xf32, #tpu.memory_space<hbm>>
      tpu.wait_indirect_dma semaphore(%arg17 : memref<!tpu.dma_semaphore, #tpu.memory_space<semaphore_mem>>) src(%dma_wait3A_76 : memref<10000x128xf32, #tpu.memory_space<hbm>>) dst(%arg14 : memref<192x128xf32, #tpu.memory_space<vmem>>)
      %add3A_77 = arith.constant 3 : i32
      %add3A_78 = arith.addi %add3A_55, %add3A_77 : i32
      %lt3A_79 = arith.constant 52 : i32
      %lt3A_80 = arith.cmpi slt, %add3A_78, %lt3A_79 : i32
      %convert_element_type3A_81 = arith.extui %lt3A_80 : i1 to i32
      %cond3A_82 = arith.constant 0 : i32
      %cond3A_83 = arith.cmpi ne, %convert_element_type3A_81, %cond3A_82 : i32
      scf.if %cond3A_83 {
        %add3A_93 = arith.constant 3 : i32
        %add3A_94 = arith.addi %add3A_55, %add3A_93 : i32
        %mul3A_95 = arith.constant 192 : i32
        %mul3A_96 = arith.muli %add3A_94, %mul3A_95 : i32
        %add3A_97 = arith.addi %mul3A_2, %mul3A_96 : i32
        %dma_start3A_98 = tpu.memref_slice %arg3[%add3A_97] : memref<320000xi32, #tpu.memory_space<hbm>> -> memref<192xi32, #tpu.memory_space<hbm>>
        %dma_start3A_99 = tpu.memref_slice %arg3[%add3A_97] : memref<320000xi32, #tpu.memory_space<hbm>> -> memref<192xi32, #tpu.memory_space<hbm>>
        tpu.enqueue_dma source(%dma_start3A_99 : memref<192xi32, #tpu.memory_space<hbm>>) target(%arg8 : memref<192xi32, #tpu.memory_space<vmem>>) target_semaphore(%arg21 : memref<!tpu.dma_semaphore, #tpu.memory_space<semaphore_mem>>)
      } else {
      }
      %dma_wait3A_84 = tpu.memref_slice %arg4[%mul3A_2] : memref<320000xi32, #tpu.memory_space<hbm>> -> memref<192xi32, #tpu.memory_space<hbm>>
      %dma_wait3A_85 = tpu.memref_slice %arg4[%mul3A_2] : memref<320000xi32, #tpu.memory_space<hbm>> -> memref<192xi32, #tpu.memory_space<hbm>>
      tpu.wait_dma2 semaphore(%arg19 : memref<!tpu.dma_semaphore, #tpu.memory_space<semaphore_mem>>) src(%dma_wait3A_85 : memref<192xi32, #tpu.memory_space<hbm>>) dst(%arg10 : memref<192xi32, #tpu.memory_space<vmem>>)
      "tpu.region"() ({
        %run_scoped3A = tpu.sem_alloc : memref<!tpu.dma_semaphore, #tpu.memory_space<semaphore_mem>>
        %dma_start3A_93 = arith.constant 0 : i32
        %dma_start3A_94 = arith.constant 0 : i32
        %dma_start3A_95 = tpu.memref_slice %arg15[%dma_start3A_93, %dma_start3A_94] : memref<10000x128xf32, #tpu.memory_space<vmem_shared>> -> memref<10000x128xf32, #tpu.memory_space<vmem_shared>>
        tpu.enqueue_indirect_dma source(%arg14 : memref<192x128xf32, #tpu.memory_space<vmem>>) target(%dma_start3A_95 : memref<10000x128xf32, #tpu.memory_space<vmem_shared>>) offsets(%arg10 : memref<192xi32, #tpu.memory_space<vmem>>) semaphore(%run_scoped3A : memref<!tpu.dma_semaphore, #tpu.memory_space<semaphore_mem>>) {add = true}
        %dma_wait3A_96 = arith.constant 0 : i32
        %dma_wait3A_97 = arith.constant 0 : i32
        %dma_wait3A_98 = tpu.memref_slice %arg15[%dma_wait3A_96, %dma_wait3A_97] : memref<10000x128xf32, #tpu.memory_space<vmem_shared>> -> memref<10000x128xf32, #tpu.memory_space<vmem_shared>>
        tpu.wait_indirect_dma semaphore(%run_scoped3A : memref<!tpu.dma_semaphore, #tpu.memory_space<semaphore_mem>>) src(%arg14 : memref<192x128xf32, #tpu.memory_space<vmem>>) dst(%dma_wait3A_98 : memref<10000x128xf32, #tpu.memory_space<vmem_shared>>)
        tpu.yield
      }) : () -> ()
      %add3A_86 = arith.constant 3 : i32
      %add3A_87 = arith.addi %add3A_55, %add3A_86 : i32
      %lt3A_88 = arith.constant 52 : i32
      %lt3A_89 = arith.cmpi slt, %add3A_87, %lt3A_88 : i32
      %convert_element_type3A_90 = arith.extui %lt3A_89 : i1 to i32
      %cond3A_91 = arith.constant 0 : i32
      %cond3A_92 = arith.cmpi ne, %convert_element_type3A_90, %cond3A_91 : i32
      scf.if %cond3A_92 {
        %dma_wait3A_93 = tpu.memref_slice %arg3[%mul3A_2] : memref<320000xi32, #tpu.memory_space<hbm>> -> memref<192xi32, #tpu.memory_space<hbm>>
        %dma_wait3A_94 = tpu.memref_slice %arg3[%mul3A_2] : memref<320000xi32, #tpu.memory_space<hbm>> -> memref<192xi32, #tpu.memory_space<hbm>>
        tpu.wait_dma2 semaphore(%arg21 : memref<!tpu.dma_semaphore, #tpu.memory_space<semaphore_mem>>) src(%dma_wait3A_94 : memref<192xi32, #tpu.memory_space<hbm>>) dst(%arg8 : memref<192xi32, #tpu.memory_space<vmem>>)
        %dma_start3A_95 = arith.constant 0 : i32
        %dma_start3A_96 = arith.constant 0 : i32
        %dma_start3A_97 = tpu.memref_slice %arg2[%dma_start3A_95, %dma_start3A_96] : memref<10000x128xf32, #tpu.memory_space<hbm>> -> memref<10000x128xf32, #tpu.memory_space<hbm>>
        tpu.enqueue_indirect_dma source(%dma_start3A_97 : memref<10000x128xf32, #tpu.memory_space<hbm>>) target(%arg14 : memref<192x128xf32, #tpu.memory_space<vmem>>) offsets(%arg8 : memref<192xi32, #tpu.memory_space<vmem>>) semaphore(%arg17 : memref<!tpu.dma_semaphore, #tpu.memory_space<semaphore_mem>>)
        %add3A_98 = arith.constant 3 : i32
        %add3A_99 = arith.addi %add3A_55, %add3A_98 : i32
        %mul3A_100 = arith.constant 192 : i32
        %mul3A_101 = arith.muli %add3A_99, %mul3A_100 : i32
        %add3A_102 = arith.addi %mul3A_2, %mul3A_101 : i32
        %dma_start3A_103 = tpu.memref_slice %arg4[%add3A_102] : memref<320000xi32, #tpu.memory_space<hbm>> -> memref<192xi32, #tpu.memory_space<hbm>>
        %dma_start3A_104 = tpu.memref_slice %arg4[%add3A_102] : memref<320000xi32, #tpu.memory_space<hbm>> -> memref<192xi32, #tpu.memory_space<hbm>>
        tpu.enqueue_dma source(%dma_start3A_104 : memref<192xi32, #tpu.memory_space<hbm>>) target(%arg10 : memref<192xi32, #tpu.memory_space<vmem>>) target_semaphore(%arg19 : memref<!tpu.dma_semaphore, #tpu.memory_space<semaphore_mem>>)
      } else {
      }
    }
    %scan3A_40 = arith.constant 26 : i32
    %barrier3A_41 = arith.constant 0 : index
    tpu.barrier barrier_id(%barrier3A_41)
    %mul3A_42 = arith.constant 624 : i32
    %mul3A_43 = arith.muli %arg1, %mul3A_42 : i32
    %mul3A_44 = arith.constant 624 : i32
    %mul3A_45 = arith.muli %arg1, %mul3A_44 : i32
    "tpu.region"() ({
      %run_scoped3A = tpu.sem_alloc : memref<!tpu.dma_semaphore, #tpu.memory_space<semaphore_mem>>
      %dma_start3A_51 = arith.constant 0 : i32
      %dma_start3A_52 = arith.constant 0 : i32
      %dma_start3A_53 = tpu.memref_slice %arg6[%arg0, %dma_start3A_51, %dma_start3A_52] : memref<2x10000x128xf32, #tpu.memory_space<hbm>> -> memref<1x10000x128xf32, #tpu.memory_space<hbm>>
      %dma_start3A_54 = tpu.memref_squeeze %dma_start3A_53 : memref<1x10000x128xf32, #tpu.memory_space<hbm>> -> memref<10000x128xf32, #tpu.memory_space<hbm>>
      %dma_start3A_55 = arith.constant 0 : i32
      %dma_start3A_56 = tpu.memref_slice %dma_start3A_54[%mul3A_45, %dma_start3A_55] : memref<10000x128xf32, #tpu.memory_space<hbm>> -> memref<624x128xf32, #tpu.memory_space<hbm>>
      %dma_start3A_57 = arith.constant 0 : i32
      %dma_start3A_58 = tpu.memref_slice %arg15[%mul3A_43, %dma_start3A_57] : memref<10000x128xf32, #tpu.memory_space<vmem_shared>> -> memref<624x128xf32, #tpu.memory_space<vmem_shared>>
      tpu.enqueue_dma source(%dma_start3A_58 : memref<624x128xf32, #tpu.memory_space<vmem_shared>>) target(%dma_start3A_56 : memref<624x128xf32, #tpu.memory_space<hbm>>) target_semaphore(%run_scoped3A : memref<!tpu.dma_semaphore, #tpu.memory_space<semaphore_mem>>)
      %dma_wait3A_59 = arith.constant 0 : i32
      %dma_wait3A_60 = arith.constant 0 : i32
      %dma_wait3A_61 = tpu.memref_slice %arg6[%arg0, %dma_wait3A_59, %dma_wait3A_60] : memref<2x10000x128xf32, #tpu.memory_space<hbm>> -> memref<1x10000x128xf32, #tpu.memory_space<hbm>>
      %dma_wait3A_62 = tpu.memref_squeeze %dma_wait3A_61 : memref<1x10000x128xf32, #tpu.memory_space<hbm>> -> memref<10000x128xf32, #tpu.memory_space<hbm>>
      %dma_wait3A_63 = arith.constant 0 : i32
      %dma_wait3A_64 = tpu.memref_slice %dma_wait3A_62[%mul3A_45, %dma_wait3A_63] : memref<10000x128xf32, #tpu.memory_space<hbm>> -> memref<624x128xf32, #tpu.memory_space<hbm>>
      %dma_wait3A_65 = arith.constant 0 : i32
      %dma_wait3A_66 = tpu.memref_slice %arg15[%mul3A_43, %dma_wait3A_65] : memref<10000x128xf32, #tpu.memory_space<vmem_shared>> -> memref<624x128xf32, #tpu.memory_space<vmem_shared>>
      tpu.wait_dma2 semaphore(%run_scoped3A : memref<!tpu.dma_semaphore, #tpu.memory_space<semaphore_mem>>) src(%dma_wait3A_66 : memref<624x128xf32, #tpu.memory_space<vmem_shared>>) dst(%dma_wait3A_64 : memref<624x128xf32, #tpu.memory_space<hbm>>)
      tpu.yield
    }) : () -> ()
    %eq3A_46 = arith.constant 0 : i32
    %eq3A_47 = arith.cmpi eq, %arg1, %eq3A_46 : i32
    %convert_element_type3A_48 = arith.extui %eq3A_47 : i1 to i32
    %cond3A_49 = arith.constant 0 : i32
    %cond3A_50 = arith.cmpi ne, %convert_element_type3A_48, %cond3A_49 : i32
    scf.if %cond3A_50 {
      "tpu.region"() ({
        %run_scoped3A = tpu.sem_alloc : memref<!tpu.dma_semaphore, #tpu.memory_space<semaphore_mem>>
        %dma_start3A_51 = arith.constant 0 : i32
        %dma_start3A_52 = arith.constant 0 : i32
        %dma_start3A_53 = tpu.memref_slice %arg6[%arg0, %dma_start3A_51, %dma_start3A_52] : memref<2x10000x128xf32, #tpu.memory_space<hbm>> -> memref<1x10000x128xf32, #tpu.memory_space<hbm>>
        %dma_start3A_54 = tpu.memref_squeeze %dma_start3A_53 : memref<1x10000x128xf32, #tpu.memory_space<hbm>> -> memref<10000x128xf32, #tpu.memory_space<hbm>>
        %dma_start3A_55 = arith.constant 9984 : i32
        %dma_start3A_56 = arith.constant 0 : i32
        %dma_start3A_57 = tpu.memref_slice %dma_start3A_54[%dma_start3A_55, %dma_start3A_56] : memref<10000x128xf32, #tpu.memory_space<hbm>> -> memref<16x128xf32, #tpu.memory_space<hbm>>
        %dma_start3A_58 = arith.constant 9984 : i32
        %dma_start3A_59 = arith.constant 0 : i32
        %dma_start3A_60 = tpu.memref_slice %arg15[%dma_start3A_58, %dma_start3A_59] : memref<10000x128xf32, #tpu.memory_space<vmem_shared>> -> memref<16x128xf32, #tpu.memory_space<vmem_shared>>
        tpu.enqueue_dma source(%dma_start3A_60 : memref<16x128xf32, #tpu.memory_space<vmem_shared>>) target(%dma_start3A_57 : memref<16x128xf32, #tpu.memory_space<hbm>>) target_semaphore(%run_scoped3A : memref<!tpu.dma_semaphore, #tpu.memory_space<semaphore_mem>>)
        %dma_wait3A_61 = arith.constant 0 : i32
        %dma_wait3A_62 = arith.constant 0 : i32
        %dma_wait3A_63 = tpu.memref_slice %arg6[%arg0, %dma_wait3A_61, %dma_wait3A_62] : memref<2x10000x128xf32, #tpu.memory_space<hbm>> -> memref<1x10000x128xf32, #tpu.memory_space<hbm>>
        %dma_wait3A_64 = tpu.memref_squeeze %dma_wait3A_63 : memref<1x10000x128xf32, #tpu.memory_space<hbm>> -> memref<10000x128xf32, #tpu.memory_space<hbm>>
        %dma_wait3A_65 = arith.constant 9984 : i32
        %dma_wait3A_66 = arith.constant 0 : i32
        %dma_wait3A_67 = tpu.memref_slice %dma_wait3A_64[%dma_wait3A_65, %dma_wait3A_66] : memref<10000x128xf32, #tpu.memory_space<hbm>> -> memref<16x128xf32, #tpu.memory_space<hbm>>
        %dma_wait3A_68 = arith.constant 9984 : i32
        %dma_wait3A_69 = arith.constant 0 : i32
        %dma_wait3A_70 = tpu.memref_slice %arg15[%dma_wait3A_68, %dma_wait3A_69] : memref<10000x128xf32, #tpu.memory_space<vmem_shared>> -> memref<16x128xf32, #tpu.memory_space<vmem_shared>>
        tpu.wait_dma2 semaphore(%run_scoped3A : memref<!tpu.dma_semaphore, #tpu.memory_space<semaphore_mem>>) src(%dma_wait3A_70 : memref<16x128xf32, #tpu.memory_space<vmem_shared>>) dst(%dma_wait3A_67 : memref<16x128xf32, #tpu.memory_space<hbm>>)
        tpu.yield
      }) : () -> ()
    } else {
    }
    return
  }
}

#map = affine_map<(d0, d1) -> (0, 0)>
#map1 = affine_map<(d0, d1) -> (0)>
#map2 = affine_map<(d0, d1) -> (0, 0, 0)>
module attributes {stable_mosaic.version = 14 : i64} {
  func.func @k(%arg0: i32, %arg1: i32, %arg2: memref<10000x128xf32, #tpu.memory_space<hbm>>, %arg3: memref<320000xi32, #tpu.memory_space<hbm>>, %arg4: memref<320000xi32, #tpu.memory_space<hbm>>, %arg5: memref<10000x128xf32, #tpu.memory_space<hbm>>, %arg6: memref<2x10000x128xf32, #tpu.memory_space<hbm>>, %arg7: memref<192xi32, #tpu.memory_space<vmem>>, %arg8: memref<192xi32, #tpu.memory_space<vmem>>, %arg9: memref<192xi32, #tpu.memory_space<vmem>>, %arg10: memref<192xi32, #tpu.memory_space<vmem>>, %arg11: memref<16xi32, #tpu.memory_space<vmem>>, %arg12: memref<16xi32, #tpu.memory_space<vmem>>, %arg13: memref<192x128xf32, #tpu.memory_space<vmem>>, %arg14: memref<192x128xf32, #tpu.memory_space<vmem>>, %arg15: memref<10000x128xf32, #tpu.memory_space<vmem_shared>>, %arg16: memref<!tpu.dma_semaphore, #tpu.memory_space<semaphore_mem>>, %arg17: memref<!tpu.dma_semaphore, #tpu.memory_space<semaphore_mem>>, %arg18: memref<!tpu.dma_semaphore, #tpu.memory_space<semaphore_mem>>, %arg19: memref<!tpu.dma_semaphore, #tpu.memory_space<semaphore_mem>>, %arg20: memref<!tpu.dma_semaphore, #tpu.memory_space<semaphore_mem>>, %arg21: memref<!tpu.dma_semaphore, #tpu.memory_space<semaphore_mem>>) attributes {dimension_semantics = [#tpu.dimension_semantics<core_parallel>, #tpu.dimension_semantics<subcore_parallel>], iteration_bounds = array<i64: 2, 16>, scalar_prefetch = 0 : i64, scratch_operands = 15 : i64, tpu.core_type = #tpu.core_type<sc_vector_subcore>, window_params = [{transform_indices = #map}, {transform_indices = #map1}, {transform_indices = #map1}, {transform_indices = #map}, {transform_indices = #map2}]} {
    %mul3A = arith.constant 2 : i32
    %mul3A_0 = arith.muli %arg1, %mul3A : i32
    %add3A = arith.addi %mul3A_0, %arg0 : i32
    %mul3A_1 = arith.constant 10000 : i32
    %mul3A_2 = arith.muli %add3A, %mul3A_1 : i32
    %add3A_3 = arith.constant 9984 : i32
    %add3A_4 = arith.addi %mul3A_2, %add3A_3 : i32
    "tpu.region"() ({
      %run_scoped3A = tpu.sem_alloc : memref<!tpu.dma_semaphore, #tpu.memory_space<semaphore_mem>>
      %dma_start3A_51 = tpu.memref_slice %arg3[%add3A_4] : memref<320000xi32, #tpu.memory_space<hbm>> -> memref<16xi32, #tpu.memory_space<hbm>>
      %dma_start3A_52 = tpu.memref_slice %arg3[%add3A_4] : memref<320000xi32, #tpu.memory_space<hbm>> -> memref<16xi32, #tpu.memory_space<hbm>>
      tpu.enqueue_dma source(%dma_start3A_52 : memref<16xi32, #tpu.memory_space<hbm>>) target(%arg11 : memref<16xi32, #tpu.memory_space<vmem>>) target_semaphore(%run_scoped3A : memref<!tpu.dma_semaphore, #tpu.memory_space<semaphore_mem>>)
      %dma_wait3A_53 = tpu.memref_slice %arg3[%add3A_4] : memref<320000xi32, #tpu.memory_space<hbm>> -> memref<16xi32, #tpu.memory_space<hbm>>
      %dma_wait3A_54 = tpu.memref_slice %arg3[%add3A_4] : memref<320000xi32, #tpu.memory_space<hbm>> -> memref<16xi32, #tpu.memory_space<hbm>>
      tpu.wait_dma2 semaphore(%run_scoped3A : memref<!tpu.dma_semaphore, #tpu.memory_space<semaphore_mem>>) src(%dma_wait3A_54 : memref<16xi32, #tpu.memory_space<hbm>>) dst(%arg11 : memref<16xi32, #tpu.memory_space<vmem>>)
      tpu.yield
    }) : () -> ()
    %add3A_5 = arith.constant 9984 : i32
    %add3A_6 = arith.addi %mul3A_2, %add3A_5 : i32
    "tpu.region"() ({
      %run_scoped3A = tpu.sem_alloc : memref<!tpu.dma_semaphore, #tpu.memory_space<semaphore_mem>>
      %dma_start3A_51 = tpu.memref_slice %arg4[%add3A_6] : memref<320000xi32, #tpu.memory_space<hbm>> -> memref<16xi32, #tpu.memory_space<hbm>>
      %dma_start3A_52 = tpu.memref_slice %arg4[%add3A_6] : memref<320000xi32, #tpu.memory_space<hbm>> -> memref<16xi32, #tpu.memory_space<hbm>>
      tpu.enqueue_dma source(%dma_start3A_52 : memref<16xi32, #tpu.memory_space<hbm>>) target(%arg12 : memref<16xi32, #tpu.memory_space<vmem>>) target_semaphore(%run_scoped3A : memref<!tpu.dma_semaphore, #tpu.memory_space<semaphore_mem>>)
      %dma_wait3A_53 = tpu.memref_slice %arg4[%add3A_6] : memref<320000xi32, #tpu.memory_space<hbm>> -> memref<16xi32, #tpu.memory_space<hbm>>
      %dma_wait3A_54 = tpu.memref_slice %arg4[%add3A_6] : memref<320000xi32, #tpu.memory_space<hbm>> -> memref<16xi32, #tpu.memory_space<hbm>>
      tpu.wait_dma2 semaphore(%run_scoped3A : memref<!tpu.dma_semaphore, #tpu.memory_space<semaphore_mem>>) src(%dma_wait3A_54 : memref<16xi32, #tpu.memory_space<hbm>>) dst(%arg12 : memref<16xi32, #tpu.memory_space<vmem>>)
      tpu.yield
    }) : () -> ()
    %dma_start3A = arith.constant 0 : i32
    %dma_start3A_7 = arith.constant 0 : i32
    %dma_start3A_8 = tpu.memref_slice %arg13[%dma_start3A, %dma_start3A_7] : memref<192x128xf32, #tpu.memory_space<vmem>> -> memref<16x128xf32, #tpu.memory_space<vmem>>
    %dma_start3A_9 = arith.constant 0 : i32
    %dma_start3A_10 = arith.constant 0 : i32
    %dma_start3A_11 = tpu.memref_slice %arg2[%dma_start3A_9, %dma_start3A_10] : memref<10000x128xf32, #tpu.memory_space<hbm>> -> memref<10000x128xf32, #tpu.memory_space<hbm>>
    tpu.enqueue_indirect_dma source(%dma_start3A_11 : memref<10000x128xf32, #tpu.memory_space<hbm>>) target(%dma_start3A_8 : memref<16x128xf32, #tpu.memory_space<vmem>>) offsets(%arg11 : memref<16xi32, #tpu.memory_space<vmem>>) semaphore(%arg16 : memref<!tpu.dma_semaphore, #tpu.memory_space<semaphore_mem>>)
    %mul3A_12 = arith.constant 624 : i32
    %mul3A_13 = arith.muli %arg1, %mul3A_12 : i32
    %mul3A_14 = arith.constant 624 : i32
    %mul3A_15 = arith.muli %arg1, %mul3A_14 : i32
    "tpu.region"() ({
      %run_scoped3A = tpu.sem_alloc : memref<!tpu.dma_semaphore, #tpu.memory_space<semaphore_mem>>
      %dma_start3A_51 = arith.constant 0 : i32
      %dma_start3A_52 = tpu.memref_slice %arg15[%mul3A_15, %dma_start3A_51] : memref<10000x128xf32, #tpu.memory_space<vmem_shared>> -> memref<624x128xf32, #tpu.memory_space<vmem_shared>>
      %dma_start3A_53 = arith.constant 0 : i32
      %dma_start3A_54 = tpu.memref_slice %arg5[%mul3A_13, %dma_start3A_53] : memref<10000x128xf32, #tpu.memory_space<hbm>> -> memref<624x128xf32, #tpu.memory_space<hbm>>
      tpu.enqueue_dma source(%dma_start3A_54 : memref<624x128xf32, #tpu.memory_space<hbm>>) target(%dma_start3A_52 : memref<624x128xf32, #tpu.memory_space<vmem_shared>>) target_semaphore(%run_scoped3A : memref<!tpu.dma_semaphore, #tpu.memory_space<semaphore_mem>>)
      %dma_wait3A_55 = arith.constant 0 : i32
      %dma_wait3A_56 = tpu.memref_slice %arg15[%mul3A_15, %dma_wait3A_55] : memref<10000x128xf32, #tpu.memory_space<vmem_shared>> -> memref<624x128xf32, #tpu.memory_space<vmem_shared>>
      %dma_wait3A_57 = arith.constant 0 : i32
      %dma_wait3A_58 = tpu.memref_slice %arg5[%mul3A_13, %dma_wait3A_57] : memref<10000x128xf32, #tpu.memory_space<hbm>> -> memref<624x128xf32, #tpu.memory_space<hbm>>
      tpu.wait_dma2 semaphore(%run_scoped3A : memref<!tpu.dma_semaphore, #tpu.memory_space<semaphore_mem>>) src(%dma_wait3A_58 : memref<624x128xf32, #tpu.memory_space<hbm>>) dst(%dma_wait3A_56 : memref<624x128xf32, #tpu.memory_space<vmem_shared>>)
      tpu.yield
    }) : () -> ()
    %eq3A = arith.constant 0 : i32
    %eq3A_16 = arith.cmpi eq, %arg1, %eq3A : i32
    %convert_element_type3A = arith.extui %eq3A_16 : i1 to i32
    %cond3A = arith.constant 0 : i32
    %cond3A_17 = arith.cmpi ne, %convert_element_type3A, %cond3A : i32
    scf.if %cond3A_17 {
      "tpu.region"() ({
        %run_scoped3A = tpu.sem_alloc : memref<!tpu.dma_semaphore, #tpu.memory_space<semaphore_mem>>
        %dma_start3A_51 = arith.constant 9984 : i32
        %dma_start3A_52 = arith.constant 0 : i32
        %dma_start3A_53 = tpu.memref_slice %arg15[%dma_start3A_51, %dma_start3A_52] : memref<10000x128xf32, #tpu.memory_space<vmem_shared>> -> memref<16x128xf32, #tpu.memory_space<vmem_shared>>
        %dma_start3A_54 = arith.constant 9984 : i32
        %dma_start3A_55 = arith.constant 0 : i32
        %dma_start3A_56 = tpu.memref_slice %arg5[%dma_start3A_54, %dma_start3A_55] : memref<10000x128xf32, #tpu.memory_space<hbm>> -> memref<16x128xf32, #tpu.memory_space<hbm>>
        tpu.enqueue_dma source(%dma_start3A_56 : memref<16x128xf32, #tpu.memory_space<hbm>>) target(%dma_start3A_53 : memref<16x128xf32, #tpu.memory_space<vmem_shared>>) target_semaphore(%run_scoped3A : memref<!tpu.dma_semaphore, #tpu.memory_space<semaphore_mem>>)
        %dma_wait3A_57 = arith.constant 9984 : i32
        %dma_wait3A_58 = arith.constant 0 : i32
        %dma_wait3A_59 = tpu.memref_slice %arg15[%dma_wait3A_57, %dma_wait3A_58] : memref<10000x128xf32, #tpu.memory_space<vmem_shared>> -> memref<16x128xf32, #tpu.memory_space<vmem_shared>>
        %dma_wait3A_60 = arith.constant 9984 : i32
        %dma_wait3A_61 = arith.constant 0 : i32
        %dma_wait3A_62 = tpu.memref_slice %arg5[%dma_wait3A_60, %dma_wait3A_61] : memref<10000x128xf32, #tpu.memory_space<hbm>> -> memref<16x128xf32, #tpu.memory_space<hbm>>
        tpu.wait_dma2 semaphore(%run_scoped3A : memref<!tpu.dma_semaphore, #tpu.memory_space<semaphore_mem>>) src(%dma_wait3A_62 : memref<16x128xf32, #tpu.memory_space<hbm>>) dst(%dma_wait3A_59 : memref<16x128xf32, #tpu.memory_space<vmem_shared>>)
        tpu.yield
      }) : () -> ()
    } else {
    }
    %barrier3A = arith.constant 0 : index
    tpu.barrier barrier_id(%barrier3A)
    %dma_wait3A = arith.constant 0 : i32
    %dma_wait3A_18 = arith.constant 0 : i32
    %dma_wait3A_19 = tpu.memref_slice %arg13[%dma_wait3A, %dma_wait3A_18] : memref<192x128xf32, #tpu.memory_space<vmem>> -> memref<16x128xf32, #tpu.memory_space<vmem>>
    %dma_wait3A_20 = arith.constant 0 : i32
    %dma_wait3A_21 = arith.constant 0 : i32
    %dma_wait3A_22 = tpu.memref_slice %arg2[%dma_wait3A_20, %dma_wait3A_21] : memref<10000x128xf32, #tpu.memory_space<hbm>> -> memref<10000x128xf32, #tpu.memory_space<hbm>>
    tpu.wait_indirect_dma semaphore(%arg16 : memref<!tpu.dma_semaphore, #tpu.memory_space<semaphore_mem>>) src(%dma_wait3A_22 : memref<10000x128xf32, #tpu.memory_space<hbm>>) dst(%dma_wait3A_19 : memref<16x128xf32, #tpu.memory_space<vmem>>)
    "tpu.region"() ({
      %run_scoped3A = tpu.sem_alloc : memref<!tpu.dma_semaphore, #tpu.memory_space<semaphore_mem>>
      %dma_start3A_51 = arith.constant 0 : i32
      %dma_start3A_52 = arith.constant 0 : i32
      %dma_start3A_53 = tpu.memref_slice %arg13[%dma_start3A_51, %dma_start3A_52] : memref<192x128xf32, #tpu.memory_space<vmem>> -> memref<16x128xf32, #tpu.memory_space<vmem>>
      %dma_start3A_54 = arith.constant 0 : i32
      %dma_start3A_55 = arith.constant 0 : i32
      %dma_start3A_56 = tpu.memref_slice %arg15[%dma_start3A_54, %dma_start3A_55] : memref<10000x128xf32, #tpu.memory_space<vmem_shared>> -> memref<10000x128xf32, #tpu.memory_space<vmem_shared>>
      tpu.enqueue_indirect_dma source(%dma_start3A_53 : memref<16x128xf32, #tpu.memory_space<vmem>>) target(%dma_start3A_56 : memref<10000x128xf32, #tpu.memory_space<vmem_shared>>) offsets(%arg12 : memref<16xi32, #tpu.memory_space<vmem>>) semaphore(%run_scoped3A : memref<!tpu.dma_semaphore, #tpu.memory_space<semaphore_mem>>) {add = true}
      %dma_wait3A_57 = arith.constant 0 : i32
      %dma_wait3A_58 = arith.constant 0 : i32
      %dma_wait3A_59 = tpu.memref_slice %arg13[%dma_wait3A_57, %dma_wait3A_58] : memref<192x128xf32, #tpu.memory_space<vmem>> -> memref<16x128xf32, #tpu.memory_space<vmem>>
      %dma_wait3A_60 = arith.constant 0 : i32
      %dma_wait3A_61 = arith.constant 0 : i32
      %dma_wait3A_62 = tpu.memref_slice %arg15[%dma_wait3A_60, %dma_wait3A_61] : memref<10000x128xf32, #tpu.memory_space<vmem_shared>> -> memref<10000x128xf32, #tpu.memory_space<vmem_shared>>
      tpu.wait_indirect_dma semaphore(%run_scoped3A : memref<!tpu.dma_semaphore, #tpu.memory_space<semaphore_mem>>) src(%dma_wait3A_59 : memref<16x128xf32, #tpu.memory_space<vmem>>) dst(%dma_wait3A_62 : memref<10000x128xf32, #tpu.memory_space<vmem_shared>>)
      tpu.yield
    }) : () -> ()
    "tpu.region"() ({
      %run_scoped3A = tpu.sem_alloc : memref<!tpu.dma_semaphore, #tpu.memory_space<semaphore_mem>>
      %dma_start3A_51 = tpu.memref_slice %arg3[%mul3A_2] : memref<320000xi32, #tpu.memory_space<hbm>> -> memref<192xi32, #tpu.memory_space<hbm>>
      %dma_start3A_52 = tpu.memref_slice %arg3[%mul3A_2] : memref<320000xi32, #tpu.memory_space<hbm>> -> memref<192xi32, #tpu.memory_space<hbm>>
      tpu.enqueue_dma source(%dma_start3A_52 : memref<192xi32, #tpu.memory_space<hbm>>) target(%arg7 : memref<192xi32, #tpu.memory_space<vmem>>) target_semaphore(%run_scoped3A : memref<!tpu.dma_semaphore, #tpu.memory_space<semaphore_mem>>)
      %dma_wait3A_53 = tpu.memref_slice %arg3[%mul3A_2] : memref<320000xi32, #tpu.memory_space<hbm>> -> memref<192xi32, #tpu.memory_space<hbm>>
      %dma_wait3A_54 = tpu.memref_slice %arg3[%mul3A_2] : memref<320000xi32, #tpu.memory_space<hbm>> -> memref<192xi32, #tpu.memory_space<hbm>>
      tpu.wait_dma2 semaphore(%run_scoped3A : memref<!tpu.dma_semaphore, #tpu.memory_space<semaphore_mem>>) src(%dma_wait3A_54 : memref<192xi32, #tpu.memory_space<hbm>>) dst(%arg7 : memref<192xi32, #tpu.memory_space<vmem>>)
      tpu.yield
    }) : () -> ()
    %dma_start3A_23 = arith.constant 0 : i32
    %dma_start3A_24 = arith.constant 0 : i32
    %dma_start3A_25 = tpu.memref_slice %arg2[%dma_start3A_23, %dma_start3A_24] : memref<10000x128xf32, #tpu.memory_space<hbm>> -> memref<10000x128xf32, #tpu.memory_space<hbm>>
    tpu.enqueue_indirect_dma source(%dma_start3A_25 : memref<10000x128xf32, #tpu.memory_space<hbm>>) target(%arg13 : memref<192x128xf32, #tpu.memory_space<vmem>>) offsets(%arg7 : memref<192xi32, #tpu.memory_space<vmem>>) semaphore(%arg16 : memref<!tpu.dma_semaphore, #tpu.memory_space<semaphore_mem>>)
    %dma_start3A_26 = tpu.memref_slice %arg4[%mul3A_2] : memref<320000xi32, #tpu.memory_space<hbm>> -> memref<192xi32, #tpu.memory_space<hbm>>
    %dma_start3A_27 = tpu.memref_slice %arg4[%mul3A_2] : memref<320000xi32, #tpu.memory_space<hbm>> -> memref<192xi32, #tpu.memory_space<hbm>>
    tpu.enqueue_dma source(%dma_start3A_27 : memref<192xi32, #tpu.memory_space<hbm>>) target(%arg9 : memref<192xi32, #tpu.memory_space<vmem>>) target_semaphore(%arg18 : memref<!tpu.dma_semaphore, #tpu.memory_space<semaphore_mem>>)
    %add3A_28 = arith.constant 192 : i32
    %add3A_29 = arith.addi %mul3A_2, %add3A_28 : i32
    "tpu.region"() ({
      %run_scoped3A = tpu.sem_alloc : memref<!tpu.dma_semaphore, #tpu.memory_space<semaphore_mem>>
      %dma_start3A_51 = tpu.memref_slice %arg3[%add3A_29] : memref<320000xi32, #tpu.memory_space<hbm>> -> memref<192xi32, #tpu.memory_space<hbm>>
      %dma_start3A_52 = tpu.memref_slice %arg3[%add3A_29] : memref<320000xi32, #tpu.memory_space<hbm>> -> memref<192xi32, #tpu.memory_space<hbm>>
      tpu.enqueue_dma source(%dma_start3A_52 : memref<192xi32, #tpu.memory_space<hbm>>) target(%arg8 : memref<192xi32, #tpu.memory_space<vmem>>) target_semaphore(%run_scoped3A : memref<!tpu.dma_semaphore, #tpu.memory_space<semaphore_mem>>)
      %dma_wait3A_53 = tpu.memref_slice %arg3[%add3A_29] : memref<320000xi32, #tpu.memory_space<hbm>> -> memref<192xi32, #tpu.memory_space<hbm>>
      %dma_wait3A_54 = tpu.memref_slice %arg3[%add3A_29] : memref<320000xi32, #tpu.memory_space<hbm>> -> memref<192xi32, #tpu.memory_space<hbm>>
      tpu.wait_dma2 semaphore(%run_scoped3A : memref<!tpu.dma_semaphore, #tpu.memory_space<semaphore_mem>>) src(%dma_wait3A_54 : memref<192xi32, #tpu.memory_space<hbm>>) dst(%arg8 : memref<192xi32, #tpu.memory_space<vmem>>)
      tpu.yield
    }) : () -> ()
    %dma_start3A_30 = arith.constant 0 : i32
    %dma_start3A_31 = arith.constant 0 : i32
    %dma_start3A_32 = tpu.memref_slice %arg2[%dma_start3A_30, %dma_start3A_31] : memref<10000x128xf32, #tpu.memory_space<hbm>> -> memref<10000x128xf32, #tpu.memory_space<hbm>>
    tpu.enqueue_indirect_dma source(%dma_start3A_32 : memref<10000x128xf32, #tpu.memory_space<hbm>>) target(%arg14 : memref<192x128xf32, #tpu.memory_space<vmem>>) offsets(%arg8 : memref<192xi32, #tpu.memory_space<vmem>>) semaphore(%arg17 : memref<!tpu.dma_semaphore, #tpu.memory_space<semaphore_mem>>)
    %add3A_33 = arith.constant 192 : i32
    %add3A_34 = arith.addi %mul3A_2, %add3A_33 : i32
    %dma_start3A_35 = tpu.memref_slice %arg4[%add3A_34] : memref<320000xi32, #tpu.memory_space<hbm>> -> memref<192xi32, #tpu.memory_space<hbm>>
    %dma_start3A_36 = tpu.memref_slice %arg4[%add3A_34] : memref<320000xi32, #tpu.memory_space<hbm>> -> memref<192xi32, #tpu.memory_space<hbm>>
    tpu.enqueue_dma source(%dma_start3A_36 : memref<192xi32, #tpu.memory_space<hbm>>) target(%arg10 : memref<192xi32, #tpu.memory_space<vmem>>) target_semaphore(%arg19 : memref<!tpu.dma_semaphore, #tpu.memory_space<semaphore_mem>>)
    %scan3A = arith.constant 0 : i32
    %scan3A_37 = arith.constant 26 : i32
    %scan3A_38 = arith.addi %scan3A, %scan3A_37 : i32
    %scan3A_39 = arith.constant 1 : i32
    scf.for %scan3A_51 = %scan3A to %scan3A_38 step %scan3A_39  : i32 {
      %mul3A_52 = arith.constant 2 : i32
      %mul3A_53 = arith.muli %scan3A_51, %mul3A_52 : i32
      %add3A_54 = arith.constant 0 : i32
      %add3A_55 = arith.addi %add3A_54, %mul3A_53 : i32
      %dma_wait3A_56 = arith.constant 0 : i32
      %dma_wait3A_57 = arith.constant 0 : i32
      %dma_wait3A_58 = tpu.memref_slice %arg2[%dma_wait3A_56, %dma_wait3A_57] : memref<10000x128xf32, #tpu.memory_space<hbm>> -> memref<10000x128xf32, #tpu.memory_space<hbm>>
      tpu.wait_indirect_dma semaphore(%arg16 : memref<!tpu.dma_semaphore, #tpu.memory_space<semaphore_mem>>) src(%dma_wait3A_58 : memref<10000x128xf32, #tpu.memory_space<hbm>>) dst(%arg13 : memref<192x128xf32, #tpu.memory_space<vmem>>)
      %add3A_59 = arith.constant 2 : i32
      %add3A_60 = arith.addi %add3A_55, %add3A_59 : i32
      %lt3A = arith.constant 52 : i32
      %lt3A_61 = arith.cmpi slt, %add3A_60, %lt3A : i32
      %convert_element_type3A_62 = arith.extui %lt3A_61 : i1 to i32
      %cond3A_63 = arith.constant 0 : i32
      %cond3A_64 = arith.cmpi ne, %convert_element_type3A_62, %cond3A_63 : i32
      scf.if %cond3A_64 {
        %add3A_93 = arith.constant 2 : i32
        %add3A_94 = arith.addi %add3A_55, %add3A_93 : i32
        %mul3A_95 = arith.constant 192 : i32
        %mul3A_96 = arith.muli %add3A_94, %mul3A_95 : i32
        %add3A_97 = arith.addi %mul3A_2, %mul3A_96 : i32
        %dma_start3A_98 = tpu.memref_slice %arg3[%add3A_97] : memref<320000xi32, #tpu.memory_space<hbm>> -> memref<192xi32, #tpu.memory_space<hbm>>
        %dma_start3A_99 = tpu.memref_slice %arg3[%add3A_97] : memref<320000xi32, #tpu.memory_space<hbm>> -> memref<192xi32, #tpu.memory_space<hbm>>
        tpu.enqueue_dma source(%dma_start3A_99 : memref<192xi32, #tpu.memory_space<hbm>>) target(%arg7 : memref<192xi32, #tpu.memory_space<vmem>>) target_semaphore(%arg20 : memref<!tpu.dma_semaphore, #tpu.memory_space<semaphore_mem>>)
      } else {
      }
      %dma_wait3A_65 = tpu.memref_slice %arg4[%mul3A_2] : memref<320000xi32, #tpu.memory_space<hbm>> -> memref<192xi32, #tpu.memory_space<hbm>>
      %dma_wait3A_66 = tpu.memref_slice %arg4[%mul3A_2] : memref<320000xi32, #tpu.memory_space<hbm>> -> memref<192xi32, #tpu.memory_space<hbm>>
      tpu.wait_dma2 semaphore(%arg18 : memref<!tpu.dma_semaphore, #tpu.memory_space<semaphore_mem>>) src(%dma_wait3A_66 : memref<192xi32, #tpu.memory_space<hbm>>) dst(%arg9 : memref<192xi32, #tpu.memory_space<vmem>>)
      "tpu.region"() ({
        %run_scoped3A = tpu.sem_alloc : memref<!tpu.dma_semaphore, #tpu.memory_space<semaphore_mem>>
        %dma_start3A_93 = arith.constant 0 : i32
        %dma_start3A_94 = arith.constant 0 : i32
        %dma_start3A_95 = tpu.memref_slice %arg15[%dma_start3A_93, %dma_start3A_94] : memref<10000x128xf32, #tpu.memory_space<vmem_shared>> -> memref<10000x128xf32, #tpu.memory_space<vmem_shared>>
        tpu.enqueue_indirect_dma source(%arg13 : memref<192x128xf32, #tpu.memory_space<vmem>>) target(%dma_start3A_95 : memref<10000x128xf32, #tpu.memory_space<vmem_shared>>) offsets(%arg9 : memref<192xi32, #tpu.memory_space<vmem>>) semaphore(%run_scoped3A : memref<!tpu.dma_semaphore, #tpu.memory_space<semaphore_mem>>) {add = true}
        %dma_wait3A_96 = arith.constant 0 : i32
        %dma_wait3A_97 = arith.constant 0 : i32
        %dma_wait3A_98 = tpu.memref_slice %arg15[%dma_wait3A_96, %dma_wait3A_97] : memref<10000x128xf32, #tpu.memory_space<vmem_shared>> -> memref<10000x128xf32, #tpu.memory_space<vmem_shared>>
        tpu.wait_indirect_dma semaphore(%run_scoped3A : memref<!tpu.dma_semaphore, #tpu.memory_space<semaphore_mem>>) src(%arg13 : memref<192x128xf32, #tpu.memory_space<vmem>>) dst(%dma_wait3A_98 : memref<10000x128xf32, #tpu.memory_space<vmem_shared>>)
        tpu.yield
      }) : () -> ()
      %add3A_67 = arith.constant 2 : i32
      %add3A_68 = arith.addi %add3A_55, %add3A_67 : i32
      %lt3A_69 = arith.constant 52 : i32
      %lt3A_70 = arith.cmpi slt, %add3A_68, %lt3A_69 : i32
      %convert_element_type3A_71 = arith.extui %lt3A_70 : i1 to i32
      %cond3A_72 = arith.constant 0 : i32
      %cond3A_73 = arith.cmpi ne, %convert_element_type3A_71, %cond3A_72 : i32
      scf.if %cond3A_73 {
        %dma_wait3A_93 = tpu.memref_slice %arg3[%mul3A_2] : memref<320000xi32, #tpu.memory_space<hbm>> -> memref<192xi32, #tpu.memory_space<hbm>>
        %dma_wait3A_94 = tpu.memref_slice %arg3[%mul3A_2] : memref<320000xi32, #tpu.memory_space<hbm>> -> memref<192xi32, #tpu.memory_space<hbm>>
        tpu.wait_dma2 semaphore(%arg20 : memref<!tpu.dma_semaphore, #tpu.memory_space<semaphore_mem>>) src(%dma_wait3A_94 : memref<192xi32, #tpu.memory_space<hbm>>) dst(%arg7 : memref<192xi32, #tpu.memory_space<vmem>>)
        %dma_start3A_95 = arith.constant 0 : i32
        %dma_start3A_96 = arith.constant 0 : i32
        %dma_start3A_97 = tpu.memref_slice %arg2[%dma_start3A_95, %dma_start3A_96] : memref<10000x128xf32, #tpu.memory_space<hbm>> -> memref<10000x128xf32, #tpu.memory_space<hbm>>
        tpu.enqueue_indirect_dma source(%dma_start3A_97 : memref<10000x128xf32, #tpu.memory_space<hbm>>) target(%arg13 : memref<192x128xf32, #tpu.memory_space<vmem>>) offsets(%arg7 : memref<192xi32, #tpu.memory_space<vmem>>) semaphore(%arg16 : memref<!tpu.dma_semaphore, #tpu.memory_space<semaphore_mem>>)
        %add3A_98 = arith.constant 2 : i32
        %add3A_99 = arith.addi %add3A_55, %add3A_98 : i32
        %mul3A_100 = arith.constant 192 : i32
        %mul3A_101 = arith.muli %add3A_99, %mul3A_100 : i32
        %add3A_102 = arith.addi %mul3A_2, %mul3A_101 : i32
        %dma_start3A_103 = tpu.memref_slice %arg4[%add3A_102] : memref<320000xi32, #tpu.memory_space<hbm>> -> memref<192xi32, #tpu.memory_space<hbm>>
        %dma_start3A_104 = tpu.memref_slice %arg4[%add3A_102] : memref<320000xi32, #tpu.memory_space<hbm>> -> memref<192xi32, #tpu.memory_space<hbm>>
        tpu.enqueue_dma source(%dma_start3A_104 : memref<192xi32, #tpu.memory_space<hbm>>) target(%arg9 : memref<192xi32, #tpu.memory_space<vmem>>) target_semaphore(%arg18 : memref<!tpu.dma_semaphore, #tpu.memory_space<semaphore_mem>>)
      } else {
      }
      %dma_wait3A_74 = arith.constant 0 : i32
      %dma_wait3A_75 = arith.constant 0 : i32
      %dma_wait3A_76 = tpu.memref_slice %arg2[%dma_wait3A_74, %dma_wait3A_75] : memref<10000x128xf32, #tpu.memory_space<hbm>> -> memref<10000x128xf32, #tpu.memory_space<hbm>>
      tpu.wait_indirect_dma semaphore(%arg17 : memref<!tpu.dma_semaphore, #tpu.memory_space<semaphore_mem>>) src(%dma_wait3A_76 : memref<10000x128xf32, #tpu.memory_space<hbm>>) dst(%arg14 : memref<192x128xf32, #tpu.memory_space<vmem>>)
      %add3A_77 = arith.constant 3 : i32
      %add3A_78 = arith.addi %add3A_55, %add3A_77 : i32
      %lt3A_79 = arith.constant 52 : i32
      %lt3A_80 = arith.cmpi slt, %add3A_78, %lt3A_79 : i32
      %convert_element_type3A_81 = arith.extui %lt3A_80 : i1 to i32
      %cond3A_82 = arith.constant 0 : i32
      %cond3A_83 = arith.cmpi ne, %convert_element_type3A_81, %cond3A_82 : i32
      scf.if %cond3A_83 {
        %add3A_93 = arith.constant 3 : i32
        %add3A_94 = arith.addi %add3A_55, %add3A_93 : i32
        %mul3A_95 = arith.constant 192 : i32
        %mul3A_96 = arith.muli %add3A_94, %mul3A_95 : i32
        %add3A_97 = arith.addi %mul3A_2, %mul3A_96 : i32
        %dma_start3A_98 = tpu.memref_slice %arg3[%add3A_97] : memref<320000xi32, #tpu.memory_space<hbm>> -> memref<192xi32, #tpu.memory_space<hbm>>
        %dma_start3A_99 = tpu.memref_slice %arg3[%add3A_97] : memref<320000xi32, #tpu.memory_space<hbm>> -> memref<192xi32, #tpu.memory_space<hbm>>
        tpu.enqueue_dma source(%dma_start3A_99 : memref<192xi32, #tpu.memory_space<hbm>>) target(%arg8 : memref<192xi32, #tpu.memory_space<vmem>>) target_semaphore(%arg21 : memref<!tpu.dma_semaphore, #tpu.memory_space<semaphore_mem>>)
      } else {
      }
      %dma_wait3A_84 = tpu.memref_slice %arg4[%mul3A_2] : memref<320000xi32, #tpu.memory_space<hbm>> -> memref<192xi32, #tpu.memory_space<hbm>>
      %dma_wait3A_85 = tpu.memref_slice %arg4[%mul3A_2] : memref<320000xi32, #tpu.memory_space<hbm>> -> memref<192xi32, #tpu.memory_space<hbm>>
      tpu.wait_dma2 semaphore(%arg19 : memref<!tpu.dma_semaphore, #tpu.memory_space<semaphore_mem>>) src(%dma_wait3A_85 : memref<192xi32, #tpu.memory_space<hbm>>) dst(%arg10 : memref<192xi32, #tpu.memory_space<vmem>>)
      "tpu.region"() ({
        %run_scoped3A = tpu.sem_alloc : memref<!tpu.dma_semaphore, #tpu.memory_space<semaphore_mem>>
        %dma_start3A_93 = arith.constant 0 : i32
        %dma_start3A_94 = arith.constant 0 : i32
        %dma_start3A_95 = tpu.memref_slice %arg15[%dma_start3A_93, %dma_start3A_94] : memref<10000x128xf32, #tpu.memory_space<vmem_shared>> -> memref<10000x128xf32, #tpu.memory_space<vmem_shared>>
        tpu.enqueue_indirect_dma source(%arg14 : memref<192x128xf32, #tpu.memory_space<vmem>>) target(%dma_start3A_95 : memref<10000x128xf32, #tpu.memory_space<vmem_shared>>) offsets(%arg10 : memref<192xi32, #tpu.memory_space<vmem>>) semaphore(%run_scoped3A : memref<!tpu.dma_semaphore, #tpu.memory_space<semaphore_mem>>) {add = true}
        %dma_wait3A_96 = arith.constant 0 : i32
        %dma_wait3A_97 = arith.constant 0 : i32
        %dma_wait3A_98 = tpu.memref_slice %arg15[%dma_wait3A_96, %dma_wait3A_97] : memref<10000x128xf32, #tpu.memory_space<vmem_shared>> -> memref<10000x128xf32, #tpu.memory_space<vmem_shared>>
        tpu.wait_indirect_dma semaphore(%run_scoped3A : memref<!tpu.dma_semaphore, #tpu.memory_space<semaphore_mem>>) src(%arg14 : memref<192x128xf32, #tpu.memory_space<vmem>>) dst(%dma_wait3A_98 : memref<10000x128xf32, #tpu.memory_space<vmem_shared>>)
        tpu.yield
      }) : () -> ()
      %add3A_86 = arith.constant 3 : i32
      %add3A_87 = arith.addi %add3A_55, %add3A_86 : i32
      %lt3A_88 = arith.constant 52 : i32
      %lt3A_89 = arith.cmpi slt, %add3A_87, %lt3A_88 : i32
      %convert_element_type3A_90 = arith.extui %lt3A_89 : i1 to i32
      %cond3A_91 = arith.constant 0 : i32
      %cond3A_92 = arith.cmpi ne, %convert_element_type3A_90, %cond3A_91 : i32
      scf.if %cond3A_92 {
        %dma_wait3A_93 = tpu.memref_slice %arg3[%mul3A_2] : memref<320000xi32, #tpu.memory_space<hbm>> -> memref<192xi32, #tpu.memory_space<hbm>>
        %dma_wait3A_94 = tpu.memref_slice %arg3[%mul3A_2] : memref<320000xi32, #tpu.memory_space<hbm>> -> memref<192xi32, #tpu.memory_space<hbm>>
        tpu.wait_dma2 semaphore(%arg21 : memref<!tpu.dma_semaphore, #tpu.memory_space<semaphore_mem>>) src(%dma_wait3A_94 : memref<192xi32, #tpu.memory_space<hbm>>) dst(%arg8 : memref<192xi32, #tpu.memory_space<vmem>>)
        %dma_start3A_95 = arith.constant 0 : i32
        %dma_start3A_96 = arith.constant 0 : i32
        %dma_start3A_97 = tpu.memref_slice %arg2[%dma_start3A_95, %dma_start3A_96] : memref<10000x128xf32, #tpu.memory_space<hbm>> -> memref<10000x128xf32, #tpu.memory_space<hbm>>
        tpu.enqueue_indirect_dma source(%dma_start3A_97 : memref<10000x128xf32, #tpu.memory_space<hbm>>) target(%arg14 : memref<192x128xf32, #tpu.memory_space<vmem>>) offsets(%arg8 : memref<192xi32, #tpu.memory_space<vmem>>) semaphore(%arg17 : memref<!tpu.dma_semaphore, #tpu.memory_space<semaphore_mem>>)
        %add3A_98 = arith.constant 3 : i32
        %add3A_99 = arith.addi %add3A_55, %add3A_98 : i32
        %mul3A_100 = arith.constant 192 : i32
        %mul3A_101 = arith.muli %add3A_99, %mul3A_100 : i32
        %add3A_102 = arith.addi %mul3A_2, %mul3A_101 : i32
        %dma_start3A_103 = tpu.memref_slice %arg4[%add3A_102] : memref<320000xi32, #tpu.memory_space<hbm>> -> memref<192xi32, #tpu.memory_space<hbm>>
        %dma_start3A_104 = tpu.memref_slice %arg4[%add3A_102] : memref<320000xi32, #tpu.memory_space<hbm>> -> memref<192xi32, #tpu.memory_space<hbm>>
        tpu.enqueue_dma source(%dma_start3A_104 : memref<192xi32, #tpu.memory_space<hbm>>) target(%arg10 : memref<192xi32, #tpu.memory_space<vmem>>) target_semaphore(%arg19 : memref<!tpu.dma_semaphore, #tpu.memory_space<semaphore_mem>>)
      } else {
      }
    }
    %scan3A_40 = arith.constant 26 : i32
    %barrier3A_41 = arith.constant 0 : index
    tpu.barrier barrier_id(%barrier3A_41)
    %mul3A_42 = arith.constant 624 : i32
    %mul3A_43 = arith.muli %arg1, %mul3A_42 : i32
    %mul3A_44 = arith.constant 624 : i32
    %mul3A_45 = arith.muli %arg1, %mul3A_44 : i32
    "tpu.region"() ({
      %run_scoped3A = tpu.sem_alloc : memref<!tpu.dma_semaphore, #tpu.memory_space<semaphore_mem>>
      %dma_start3A_51 = arith.constant 0 : i32
      %dma_start3A_52 = arith.constant 0 : i32
      %dma_start3A_53 = tpu.memref_slice %arg6[%arg0, %dma_start3A_51, %dma_start3A_52] : memref<2x10000x128xf32, #tpu.memory_space<hbm>> -> memref<1x10000x128xf32, #tpu.memory_space<hbm>>
      %dma_start3A_54 = tpu.memref_squeeze %dma_start3A_53 : memref<1x10000x128xf32, #tpu.memory_space<hbm>> -> memref<10000x128xf32, #tpu.memory_space<hbm>>
      %dma_start3A_55 = arith.constant 0 : i32
      %dma_start3A_56 = tpu.memref_slice %dma_start3A_54[%mul3A_45, %dma_start3A_55] : memref<10000x128xf32, #tpu.memory_space<hbm>> -> memref<624x128xf32, #tpu.memory_space<hbm>>
      %dma_start3A_57 = arith.constant 0 : i32
      %dma_start3A_58 = tpu.memref_slice %arg15[%mul3A_43, %dma_start3A_57] : memref<10000x128xf32, #tpu.memory_space<vmem_shared>> -> memref<624x128xf32, #tpu.memory_space<vmem_shared>>
      tpu.enqueue_dma source(%dma_start3A_58 : memref<624x128xf32, #tpu.memory_space<vmem_shared>>) target(%dma_start3A_56 : memref<624x128xf32, #tpu.memory_space<hbm>>) target_semaphore(%run_scoped3A : memref<!tpu.dma_semaphore, #tpu.memory_space<semaphore_mem>>)
      %dma_wait3A_59 = arith.constant 0 : i32
      %dma_wait3A_60 = arith.constant 0 : i32
      %dma_wait3A_61 = tpu.memref_slice %arg6[%arg0, %dma_wait3A_59, %dma_wait3A_60] : memref<2x10000x128xf32, #tpu.memory_space<hbm>> -> memref<1x10000x128xf32, #tpu.memory_space<hbm>>
      %dma_wait3A_62 = tpu.memref_squeeze %dma_wait3A_61 : memref<1x10000x128xf32, #tpu.memory_space<hbm>> -> memref<10000x128xf32, #tpu.memory_space<hbm>>
      %dma_wait3A_63 = arith.constant 0 : i32
      %dma_wait3A_64 = tpu.memref_slice %dma_wait3A_62[%mul3A_45, %dma_wait3A_63] : memref<10000x128xf32, #tpu.memory_space<hbm>> -> memref<624x128xf32, #tpu.memory_space<hbm>>
      %dma_wait3A_65 = arith.constant 0 : i32
      %dma_wait3A_66 = tpu.memref_slice %arg15[%mul3A_43, %dma_wait3A_65] : memref<10000x128xf32, #tpu.memory_space<vmem_shared>> -> memref<624x128xf32, #tpu.memory_space<vmem_shared>>
      tpu.wait_dma2 semaphore(%run_scoped3A : memref<!tpu.dma_semaphore, #tpu.memory_space<semaphore_mem>>) src(%dma_wait3A_66 : memref<624x128xf32, #tpu.memory_space<vmem_shared>>) dst(%dma_wait3A_64 : memref<624x128xf32, #tpu.memory_space<hbm>>)
      tpu.yield
    }) : () -> ()
    %eq3A_46 = arith.constant 0 : i32
    %eq3A_47 = arith.cmpi eq, %arg1, %eq3A_46 : i32
    %convert_element_type3A_48 = arith.extui %eq3A_47 : i1 to i32
    %cond3A_49 = arith.constant 0 : i32
    %cond3A_50 = arith.cmpi ne, %convert_element_type3A_48, %cond3A_49 : i32
    scf.if %cond3A_50 {
      "tpu.region"() ({
        %run_scoped3A = tpu.sem_alloc : memref<!tpu.dma_semaphore, #tpu.memory_space<semaphore_mem>>
        %dma_start3A_51 = arith.constant 0 : i32
        %dma_start3A_52 = arith.constant 0 : i32
        %dma_start3A_53 = tpu.memref_slice %arg6[%arg0, %dma_start3A_51, %dma_start3A_52] : memref<2x10000x128xf32, #tpu.memory_space<hbm>> -> memref<1x10000x128xf32, #tpu.memory_space<hbm>>
        %dma_start3A_54 = tpu.memref_squeeze %dma_start3A_53 : memref<1x10000x128xf32, #tpu.memory_space<hbm>> -> memref<10000x128xf32, #tpu.memory_space<hbm>>
        %dma_start3A_55 = arith.constant 9984 : i32
        %dma_start3A_56 = arith.constant 0 : i32
        %dma_start3A_57 = tpu.memref_slice %dma_start3A_54[%dma_start3A_55, %dma_start3A_56] : memref<10000x128xf32, #tpu.memory_space<hbm>> -> memref<16x128xf32, #tpu.memory_space<hbm>>
        %dma_start3A_58 = arith.constant 9984 : i32
        %dma_start3A_59 = arith.constant 0 : i32
        %dma_start3A_60 = tpu.memref_slice %arg15[%dma_start3A_58, %dma_start3A_59] : memref<10000x128xf32, #tpu.memory_space<vmem_shared>> -> memref<16x128xf32, #tpu.memory_space<vmem_shared>>
        tpu.enqueue_dma source(%dma_start3A_60 : memref<16x128xf32, #tpu.memory_space<vmem_shared>>) target(%dma_start3A_57 : memref<16x128xf32, #tpu.memory_space<hbm>>) target_semaphore(%run_scoped3A : memref<!tpu.dma_semaphore, #tpu.memory_space<semaphore_mem>>)
        %dma_wait3A_61 = arith.constant 0 : i32
        %dma_wait3A_62 = arith.constant 0 : i32
        %dma_wait3A_63 = tpu.memref_slice %arg6[%arg0, %dma_wait3A_61, %dma_wait3A_62] : memref<2x10000x128xf32, #tpu.memory_space<hbm>> -> memref<1x10000x128xf32, #tpu.memory_space<hbm>>
        %dma_wait3A_64 = tpu.memref_squeeze %dma_wait3A_63 : memref<1x10000x128xf32, #tpu.memory_space<hbm>> -> memref<10000x128xf32, #tpu.memory_space<hbm>>
        %dma_wait3A_65 = arith.constant 9984 : i32
        %dma_wait3A_66 = arith.constant 0 : i32
        %dma_wait3A_67 = tpu.memref_slice %dma_wait3A_64[%dma_wait3A_65, %dma_wait3A_66] : memref<10000x128xf32, #tpu.memory_space<hbm>> -> memref<16x128xf32, #tpu.memory_space<hbm>>
        %dma_wait3A_68 = arith.constant 9984 : i32
        %dma_wait3A_69 = arith.constant 0 : i32
        %dma_wait3A_70 = tpu.memref_slice %arg15[%dma_wait3A_68, %dma_wait3A_69] : memref<10000x128xf32, #tpu.memory_space<vmem_shared>> -> memref<16x128xf32, #tpu.memory_space<vmem_shared>>
        tpu.wait_dma2 semaphore(%run_scoped3A : memref<!tpu.dma_semaphore, #tpu.memory_space<semaphore_mem>>) src(%dma_wait3A_70 : memref<16x128xf32, #tpu.memory_space<vmem_shared>>) dst(%dma_wait3A_67 : memref<16x128xf32, #tpu.memory_space<hbm>>)
        tpu.yield
      }) : () -> ()
    } else {
    }
    return
  }
}

module attributes {stable_mosaic.version = 14 : i64} {
  func.func @kfn(%arg0: i32, %arg1: memref<1000x128xf32, #tpu.memory_space<vmem>>, %arg2: memref<128x128xf32, #tpu.memory_space<vmem>>, %arg3: memref<1000x1xf32, #tpu.memory_space<vmem>>, %arg4: memref<1000x1xf32, #tpu.memory_space<vmem>>, %arg5: memref<1x128xf32, #tpu.memory_space<vmem>>, %arg6: memref<1000x128xf32, #tpu.memory_space<vmem>>, %arg7: memref<1000x128xf32, #tpu.memory_space<vmem>>) attributes {dimension_semantics = [#tpu.dimension_semantics<arbitrary>], iteration_bounds = array<i64: 10>, scalar_prefetch = 0 : i64, scratch_operands = 0 : i64, tpu.core_type = #tpu.core_type<tc>, window_params = [{transform_indices = @transform_0, window_bounds = array<i64: 1000, 128>}, {pipeline_mode = #tpu.pipeline_mode<synchronous>, transform_indices = @transform_1, window_bounds = array<i64: 128, 128>}, {transform_indices = @transform_2, window_bounds = array<i64: 1000, 1>}, {transform_indices = @transform_3, window_bounds = array<i64: 1000, 1>}, {pipeline_mode = #tpu.pipeline_mode<synchronous>, transform_indices = @transform_4, window_bounds = array<i64: 1, 128>}, {transform_indices = @transform_5, window_bounds = array<i64: 1000, 128>}, {transform_indices = @transform_6, window_bounds = array<i64: 1000, 128>}]} {
    %get3A = arith.constant 0 : index
    %get3A_0 = arith.constant 0 : index
    %get3A_1 = vector.load %arg1[%get3A, %get3A_0] : memref<1000x128xf32, #tpu.memory_space<vmem>>, vector<1000x128xf32>
    %get3A_2 = arith.constant 0 : index
    %get3A_3 = arith.constant 0 : index
    %get3A_4 = vector.load %arg2[%get3A_2, %get3A_3] : memref<128x128xf32, #tpu.memory_space<vmem>>, vector<128x128xf32>
    %dot_general3A = arith.constant dense<0.000000e+00> : vector<1000x128xf32>
    %dot_general3A_5 = tpu.matmul %get3A_1, %get3A_4, %dot_general3A {dimension_numbers = #tpu.dot_dimension_numbers<[1], [0], [0], [1], [0, 0, 1, 1], [], []>, transpose_lhs_hint = false} : vector<1000x128xf32>, vector<128x128xf32>, vector<1000x128xf32> -> vector<1000x128xf32>
    %get3A_6 = arith.constant 0 : index
    %get3A_7 = arith.constant 0 : index
    %get3A_8 = vector.load %arg3[%get3A_6, %get3A_7] : memref<1000x1xf32, #tpu.memory_space<vmem>>, vector<1000x1xf32>
    %get3A_9 = arith.constant 0 : index
    %get3A_10 = arith.constant 0 : index
    %get3A_11 = vector.load %arg4[%get3A_9, %get3A_10] : memref<1000x1xf32, #tpu.memory_space<vmem>>, vector<1000x1xf32>
    %add3A = arith.addf %get3A_8, %get3A_11 : vector<1000x1xf32>
    %add3A_12 = arith.constant 1.000000e+00 : f32
    %add3A_13 = vector.broadcast %add3A_12 : f32 to vector<1000x1xf32>
    %add3A_14 = arith.addf %add3A, %add3A_13 : vector<1000x1xf32>
    %rsqrt3A = math.rsqrt %add3A_14 : vector<1000x1xf32>
    %mul3A = vector.broadcast %rsqrt3A : vector<1000x1xf32> to vector<1000x128xf32>
    %mul3A_15 = arith.mulf %dot_general3A_5, %mul3A : vector<1000x128xf32>
    %swap3A = arith.constant 0 : index
    %swap3A_16 = arith.constant 0 : index
    %swap3A_17 = vector.load %arg6[%swap3A, %swap3A_16] : memref<1000x128xf32, #tpu.memory_space<vmem>>, vector<1000x128xf32>
    tpu.vector_store %arg6[%swap3A, %swap3A_16], %mul3A_15 {strides = array<i32>} : memref<1000x128xf32, #tpu.memory_space<vmem>>, vector<1000x128xf32>,
    %mul3A_18 = arith.mulf %rsqrt3A, %rsqrt3A : vector<1000x1xf32>
    %mul3A_19 = vector.broadcast %mul3A_18 : vector<1000x1xf32> to vector<1000x128xf32>
    %mul3A_20 = arith.mulf %dot_general3A_5, %mul3A_19 : vector<1000x128xf32>
    %get3A_21 = arith.constant 0 : index
    %get3A_22 = arith.constant 0 : index
    %get3A_23 = vector.load %arg5[%get3A_21, %get3A_22] : memref<1x128xf32, #tpu.memory_space<vmem>>, vector<1x128xf32>
    %add3A_24 = vector.broadcast %get3A_23 : vector<1x128xf32> to vector<1000x128xf32>
    %add3A_25 = arith.addf %mul3A_20, %add3A_24 : vector<1000x128xf32>
    %swap3A_26 = arith.constant 0 : index
    %swap3A_27 = arith.constant 0 : index
    %swap3A_28 = vector.load %arg7[%swap3A_26, %swap3A_27] : memref<1000x128xf32, #tpu.memory_space<vmem>>, vector<1000x128xf32>
    tpu.vector_store %arg7[%swap3A_26, %swap3A_27], %add3A_25 {strides = array<i32>} : memref<1000x128xf32, #tpu.memory_space<vmem>>, vector<1000x128xf32>,
    return
  }
  func.func @transform_0(%arg0: i32) -> (i32, i32) {
    %c0_i32 = arith.constant 0 : i32
    %c0_i32_0 = arith.constant 0 : i32
    return %arg0, %c0_i32 : i32, i32
  }
  func.func @transform_1(%arg0: i32) -> (i32, i32) {
    %c0_i32 = arith.constant 0 : i32
    %c0_i32_0 = arith.constant 0 : i32
    %c0_i32_1 = arith.constant 0 : i32
    return %c0_i32, %c0_i32_0 : i32, i32
  }
  func.func @transform_2(%arg0: i32) -> (i32, i32) {
    %c0_i32 = arith.constant 0 : i32
    %c0_i32_0 = arith.constant 0 : i32
    return %arg0, %c0_i32 : i32, i32
  }
  func.func @transform_3(%arg0: i32) -> (i32, i32) {
    %c0_i32 = arith.constant 0 : i32
    %c0_i32_0 = arith.constant 0 : i32
    return %arg0, %c0_i32 : i32, i32
  }
  func.func @transform_4(%arg0: i32) -> (i32, i32) {
    %c0_i32 = arith.constant 0 : i32
    %c0_i32_0 = arith.constant 0 : i32
    %c0_i32_1 = arith.constant 0 : i32
    return %c0_i32, %c0_i32_0 : i32, i32
  }
  func.func @transform_5(%arg0: i32) -> (i32, i32) {
    %c0_i32 = arith.constant 0 : i32
    %c0_i32_0 = arith.constant 0 : i32
    return %arg0, %c0_i32 : i32, i32
  }
  func.func @transform_6(%arg0: i32) -> (i32, i32) {
    %c0_i32 = arith.constant 0 : i32
    %c0_i32_0 = arith.constant 0 : i32
    return %arg0, %c0_i32 : i32, i32
  }
}

module attributes {stable_mosaic.version = 14 : i64} {
  func.func @kfn(%arg0: i32, %arg1: memref<1000x128xf32, #tpu.memory_space<vmem>>, %arg2: memref<1000x128xf32, #tpu.memory_space<vmem>>, %arg3: memref<1000x1xf32, #tpu.memory_space<vmem>>, %arg4: memref<1000x1xf32, #tpu.memory_space<vmem>>, %arg5: memref<1000x128xf32, #tpu.memory_space<vmem>>, %arg6: memref<1000x128xf32, #tpu.memory_space<vmem>>) attributes {dimension_semantics = [#tpu.dimension_semantics<arbitrary>], iteration_bounds = array<i64: 10>, scalar_prefetch = 0 : i64, scratch_operands = 0 : i64, tpu.core_type = #tpu.core_type<tc>, window_params = [{transform_indices = @transform_0, window_bounds = array<i64: 1000, 128>}, {transform_indices = @transform_1, window_bounds = array<i64: 1000, 128>}, {transform_indices = @transform_2, window_bounds = array<i64: 1000, 1>}, {transform_indices = @transform_3, window_bounds = array<i64: 1000, 1>}, {transform_indices = @transform_4, window_bounds = array<i64: 1000, 128>}, {transform_indices = @transform_5, window_bounds = array<i64: 1000, 128>}]} {
    %get3A = arith.constant 0 : index
    %get3A_0 = arith.constant 0 : index
    %get3A_1 = vector.load %arg3[%get3A, %get3A_0] : memref<1000x1xf32, #tpu.memory_space<vmem>>, vector<1000x1xf32>
    %get3A_2 = arith.constant 0 : index
    %get3A_3 = arith.constant 0 : index
    %get3A_4 = vector.load %arg4[%get3A_2, %get3A_3] : memref<1000x1xf32, #tpu.memory_space<vmem>>, vector<1000x1xf32>
    %add3A = arith.addf %get3A_1, %get3A_4 : vector<1000x1xf32>
    %add3A_5 = arith.constant 1.000000e+00 : f32
    %add3A_6 = vector.broadcast %add3A_5 : f32 to vector<1000x1xf32>
    %add3A_7 = arith.addf %add3A, %add3A_6 : vector<1000x1xf32>
    %rsqrt3A = math.rsqrt %add3A_7 : vector<1000x1xf32>
    %get3A_8 = arith.constant 0 : index
    %get3A_9 = arith.constant 0 : index
    %get3A_10 = vector.load %arg1[%get3A_8, %get3A_9] : memref<1000x128xf32, #tpu.memory_space<vmem>>, vector<1000x128xf32>
    %get3A_11 = arith.constant 0 : index
    %get3A_12 = arith.constant 0 : index
    %get3A_13 = vector.load %arg2[%get3A_11, %get3A_12] : memref<1000x128xf32, #tpu.memory_space<vmem>>, vector<1000x128xf32>
    %add3A_14 = arith.addf %get3A_10, %get3A_13 : vector<1000x128xf32>
    %mul3A = vector.broadcast %rsqrt3A : vector<1000x1xf32> to vector<1000x128xf32>
    %mul3A_15 = arith.mulf %add3A_14, %mul3A : vector<1000x128xf32>
    %get3A_16 = arith.constant 0 : index
    %get3A_17 = arith.constant 0 : index
    %get3A_18 = vector.load %arg5[%get3A_16, %get3A_17] : memref<1000x128xf32, #tpu.memory_space<vmem>>, vector<1000x128xf32>
    %add3A_19 = arith.addf %mul3A_15, %get3A_18 : vector<1000x128xf32>
    %max3A = arith.constant 0.000000e+00 : f32
    %max3A_20 = vector.broadcast %max3A : f32 to vector<1000x128xf32>
    %max3A_21 = arith.maximumf %add3A_19, %max3A_20 : vector<1000x128xf32>
    %swap3A = arith.constant 0 : index
    %swap3A_22 = arith.constant 0 : index
    %swap3A_23 = vector.load %arg6[%swap3A, %swap3A_22] : memref<1000x128xf32, #tpu.memory_space<vmem>>, vector<1000x128xf32>
    tpu.vector_store %arg6[%swap3A, %swap3A_22], %max3A_21 {strides = array<i32>} : memref<1000x128xf32, #tpu.memory_space<vmem>>, vector<1000x128xf32>,
    return
  }
  func.func @transform_0(%arg0: i32) -> (i32, i32) {
    %c0_i32 = arith.constant 0 : i32
    %c0_i32_0 = arith.constant 0 : i32
    return %arg0, %c0_i32 : i32, i32
  }
  func.func @transform_1(%arg0: i32) -> (i32, i32) {
    %c0_i32 = arith.constant 0 : i32
    %c0_i32_0 = arith.constant 0 : i32
    return %arg0, %c0_i32 : i32, i32
  }
  func.func @transform_2(%arg0: i32) -> (i32, i32) {
    %c0_i32 = arith.constant 0 : i32
    %c0_i32_0 = arith.constant 0 : i32
    return %arg0, %c0_i32 : i32, i32
  }
  func.func @transform_3(%arg0: i32) -> (i32, i32) {
    %c0_i32 = arith.constant 0 : i32
    %c0_i32_0 = arith.constant 0 : i32
    return %arg0, %c0_i32 : i32, i32
  }
  func.func @transform_4(%arg0: i32) -> (i32, i32) {
    %c0_i32 = arith.constant 0 : i32
    %c0_i32_0 = arith.constant 0 : i32
    return %arg0, %c0_i32 : i32, i32
  }
  func.func @transform_5(%arg0: i32) -> (i32, i32) {
    %c0_i32 = arith.constant 0 : i32
    %c0_i32_0 = arith.constant 0 : i32
    return %arg0, %c0_i32 : i32, i32
  }
}

module attributes {stable_mosaic.version = 14 : i64} {
  func.func @kfn(%arg0: i32, %arg1: memref<1000x128xf32, #tpu.memory_space<vmem>>, %arg2: memref<128x128xf32, #tpu.memory_space<vmem>>, %arg3: memref<1x128xf32, #tpu.memory_space<vmem>>, %arg4: memref<1000x128xf32, #tpu.memory_space<vmem>>) attributes {dimension_semantics = [#tpu.dimension_semantics<arbitrary>], iteration_bounds = array<i64: 10>, scalar_prefetch = 0 : i64, scratch_operands = 0 : i64, tpu.core_type = #tpu.core_type<tc>, window_params = [{transform_indices = @transform_0, window_bounds = array<i64: 1000, 128>}, {pipeline_mode = #tpu.pipeline_mode<synchronous>, transform_indices = @transform_1, window_bounds = array<i64: 128, 128>}, {pipeline_mode = #tpu.pipeline_mode<synchronous>, transform_indices = @transform_2, window_bounds = array<i64: 1, 128>}, {transform_indices = @transform_3, window_bounds = array<i64: 1000, 128>}]} {
    %get3A = arith.constant 0 : index
    %get3A_0 = arith.constant 0 : index
    %get3A_1 = vector.load %arg1[%get3A, %get3A_0] : memref<1000x128xf32, #tpu.memory_space<vmem>>, vector<1000x128xf32>
    %get3A_2 = arith.constant 0 : index
    %get3A_3 = arith.constant 0 : index
    %get3A_4 = vector.load %arg2[%get3A_2, %get3A_3] : memref<128x128xf32, #tpu.memory_space<vmem>>, vector<128x128xf32>
    %dot_general3A = arith.constant dense<0.000000e+00> : vector<1000x128xf32>
    %dot_general3A_5 = tpu.matmul %get3A_1, %get3A_4, %dot_general3A {dimension_numbers = #tpu.dot_dimension_numbers<[1], [0], [0], [1], [0, 0, 1, 1], [], []>, transpose_lhs_hint = false} : vector<1000x128xf32>, vector<128x128xf32>, vector<1000x128xf32> -> vector<1000x128xf32>
    %get3A_6 = arith.constant 0 : index
    %get3A_7 = arith.constant 0 : index
    %get3A_8 = vector.load %arg3[%get3A_6, %get3A_7] : memref<1x128xf32, #tpu.memory_space<vmem>>, vector<1x128xf32>
    %add3A = vector.broadcast %get3A_8 : vector<1x128xf32> to vector<1000x128xf32>
    %add3A_9 = arith.addf %dot_general3A_5, %add3A : vector<1000x128xf32>
    %swap3A = arith.constant 0 : index
    %swap3A_10 = arith.constant 0 : index
    %swap3A_11 = vector.load %arg4[%swap3A, %swap3A_10] : memref<1000x128xf32, #tpu.memory_space<vmem>>, vector<1000x128xf32>
    tpu.vector_store %arg4[%swap3A, %swap3A_10], %add3A_9 {strides = array<i32>} : memref<1000x128xf32, #tpu.memory_space<vmem>>, vector<1000x128xf32>,
    return
  }
  func.func @transform_0(%arg0: i32) -> (i32, i32) {
    %c0_i32 = arith.constant 0 : i32
    %c0_i32_0 = arith.constant 0 : i32
    return %arg0, %c0_i32 : i32, i32
  }
  func.func @transform_1(%arg0: i32) -> (i32, i32) {
    %c0_i32 = arith.constant 0 : i32
    %c0_i32_0 = arith.constant 0 : i32
    %c0_i32_1 = arith.constant 0 : i32
    return %c0_i32, %c0_i32_0 : i32, i32
  }
  func.func @transform_2(%arg0: i32) -> (i32, i32) {
    %c0_i32 = arith.constant 0 : i32
    %c0_i32_0 = arith.constant 0 : i32
    %c0_i32_1 = arith.constant 0 : i32
    return %c0_i32, %c0_i32_0 : i32, i32
  }
  func.func @transform_3(%arg0: i32) -> (i32, i32) {
    %c0_i32 = arith.constant 0 : i32
    %c0_i32_0 = arith.constant 0 : i32
    return %arg0, %c0_i32 : i32, i32
  }
}

module attributes {stable_mosaic.version = 14 : i64} {
  func.func @kfn(%arg0: i32, %arg1: memref<1000x128xf32, #tpu.memory_space<vmem>>, %arg2: memref<1000x128xf32, #tpu.memory_space<vmem>>, %arg3: memref<1000x1xf32, #tpu.memory_space<vmem>>, %arg4: memref<1000x1xf32, #tpu.memory_space<vmem>>, %arg5: memref<1000x128xf32, #tpu.memory_space<vmem>>, %arg6: memref<128x128xf32, #tpu.memory_space<vmem>>, %arg7: memref<1000x128xf32, #tpu.memory_space<vmem>>) attributes {dimension_semantics = [#tpu.dimension_semantics<arbitrary>], iteration_bounds = array<i64: 10>, scalar_prefetch = 0 : i64, scratch_operands = 0 : i64, tpu.core_type = #tpu.core_type<tc>, window_params = [{transform_indices = @transform_0, window_bounds = array<i64: 1000, 128>}, {transform_indices = @transform_1, window_bounds = array<i64: 1000, 128>}, {transform_indices = @transform_2, window_bounds = array<i64: 1000, 1>}, {transform_indices = @transform_3, window_bounds = array<i64: 1000, 1>}, {transform_indices = @transform_4, window_bounds = array<i64: 1000, 128>}, {pipeline_mode = #tpu.pipeline_mode<synchronous>, transform_indices = @transform_5, window_bounds = array<i64: 128, 128>}, {transform_indices = @transform_6, window_bounds = array<i64: 1000, 128>}]} {
    %get3A = arith.constant 0 : index
    %get3A_0 = arith.constant 0 : index
    %get3A_1 = vector.load %arg3[%get3A, %get3A_0] : memref<1000x1xf32, #tpu.memory_space<vmem>>, vector<1000x1xf32>
    %get3A_2 = arith.constant 0 : index
    %get3A_3 = arith.constant 0 : index
    %get3A_4 = vector.load %arg4[%get3A_2, %get3A_3] : memref<1000x1xf32, #tpu.memory_space<vmem>>, vector<1000x1xf32>
    %add3A = arith.addf %get3A_1, %get3A_4 : vector<1000x1xf32>
    %get3A_5 = arith.constant 0 : index
    %get3A_6 = arith.constant 0 : index
    %get3A_7 = vector.load %arg1[%get3A_5, %get3A_6] : memref<1000x128xf32, #tpu.memory_space<vmem>>, vector<1000x128xf32>
    %get3A_8 = arith.constant 0 : index
    %get3A_9 = arith.constant 0 : index
    %get3A_10 = vector.load %arg2[%get3A_8, %get3A_9] : memref<1000x128xf32, #tpu.memory_space<vmem>>, vector<1000x128xf32>
    %add3A_11 = arith.addf %get3A_7, %get3A_10 : vector<1000x128xf32>
    %max3A = arith.constant 1.000000e+00 : f32
    %max3A_12 = vector.broadcast %max3A : f32 to vector<1000x1xf32>
    %max3A_13 = arith.maximumf %add3A, %max3A_12 : vector<1000x1xf32>
    %div3A = vector.broadcast %max3A_13 : vector<1000x1xf32> to vector<1000x128xf32>
    %div3A_14 = arith.divf %add3A_11, %div3A : vector<1000x128xf32>
    %get3A_15 = arith.constant 0 : index
    %get3A_16 = arith.constant 0 : index
    %get3A_17 = vector.load %arg6[%get3A_15, %get3A_16] : memref<128x128xf32, #tpu.memory_space<vmem>>, vector<128x128xf32>
    %dot_general3A = arith.constant dense<0.000000e+00> : vector<1000x128xf32>
    %dot_general3A_18 = tpu.matmul %div3A_14, %get3A_17, %dot_general3A {dimension_numbers = #tpu.dot_dimension_numbers<[1], [0], [0], [1], [0, 0, 1, 1], [], []>, transpose_lhs_hint = false} : vector<1000x128xf32>, vector<128x128xf32>, vector<1000x128xf32> -> vector<1000x128xf32>
    %get3A_19 = arith.constant 0 : index
    %get3A_20 = arith.constant 0 : index
    %get3A_21 = vector.load %arg5[%get3A_19, %get3A_20] : memref<1000x128xf32, #tpu.memory_space<vmem>>, vector<1000x128xf32>
    %add3A_22 = arith.addf %dot_general3A_18, %get3A_21 : vector<1000x128xf32>
    %max3A_23 = arith.constant 0.000000e+00 : f32
    %max3A_24 = vector.broadcast %max3A_23 : f32 to vector<1000x128xf32>
    %max3A_25 = arith.maximumf %add3A_22, %max3A_24 : vector<1000x128xf32>
    %swap3A = arith.constant 0 : index
    %swap3A_26 = arith.constant 0 : index
    %swap3A_27 = vector.load %arg7[%swap3A, %swap3A_26] : memref<1000x128xf32, #tpu.memory_space<vmem>>, vector<1000x128xf32>
    tpu.vector_store %arg7[%swap3A, %swap3A_26], %max3A_25 {strides = array<i32>} : memref<1000x128xf32, #tpu.memory_space<vmem>>, vector<1000x128xf32>,
    return
  }
  func.func @transform_0(%arg0: i32) -> (i32, i32) {
    %c0_i32 = arith.constant 0 : i32
    %c0_i32_0 = arith.constant 0 : i32
    return %arg0, %c0_i32 : i32, i32
  }
  func.func @transform_1(%arg0: i32) -> (i32, i32) {
    %c0_i32 = arith.constant 0 : i32
    %c0_i32_0 = arith.constant 0 : i32
    return %arg0, %c0_i32 : i32, i32
  }
  func.func @transform_2(%arg0: i32) -> (i32, i32) {
    %c0_i32 = arith.constant 0 : i32
    %c0_i32_0 = arith.constant 0 : i32
    return %arg0, %c0_i32 : i32, i32
  }
  func.func @transform_3(%arg0: i32) -> (i32, i32) {
    %c0_i32 = arith.constant 0 : i32
    %c0_i32_0 = arith.constant 0 : i32
    return %arg0, %c0_i32 : i32, i32
  }
  func.func @transform_4(%arg0: i32) -> (i32, i32) {
    %c0_i32 = arith.constant 0 : i32
    %c0_i32_0 = arith.constant 0 : i32
    return %arg0, %c0_i32 : i32, i32
  }
  func.func @transform_5(%arg0: i32) -> (i32, i32) {
    %c0_i32 = arith.constant 0 : i32
    %c0_i32_0 = arith.constant 0 : i32
    %c0_i32_1 = arith.constant 0 : i32
    return %c0_i32, %c0_i32_0 : i32, i32
  }
  func.func @transform_6(%arg0: i32) -> (i32, i32) {
    %c0_i32 = arith.constant 0 : i32
    %c0_i32_0 = arith.constant 0 : i32
    return %arg0, %c0_i32 : i32, i32
  }
}

</mosaic_0001>

<sc_bundles>
// kernel: kernel.12.cloned.1.call-start
scs
__scs_entry_jumppad:
0x0: {  	(pc) =	sbr.rel $0x88, $3  }
0x1: {  	(tag) =	ssettag $0x0;
	lr =	simm.s32 $0x1  }
0x2: {  	[smem:$0x3F97] =	sst lr;
	_ =	strace $0xD0000000  }
0x3: {  	_ = 	snop  }
0x4: {  	_ = 	snop  }
0x5: {  	_ = 	snop  }
0x6: {  	_ = 	snop  }
0x7: {  	_ = 	snop  }
__scs_overlays_trampoline_lowered:
0x8: {  	[smem:$0x3FA6] =	sst s0  }
0x9: {  	[smem:$0x3FA7] =	sst s1  }
0xa: {  	[smem:$0x3FA8] =	sst s2  }
0xb: {  	[smem:$0x3FA9] =	sst s3  }
0xc: {  	[smem:$0x3FAA] =	sst s4  }
0xd: {  	[smem:$0x3FAB] =	sst s5  }
0xe: {  	[smem:$0x3FAC] =	sst s6  }
0xf: {  	[smem:$0x3FAD] =	sst s7  }
0x10: {  	[smem:$0x3FAE] =	sst s8  }
0x11: {  	[smem:$0x3FAF] =	sst s9;
	s0 =	simm.s32 @!p0 $0x0  }
0x12: {  	s1 =	sld [smem:$0x3F95];
	s0 =	simm.s32 @p0 $0x1  }
0x13: {  	[smem:$0x3FB0] =	sst s0;
	s0 =	simm.s32 @!p1 $0x0  }
0x14: {  	s2 =	sld [smem:$0x3F94];
	s0 =	simm.s32 @p1 $0x1  }
0x15: {  	[smem:$0x3FB1] =	sst s0;
	s0 =	simm.s32 @!p2 $0x0  }
0x16: {  	s3 =	sld [smem:$0x3FDB];
	s0 =	simm.s32 @p2 $0x1  }
0x17: {  	s4 =	simm.s32 $0x1BF5;
	[smem:$0x3FB3] =	sst s0  }
0x18: {  	s0 =	sld [smem:$0x3F96];
	_ =	swait.ge [sflag:s4], $0x0  }
0x19: {  	s7 =	sld [smem:$0x3F97]  }
0x1a: {  	s8 =	sadd.s32 $0xFFFFE003, lr  }
0x1b: {  	s9 =	sadd.s32 $0xFFFFFEF7, lr;
	s5 =	simm.s32 $0xFFFFFFFF;
	p2 =	slt.u32 s8, $0xFFFFF086  }
0x1c: {  	p1 =	slt.u32 s9, $0xF7A;
	s5 =	simm.s32 @!p2 $0x0  }
0x1d: {  	s5 =	simm.s32 @p1 $0x1;
	p0 =	seq.s32 s7, s2  }
0x1e: {  	s7 =	smul.u32 @!p0 $0xF7A, s2;
	p2 =	seq.s32 @!p0 s5, $0x0  }
0x1f: {  	s9 =	smul.u32 $0xF7A, s1;
	s8 =	simm.s32 @!p0 $0x1BF5;
	p2 =	por !p2, p0  }
0x20: {  	[sflag:s8] =	ssyncset.s32 @!p0 $0xFFFFF086;
	s6 =	sadd.s32 @!p0 s3, s7;
	s7 =	simm.s32 @!p0 $0x108  }
0x21: {  	s3 =	sadd.s32 s3, s9;
	s6 =	sadd.s32 @!p0 $0x88, s6;
	s7 =	simm.s32 @p2 $0x1082  }
0x22: {  	[simem:s7], [sflag:s8] =	dma.local @!p0 [hbm:s6], $0xF7A  }
0x23: {  	s9 =	sor.u32 $0xD0000000, s2;
	s6 =	simm.s32 $0x108;
	_ =	swait.ge @!p0 [sflag:s8], $0x0  }
0x24: {  	s3 =	sadd.s32 $0x88, s3;
	s6 =	simm.s32 @!p1 $0x1082;
	[sflag:s4] =	ssyncset.s32 $0xFFFFF086  }
0x25: {  	[simem:s6], [sflag:s4] =	dma.local [hbm:s3], $0xF7A  }
0x26: {  	[smem:$0x3F97] =	sst s1;
	(tag) =	ssettag s2;
	_ =	strace s9  }
0x27: {  	s1 =	sld [smem:$0x3FA7]  }
0x28: {  	s2 =	sld [smem:$0x3FA8]  }
0x29: {  	s4 =	sld [smem:$0x3FAA]  }
0x2a: {  	p0 =	seq.s32 s5, $0x0;
	s5 =	sld [smem:$0x3FAB]  }
0x2b: {  	s6 =	sld [smem:$0x3FAC]  }
0x2c: {  	s7 =	sld [smem:$0x3FAD]  }
0x2d: {  	s3 =	simm.s32 $0x108;
	s8 =	sld [smem:$0x3FAE]  }
0x2e: {  	s3 =	simm.s32 @!p0 $0x1082;
	s9 =	sld [smem:$0x3FAF]  }
0x2f: {  	lr =	sadd.s32 s0, s3;
	s0 =	sld [smem:$0x3FA6]  }
0x30: {  	s3 =	sld [smem:$0x3FA9]  }
0x31: {  	[smem:$0x3FB2] =	sst s10  }
0x32: {  	s10 =	sld [smem:$0x3FB0];
	_ =	sdelay $0x3  }
0x33: {  	p0 =	seq.s32 s10, $0x1;
	s10 =	sld [smem:$0x3FB2];
	_ =	sdelay $0x3  }
0x34: {  	[smem:$0x3FB2] =	sst s10  }
0x35: {  	s10 =	sld [smem:$0x3FB1];
	_ =	sdelay $0x3  }
0x36: {  	p1 =	seq.s32 s10, $0x1;
	s10 =	sld [smem:$0x3FB2];
	_ =	sdelay $0x3  }
0x37: {  	[smem:$0x3FB2] =	sst s10  }
0x38: {  	s10 =	sld [smem:$0x3FB3]  }
0x39: {  	_ = 	snop;
	(pc) =	sbr.ind lr, $3  }
0x3a: {  	_ = 	snop  }
0x3b: {  	_ = 	snop  }
0x3c: {  	p2 =	seq.s32 s10, $0x1;
	s10 =	sld [smem:$0x3FB2]  }
0x3d: {  	_ =	shalt  }
0x3e: {  	_ =	shalt  }
0x3f: {  	_ =	shalt  }
0x40: {  	_ =	shalt  }
0x41: {  	_ =	shalt  }
0x42: {  	_ =	shalt  }
0x43: {  	_ =	shalt  }
0x44: {  	_ =	shalt  }
0x45: {  	_ =	shalt  }
0x46: {  	_ =	shalt  }
0x47: {  	_ =	shalt  }
0x48: {  	_ =	shalt  }
0x49: {  	_ =	shalt  }
0x4a: {  	_ =	shalt  }
0x4b: {  	_ =	shalt  }
0x4c: {  	_ =	shalt  }
0x4d: {  	_ =	shalt  }
0x4e: {  	_ =	shalt  }
0x4f: {  	_ =	shalt  }
0x50: {  	_ =	shalt  }
0x51: {  	_ =	shalt  }
0x52: {  	_ =	shalt  }
0x53: {  	_ =	shalt  }
0x54: {  	_ =	shalt  }
0x55: {  	_ =	shalt  }
0x56: {  	_ =	shalt  }
0x57: {  	_ =	shalt  }
0x58: {  	_ =	shalt  }
0x59: {  	_ =	shalt  }
0x5a: {  	_ =	shalt  }
0x5b: {  	_ =	shalt  }
0x5c: {  	_ =	shalt  }
0x5d: {  	_ =	shalt  }
0x5e: {  	_ =	shalt  }
0x5f: {  	_ =	shalt  }
0x60: {  	_ =	shalt  }
0x61: {  	_ =	shalt  }
0x62: {  	_ =	shalt  }
0x63: {  	_ =	shalt  }
0x64: {  	_ =	shalt  }
0x65: {  	_ =	shalt  }
0x66: {  	_ =	shalt  }
0x67: {  	_ =	shalt  }
0x68: {  	_ =	shalt  }
0x69: {  	_ =	shalt  }
0x6a: {  	_ =	shalt  }
0x6b: {  	_ =	shalt  }
0x6c: {  	_ =	shalt  }
0x6d: {  	_ =	shalt  }
0x6e: {  	_ =	shalt  }
0x6f: {  	_ =	shalt  }
0x70: {  	_ =	shalt  }
0x71: {  	_ =	shalt  }
0x72: {  	_ =	shalt  }
0x73: {  	_ =	shalt  }
0x74: {  	_ =	shalt  }
0x75: {  	_ =	shalt  }
0x76: {  	_ =	shalt  }
0x77: {  	_ =	shalt  }
0x78: {  	_ =	shalt  }
0x79: {  	_ =	shalt  }
0x7a: {  	_ =	shalt  }
0x7b: {  	_ =	shalt  }
0x7c: {  	_ =	shalt  }
0x7d: {  	_ =	shalt  }
0x7e: {  	_ =	shalt  }
0x7f: {  	_ =	shalt  }
0x80: {  	_ =	shalt  }
0x81: {  	_ =	shalt  }
0x82: {  	_ =	shalt  }
0x83: {  	_ =	shalt  }
0x84: {  	_ =	shalt  }
0x85: {  	_ =	shalt  }
0x86: {  	_ =	shalt  }
0x87: {  	_ =	shalt  }
.Lfunc_end0:
.L_simem_size_0:
called_computation_lowered:
.L_overlay_start_0:
0x88: {  	s2 =	sld [smem:$0x3FD9]  }
0x89: {  	s3 =	sld [smem:$0x3FFE];
	_ =	sdelay $0x1  }
0x8a: {  	s1 =	srdreg.scid  }
0x8b: {  	s0 =	sand.u32 $0x1, s1  }
0x8c: {  	s14 =	sshll.u32 s0, $0xA;
	s2 =	sadd.s32 s3, s2  }
0x8d: {  	s2 =	sadd.s32 s2, s14  }
0x8e: {  	[smem:$0x3FBE] =	sst s2  }
0x8f: {  	_ = 	snop  }
0x90: {  	s2 =	sld [smem:$0x3FD0];
	_ =	sdelay $0x2  }
0x91: {  	s15 =	simm.s32 $0xA;
	s4 =	simm.s32 $0x10  }
0x92: {  	[smem:s4], [sflag:s15] =	dma.local [hbm:s2], $0x1  }
0x93: {  	_ =	swait.eq [sflag:s15], $0x1  }
0x94: {  	s16 =	sld [smem:$0x10];
	[sflag:s15] =	ssyncset.done $0x0  }
0x95: {  	s17 =	sld [smem:$0x11];
	[sflag:s15] =	ssyncadd.s32 $0xFFFFFFFF  }
0x96: {  	s18 =	sld [smem:$0x12];
	(tm) =	ssettm $0x1  }
0x97: {  	s5 =	sld [smem:$0x3FFB];
	_ =	sdelay $0x3  }
0x98: {  	_ =	strace s5  }
0x99: {  	s5 =	sld [smem:$0x3FFC];
	_ =	sdelay $0x3  }
0x9a: {  	_ =	strace s5  }
0x9b: {  	s5 =	sld [smem:$0x3FFD];
	_ =	sdelay $0x3  }
0x9c: {  	_ =	strace s5  }
0x9d: {  	_ =	strace $0x8FFFFFFF  }
0x9e: {  	s19 =	sld [smem:$0x3FDB];
	_ =	sdelay $0x1  }
0x9f: {  	s6 =	simm.s32 $_scs_section_size  }
0xa0: {  	s7 =	simm.s32 $_size__tile_overlayer_lowered;
	s8 =	simm.s32 $_tile_overlayer_lowered  }
0xa1: {  	s22 =	simm.s32 $0x1BFF;
	s21 =	sshll.u32 s8, $0x1;
	s5 =	sadd.s32 s6, s19  }
0xa2: {  	s9 =	simm.s32 $0x0;
	s20 =	sshll.u32 s7, $0x1;
	s7 =	sadd.s32 s21, s5  }
0xa3: {  	[timem:s9], [sflag:s22] =	dma.local [hbm:s7], s20  }
0xa4: {  	_ =	swait.ge [sflag:s22], s20  }
0xa5: {  	s6 =	ssub.s32 $0x0, s20;
	[sflag:s22] =	ssyncset.done $0x0  }
0xa6: {  	[sflag:s22] =	ssyncadd.s32 s6;
	_ =	sdelay $0x1  }
0xa7: {  	s23 =	simm.s32 $0x1B8B  }
0xa8: {  	_ =	swait.ge [sflag:s23], $0x1  }
0xa9: {  	[sflag:s23] =	ssyncset.done $0x0  }
0xaa: {  	s25 =	simm.s32 $0x1B8E;
	s24 =	sld [smem:$0x3FFE];
	[sflag:s23] =	ssyncadd.s32 $0xFFFFFFFF  }
0xab: {  	s26 =	simm.s32 $execute0_lowered;
	[smem:$0x3FD2] =	sst s25  }
0xac: {  	s7 =	sshll.u32 s26, $0x1;
	_ =	strace $0x80000046;
	[dreg:$0x1] =	wrdreg $0xFFFFFFFF  }
0xad: {  	s28 =	simm.s32 $_size_execute0_lowered;
	s5 =	sadd.s32 s5, s7;
	[dreg:$0x0] =	wrdreg $0x0  }
0xae: {  	s7 =	sshll.u32 s28, $0x1;
	[dreg:$0x2] =	wrdreg s5  }
0xaf: {  	[dreg:$0x3] =	wrdreg s7  }
0xb0: {  	[dreg:$0x4] =	wrdreg $0xC0  }
0xb1: {  	_ =	task [dreg:s9], $0x5FFFF  }
0xb2: {  	[dreg:$0x1] =	wrdreg $0xFFFFFFFF  }
0xb3: {  	[dreg:$0x0] =	wrdreg $0x60  }
0xb4: {  	[dreg:$0x2] =	wrdreg s24  }
0xb5: {  	[dreg:$0x3] =	wrdreg s17  }
0xb6: {  	[dreg:$0x4] =	wrdreg s16  }
0xb7: {  	[dreg:$0x5] =	wrdreg s18  }
0xb8: {  	[dreg:$0x6] =	wrdreg $0x50000  }
0xb9: {  	[dreg:$0x7] =	wrdreg $0x9  }
0xba: {  	_ =	task.clear_ibuf [dreg:s9], $0x8FFFF;
	_ =	strace $0x90000046  }
0xbb: {  	s29 =	simm.s32 $0x9;
	_ =	strace $0x80000048  }
0xbc: {  	_ =	swait.ge [sflag:s29], $0x1  }
0xbd: {  	[sflag:s29] =	ssyncadd.s32 $0xFFFFFFFF  }
0xbe: {  	_ =	strace $0x90000048  }
0xbf: {  	_ =	sfence  }
0xc0: {  	s30 =	sld [smem:$0x0];
	_ =	sdelay $0x2  }
0xc1: {  	s31 =	sshll.u32 s1, $0xD;
	s1 =	sshrl.u32 s1, $0x2  }
0xc2: {  	s3 =	sand.u32 $0x4000, s31;
	s1 =	sadd.s32 s1, s30  }
0xc3: {  	s0 =	sor.u32 s3, s0;
	s1 =	sshll.u32 s1, $0x11  }
0xc4: {  	s0 =	sor.u32 s1, s0  }
0xc5: {  	s0 =	sadd.s32 $0x8F2B, s0  }
0xc6: {  	[sflag:s0] =	ssyncadd.remote.s32 $0x1  }
0xc7: {  	_ =	sfence.sel $0xFFFF  }
0xc8: {  	[dreg:$0x0] =	wrdreg $0xFFFFFFFF;
	(pc) =	sbr.abs _section_cstart, $3  }
0xc9: {  	[dreg:$0x1] =	wrdreg $0xFFFFFFFF  }
0xca: {  	_ =	task.clear_ibuf [dreg:s9], $0x2FFFF;
	_ =	strace $0x9FFFFFFF  }
0xcb: {  	(tm) =	ssettm $0x7FFFFFFF  }
tec
execute0_lowered:
.L_overlay_start_1:
0x0: {  	(tag) =	ssettag $0x1  }
0x1: {  	s5 =	rddreg [dreg:$0x0]  }
0x2: {  	s0 =	rddreg [dreg:$0x1]  }
0x3: {  	s1 =	rddreg [dreg:$0x2];
	s2 =	srdreg.scid  }
0x4: {  	s8 =	stileid.u32;
	s6 =	rddreg [dreg:$0x3]  }
0x5: {  	s3 =	rddreg [dreg:$0x4];
	s4 =	simm.s32 $0x0;
	s12 =	simm.s32 $0x50  }
0x6: {  	s13 =	simm.s32 $0x0;
	s7 =	sand.u32 $0x1, s2;
	s2 =	rddreg [dreg:$0x5]  }
0x7: {  	s30 =	sshll.u32 s8, $0x1;
	[smem:$0x7FF] =	sst s4;
	p0 =	sne.s32 s8, $0x0  }
0x8: {  	s9 =	sor.u32 s7, s30;
	s10 =	ssub.s32 $0x2, s7;
	s7 =	smul.u32 $0x500, s7  }
0x9: {  	s8 =	simm.s32 $0x1;
	_ =	strace $0x80000047;
	s9 =	smul.u32 $0x4E2, s9  }
0xa: {  	s11 =	sshrl.u32 @!p0 s3, $0x3;
	s31 =	sshrl.u32 s10, $0x1;
	s6 =	sadd.s32 s6, s7  }
0xb: {  	s5 =	sadd.s32 s9, s5;
	s9 =	ssub.s32 s10, s31;
	s10 =	simm.s32 $0x4F80  }
0xc: {  	v0 =	vimm.f32 $1.000000000e+00;
	s5 =	sadd.s32 $0xDC00, s5;
	s7 =	smax.u32 s9, $0x1;
	s9 =	simm.s32 $0x2780  }
.LBB2_1:
0xd: {  	[tilespmem:s4], [sflag:$0x1] =	stream.linear.gather [hbm4b:s5+s4], $0x2710, $0x38;
	[tilespmem:$0x5280] =	vst v63  }
0xe: {  	_ =	swait.ge [sflag:s8], $0x2710  }
0xf: {  	[sflag:s8] =	ssyncset.done $0x0  }
0x10: {  	[sflag:s8] =	ssyncadd.s32 $0xFFFFD8F0  }
0x11: {  	[tilespmem:s9], [sflag:$0x1] =	stream.linear.gather [hbm4b:s0+s4], $0x2800, $0x38;
	[tilespmem:$0x5280] =	vst v63  }
0x12: {  	_ =	swait.ge [sflag:s8], $0x2800  }
0x13: {  	[sflag:s8] =	ssyncset.done $0x0  }
0x14: {  	[sflag:s8] =	ssyncadd.s32 $0xFFFFD800  }
0x15: {  	[tilespmem:s10], [sflag:$0x1] =	stream.linear.gather [hbm4b:s1+s4], $0x80, $0x38;
	[tilespmem:$0x5280] =	vst v63  }
0x16: {  	_ =	swait.ge [sflag:s8], $0x80  }
0x17: {  	[sflag:s8] =	ssyncset.done $0x0  }
0x18: {  	s14 =	simm.s32 @!p0 $0x1C01;
	[sflag:s8] =	ssyncadd.s32 $0xFFFFFF80  }
0x19: {  	[spmem:s11], [sflag:s14] =	dma.local @!p0 [hbm:s0], $0x500  }
0x1a: {  	s14 =	simm.s32 @!p0 $0x1  }
0x1b: {  	_ =	swait.ge @!p0 [sflag:s14], $0x500  }
0x1c: {  	[sflag:s14] =	ssyncset.done @!p0 $0x0  }
0x1d: {  	s15 =	simm.s32 $0x0;
	[sflag:s14] =	ssyncadd.s32 @!p0 $0xFFFFFB00;
	s14 =	simm.s32 $0x40  }
.LBB2_2:
0x1e: {  	p1 =	sne.s32 s14, $0x9C00;
	v1 =	vld [tilespmem:s15+$0x0];
	_ =	sdelay $0x3  }
.Ltmp0:
0x1f: {  	(pc) =	sbr.rel @p1 .LBB2_2-.Ltmp0, $2  }
0x20: {  	_ =	sdelay $0x2  }
0x21: {  	s15 =	sshra.s32 s14, $0x2;
	s14 =	sadd.s32 $0x40, s14;
	[tilespmem:v1+s9+$0x0] =	vst.idx.add.f32.msk $0xffff, v0  }
0x22: {  	v1 =	vld [tilespmem:s15+$0x0];
	_ =	sdelay $0x7  }
0x23: {  	[tilespmem:v1+s9+$0x0] =	vst.idx.add.f32.msk $0xffff, v0  }
0x24: {  	[bflag:$0x0] =	sbarrier.arrive $0xFFFF  }
0x25: {  	[spmem:s3] =	stream.indirect.scatter.add.f32 [tilespmem:s9], [sflag:$0x1], $0x80, s10, s12, $0xb8;
	[tilespmem:$0x5280] =	vst v63  }
0x26: {  	_ =	swait.ge [sflag:s8], $0x2800  }
0x27: {  	[sflag:s8] =	ssyncset.done $0x0  }
0x28: {  	s13 =	sadd.s32 $0x1, s13;
	[sflag:s8] =	ssyncadd.s32 $0xFFFFD800  }
0x29: {  	s14 =	simm.s32 @!p0 $0x1C01;
	p1 =	sne.s32 s13, s7;
	[bflag:$0x0] =	sbarrier.arrive $0xFFFF  }
0x2a: {  	[hbm:s6], [sflag:s14] =	dma.local @!p0 [spmem:s11], $0x500  }
.Ltmp1:
0x2b: {  	_ = 	snop;
	(pc) =	sbr.rel @p1 .LBB2_1-.Ltmp1, $4  }
0x2c: {  	s14 =	simm.s32 @!p0 $0x1  }
0x2d: {  	_ =	swait.ge @!p0 [sflag:s14], $0x500  }
0x2e: {  	[sflag:s14] =	ssyncset.done @!p0 $0x0  }
0x2f: {  	[sflag:s14] =	ssyncadd.s32 @!p0 $0xFFFFFB00  }
0x30: {  	_ =	sfence.sel $0x180000  }
0x31: {  	[bflag:$0x0] =	sbarrier.arrive $0xFFFF  }
0x32: {  	_ =	strace $0x90000047  }
0x33: {  	s0 =	sadd.s32 @!p0 $0x100000, s2;
	[bflag:$0x2] =	sbarrier.arrive $0xFFFF  }
0x34: {  	[sflag:s0] =	ssyncadd.tile.s32 @!p0 $0x1;
	_ =	shalt  }
.Lfunc_end2:
_tile_overlayer_lowered:
.L_overlay_start_2:
0x35: {  	(tag) =	ssettag $0x2  }
0x36: {  	s0 =	rddreg [dreg:$0x0];
	s2 =	stileid.u32  }
0x37: {  	s1 =	rddreg [dreg:$0x1];
	p0 =	sne.s32 s2, $0x0  }
0x38: {  	s3 =	rddreg [dreg:$0x2];
	[bflag:$0x3] =	sbarrier.arrive $0xFFFF;
	s2 =	simm.s32 @!p0 $0x1C01  }
0x39: {  	[timem:s3], [sflag:s2] =	dma.local @!p0 [hbm:s0], s1  }
0x3a: {  	s0 =	simm.s32 @!p0 $0x1  }
0x3b: {  	_ =	swait.ge @!p0 [sflag:s0], s1  }
0x3c: {  	s1 =	ssub.s32 @!p0 $0x0, s1;
	[sflag:s0] =	ssyncset.done @!p0 $0x0  }
0x3d: {  	[sflag:s0] =	ssyncadd.s32 @!p0 s1  }
0x3e: {  	[bflag:$0x3] =	sbarrier.arrive $0xFFFF  }
0x3f: {  	_ =	shalt  }

// kernel: kernel.15.cloned.1.call-start
scs
__scs_entry_jumppad:
0x0: {  	(pc) =	sbr.rel $0x88, $3  }
0x1: {  	(tag) =	ssettag $0x0;
	lr =	simm.s32 $0x1  }
0x2: {  	[smem:$0x3F97] =	sst lr;
	_ =	strace $0xD0000000  }
0x3: {  	_ = 	snop  }
0x4: {  	_ = 	snop  }
0x5: {  	_ = 	snop  }
0x6: {  	_ = 	snop  }
0x7: {  	_ = 	snop  }
__scs_overlays_trampoline_lowered:
0x8: {  	[smem:$0x3FA6] =	sst s0  }
0x9: {  	[smem:$0x3FA7] =	sst s1  }
0xa: {  	[smem:$0x3FA8] =	sst s2  }
0xb: {  	[smem:$0x3FA9] =	sst s3  }
0xc: {  	[smem:$0x3FAA] =	sst s4  }
0xd: {  	[smem:$0x3FAB] =	sst s5  }
0xe: {  	[smem:$0x3FAC] =	sst s6  }
0xf: {  	[smem:$0x3FAD] =	sst s7  }
0x10: {  	[smem:$0x3FAE] =	sst s8  }
0x11: {  	[smem:$0x3FAF] =	sst s9;
	s0 =	simm.s32 @!p0 $0x0  }
0x12: {  	s1 =	sld [smem:$0x3F95];
	s0 =	simm.s32 @p0 $0x1  }
0x13: {  	[smem:$0x3FB0] =	sst s0;
	s0 =	simm.s32 @!p1 $0x0  }
0x14: {  	s2 =	sld [smem:$0x3F94];
	s0 =	simm.s32 @p1 $0x1  }
0x15: {  	[smem:$0x3FB1] =	sst s0;
	s0 =	simm.s32 @!p2 $0x0  }
0x16: {  	s3 =	sld [smem:$0x3FDB];
	s0 =	simm.s32 @p2 $0x1  }
0x17: {  	s4 =	simm.s32 $0x1BF5;
	[smem:$0x3FB3] =	sst s0  }
0x18: {  	s0 =	sld [smem:$0x3F96];
	_ =	swait.ge [sflag:s4], $0x0  }
0x19: {  	s7 =	sld [smem:$0x3F97]  }
0x1a: {  	s8 =	sadd.s32 $0xFFFFE003, lr  }
0x1b: {  	s9 =	sadd.s32 $0xFFFFFEF7, lr;
	s5 =	simm.s32 $0xFFFFFFFF;
	p2 =	slt.u32 s8, $0xFFFFF086  }
0x1c: {  	p1 =	slt.u32 s9, $0xF7A;
	s5 =	simm.s32 @!p2 $0x0  }
0x1d: {  	s5 =	simm.s32 @p1 $0x1;
	p0 =	seq.s32 s7, s2  }
0x1e: {  	s7 =	smul.u32 @!p0 $0xF7A, s2;
	p2 =	seq.s32 @!p0 s5, $0x0  }
0x1f: {  	s9 =	smul.u32 $0xF7A, s1;
	s8 =	simm.s32 @!p0 $0x1BF5;
	p2 =	por !p2, p0  }
0x20: {  	[sflag:s8] =	ssyncset.s32 @!p0 $0xFFFFF086;
	s6 =	sadd.s32 @!p0 s3, s7;
	s7 =	simm.s32 @!p0 $0x108  }
0x21: {  	s3 =	sadd.s32 s3, s9;
	s6 =	sadd.s32 @!p0 $0x88, s6;
	s7 =	simm.s32 @p2 $0x1082  }
0x22: {  	[simem:s7], [sflag:s8] =	dma.local @!p0 [hbm:s6], $0xF7A  }
0x23: {  	s9 =	sor.u32 $0xD0000000, s2;
	s6 =	simm.s32 $0x108;
	_ =	swait.ge @!p0 [sflag:s8], $0x0  }
0x24: {  	s3 =	sadd.s32 $0x88, s3;
	s6 =	simm.s32 @!p1 $0x1082;
	[sflag:s4] =	ssyncset.s32 $0xFFFFF086  }
0x25: {  	[simem:s6], [sflag:s4] =	dma.local [hbm:s3], $0xF7A  }
0x26: {  	[smem:$0x3F97] =	sst s1;
	(tag) =	ssettag s2;
	_ =	strace s9  }
0x27: {  	s1 =	sld [smem:$0x3FA7]  }
0x28: {  	s2 =	sld [smem:$0x3FA8]  }
0x29: {  	s4 =	sld [smem:$0x3FAA]  }
0x2a: {  	p0 =	seq.s32 s5, $0x0;
	s5 =	sld [smem:$0x3FAB]  }
0x2b: {  	s6 =	sld [smem:$0x3FAC]  }
0x2c: {  	s7 =	sld [smem:$0x3FAD]  }
0x2d: {  	s3 =	simm.s32 $0x108;
	s8 =	sld [smem:$0x3FAE]  }
0x2e: {  	s3 =	simm.s32 @!p0 $0x1082;
	s9 =	sld [smem:$0x3FAF]  }
0x2f: {  	lr =	sadd.s32 s0, s3;
	s0 =	sld [smem:$0x3FA6]  }
0x30: {  	s3 =	sld [smem:$0x3FA9]  }
0x31: {  	[smem:$0x3FB2] =	sst s10  }
0x32: {  	s10 =	sld [smem:$0x3FB0];
	_ =	sdelay $0x3  }
0x33: {  	p0 =	seq.s32 s10, $0x1;
	s10 =	sld [smem:$0x3FB2];
	_ =	sdelay $0x3  }
0x34: {  	[smem:$0x3FB2] =	sst s10  }
0x35: {  	s10 =	sld [smem:$0x3FB1];
	_ =	sdelay $0x3  }
0x36: {  	p1 =	seq.s32 s10, $0x1;
	s10 =	sld [smem:$0x3FB2];
	_ =	sdelay $0x3  }
0x37: {  	[smem:$0x3FB2] =	sst s10  }
0x38: {  	s10 =	sld [smem:$0x3FB3]  }
0x39: {  	_ = 	snop;
	(pc) =	sbr.ind lr, $3  }
0x3a: {  	_ = 	snop  }
0x3b: {  	_ = 	snop  }
0x3c: {  	p2 =	seq.s32 s10, $0x1;
	s10 =	sld [smem:$0x3FB2]  }
0x3d: {  	_ =	shalt  }
0x3e: {  	_ =	shalt  }
0x3f: {  	_ =	shalt  }
0x40: {  	_ =	shalt  }
0x41: {  	_ =	shalt  }
0x42: {  	_ =	shalt  }
0x43: {  	_ =	shalt  }
0x44: {  	_ =	shalt  }
0x45: {  	_ =	shalt  }
0x46: {  	_ =	shalt  }
0x47: {  	_ =	shalt  }
0x48: {  	_ =	shalt  }
0x49: {  	_ =	shalt  }
0x4a: {  	_ =	shalt  }
0x4b: {  	_ =	shalt  }
0x4c: {  	_ =	shalt  }
0x4d: {  	_ =	shalt  }
0x4e: {  	_ =	shalt  }
0x4f: {  	_ =	shalt  }
0x50: {  	_ =	shalt  }
0x51: {  	_ =	shalt  }
0x52: {  	_ =	shalt  }
0x53: {  	_ =	shalt  }
0x54: {  	_ =	shalt  }
0x55: {  	_ =	shalt  }
0x56: {  	_ =	shalt  }
0x57: {  	_ =	shalt  }
0x58: {  	_ =	shalt  }
0x59: {  	_ =	shalt  }
0x5a: {  	_ =	shalt  }
0x5b: {  	_ =	shalt  }
0x5c: {  	_ =	shalt  }
0x5d: {  	_ =	shalt  }
0x5e: {  	_ =	shalt  }
0x5f: {  	_ =	shalt  }
0x60: {  	_ =	shalt  }
0x61: {  	_ =	shalt  }
0x62: {  	_ =	shalt  }
0x63: {  	_ =	shalt  }
0x64: {  	_ =	shalt  }
0x65: {  	_ =	shalt  }
0x66: {  	_ =	shalt  }
0x67: {  	_ =	shalt  }
0x68: {  	_ =	shalt  }
0x69: {  	_ =	shalt  }
0x6a: {  	_ =	shalt  }
0x6b: {  	_ =	shalt  }
0x6c: {  	_ =	shalt  }
0x6d: {  	_ =	shalt  }
0x6e: {  	_ =	shalt  }
0x6f: {  	_ =	shalt  }
0x70: {  	_ =	shalt  }
0x71: {  	_ =	shalt  }
0x72: {  	_ =	shalt  }
0x73: {  	_ =	shalt  }
0x74: {  	_ =	shalt  }
0x75: {  	_ =	shalt  }
0x76: {  	_ =	shalt  }
0x77: {  	_ =	shalt  }
0x78: {  	_ =	shalt  }
0x79: {  	_ =	shalt  }
0x7a: {  	_ =	shalt  }
0x7b: {  	_ =	shalt  }
0x7c: {  	_ =	shalt  }
0x7d: {  	_ =	shalt  }
0x7e: {  	_ =	shalt  }
0x7f: {  	_ =	shalt  }
0x80: {  	_ =	shalt  }
0x81: {  	_ =	shalt  }
0x82: {  	_ =	shalt  }
0x83: {  	_ =	shalt  }
0x84: {  	_ =	shalt  }
0x85: {  	_ =	shalt  }
0x86: {  	_ =	shalt  }
0x87: {  	_ =	shalt  }
.Lfunc_end0:
.L_simem_size_0:
called_computation.1_lowered:
.L_overlay_start_0:
0x88: {  	s2 =	sld [smem:$0x3FD9]  }
0x89: {  	s3 =	sld [smem:$0x3FFE];
	_ =	sdelay $0x1  }
0x8a: {  	s1 =	srdreg.scid  }
0x8b: {  	s0 =	sand.u32 $0x1, s1  }
0x8c: {  	s14 =	sshll.u32 s0, $0xA;
	s2 =	sadd.s32 s3, s2  }
0x8d: {  	s2 =	sadd.s32 s2, s14  }
0x8e: {  	[smem:$0x3FBE] =	sst s2  }
0x8f: {  	_ = 	snop  }
0x90: {  	s2 =	sld [smem:$0x3FD0];
	_ =	sdelay $0x2  }
0x91: {  	s15 =	simm.s32 $0xA;
	s4 =	simm.s32 $0x10  }
0x92: {  	[smem:s4], [sflag:s15] =	dma.local [hbm:s2], $0x1  }
0x93: {  	_ =	swait.eq [sflag:s15], $0x1  }
0x94: {  	[sflag:s15] =	ssyncset.done $0x0  }
0x95: {  	[sflag:s15] =	ssyncadd.s32 $0xFFFFFFFF  }
0x96: {  	s16 =	sld [smem:$0x11];
	(tm) =	ssettm $0x1  }
0x97: {  	s17 =	sld [smem:$0x3FFB];
	_ =	sdelay $0x3  }
0x98: {  	_ =	strace s17  }
0x99: {  	s3 =	sld [smem:$0x3FFC];
	_ =	sdelay $0x3  }
0x9a: {  	_ =	strace s3  }
0x9b: {  	s3 =	sld [smem:$0x3FFD];
	_ =	sdelay $0x3  }
0x9c: {  	_ =	strace s3  }
0x9d: {  	_ =	strace $0x8FFFFFFF  }
0x9e: {  	s18 =	sld [smem:$0x3FDB];
	_ =	sdelay $0x1  }
0x9f: {  	s19 =	simm.s32 $_scs_section_size  }
0xa0: {  	s5 =	simm.s32 $_size__tile_overlayer_lowered;
	s6 =	simm.s32 $_tile_overlayer_lowered  }
0xa1: {  	s22 =	simm.s32 $0x1BFF;
	s21 =	sshll.u32 s6, $0x1;
	s3 =	sadd.s32 s19, s18  }
0xa2: {  	s7 =	simm.s32 $0x0;
	s20 =	sshll.u32 s5, $0x1;
	s5 =	sadd.s32 s21, s3  }
0xa3: {  	[timem:s7], [sflag:s22] =	dma.local [hbm:s5], s20  }
0xa4: {  	_ =	swait.ge [sflag:s22], s20  }
0xa5: {  	s4 =	ssub.s32 $0x0, s20;
	[sflag:s22] =	ssyncset.done $0x0  }
0xa6: {  	[sflag:s22] =	ssyncadd.s32 s4;
	_ =	sdelay $0x1  }
0xa7: {  	s23 =	simm.s32 $0x1B8B  }
0xa8: {  	_ =	swait.ge [sflag:s23], $0x1  }
0xa9: {  	[sflag:s23] =	ssyncset.done $0x0  }
0xaa: {  	s25 =	simm.s32 $0x1B8E;
	s24 =	sld [smem:$0x3FFE];
	[sflag:s23] =	ssyncadd.s32 $0xFFFFFFFF  }
0xab: {  	s26 =	simm.s32 $execute0_lowered;
	[smem:$0x3FD2] =	sst s25  }
0xac: {  	s5 =	sshll.u32 s26, $0x1;
	_ =	strace $0x80000049;
	[dreg:$0x1] =	wrdreg $0xFFFFFFFF  }
0xad: {  	s28 =	simm.s32 $_size_execute0_lowered;
	s3 =	sadd.s32 s3, s5;
	[dreg:$0x0] =	wrdreg $0x0  }
0xae: {  	s5 =	sshll.u32 s28, $0x1;
	[dreg:$0x2] =	wrdreg s3  }
0xaf: {  	[dreg:$0x3] =	wrdreg s5  }
0xb0: {  	[dreg:$0x4] =	wrdreg $0xC0  }
0xb1: {  	_ =	task [dreg:s7], $0x5FFFF  }
0xb2: {  	[dreg:$0x1] =	wrdreg $0xFFFFFFFF  }
0xb3: {  	[dreg:$0x0] =	wrdreg $0x60  }
0xb4: {  	[dreg:$0x2] =	wrdreg s16  }
0xb5: {  	[dreg:$0x3] =	wrdreg s24  }
0xb6: {  	[dreg:$0x4] =	wrdreg $0xC5000  }
0xb7: {  	[dreg:$0x5] =	wrdreg $0x9  }
0xb8: {  	_ =	task.clear_ibuf [dreg:s7], $0x6FFFF;
	_ =	strace $0x90000049  }
0xb9: {  	s29 =	simm.s32 $0x9;
	_ =	strace $0x8000004B  }
0xba: {  	_ =	swait.ge [sflag:s29], $0x1  }
0xbb: {  	[sflag:s29] =	ssyncadd.s32 $0xFFFFFFFF  }
0xbc: {  	_ =	strace $0x9000004B  }
0xbd: {  	_ =	sfence  }
0xbe: {  	s30 =	sld [smem:$0x0];
	_ =	sdelay $0x2  }
0xbf: {  	s31 =	sshll.u32 s1, $0xD;
	s1 =	sshrl.u32 s1, $0x2  }
0xc0: {  	s3 =	sand.u32 $0x4000, s31;
	s1 =	sadd.s32 s1, s30  }
0xc1: {  	s0 =	sor.u32 s3, s0;
	s1 =	sshll.u32 s1, $0x11  }
0xc2: {  	s0 =	sor.u32 s1, s0  }
0xc3: {  	s0 =	sadd.s32 $0x8F2B, s0  }
0xc4: {  	[sflag:s0] =	ssyncadd.remote.s32 $0x1  }
0xc5: {  	_ =	sfence.sel $0xFFFF  }
0xc6: {  	[dreg:$0x0] =	wrdreg $0xFFFFFFFF;
	(pc) =	sbr.abs _section_cstart, $3  }
0xc7: {  	[dreg:$0x1] =	wrdreg $0xFFFFFFFF  }
0xc8: {  	_ =	task.clear_ibuf [dreg:s7], $0x2FFFF;
	_ =	strace $0x9FFFFFFF  }
0xc9: {  	(tm) =	ssettm $0x7FFFFFFF  }
tec
execute0_lowered:
.L_overlay_start_1:
0x0: {  	(tag) =	ssettag $0x1  }
0x1: {  	s1 =	rddreg [dreg:$0x0]  }
0x2: {  	s0 =	rddreg [dreg:$0x1]  }
0x3: {  	s2 =	rddreg [dreg:$0x2]  }
0x4: {  	s14 =	stileid.u32;
	s3 =	srdreg.scid  }
0x5: {  	s4 =	simm.s32 $0x0;
	s28 =	simm.s32 $0x500;
	s29 =	simm.s32 $0x1  }
0x6: {  	s30 =	simm.s32 $0xC0;
	s31 =	simm.s32 $0x200;
	s3 =	sand.u32 $0x1, s3  }
0x7: {  	s5 =	sshll.u32 s14, $0x1;
	[smem:$0x7FF] =	sst s4;
	s8 =	smul.u32 $0x2700, s14  }
0x8: {  	s6 =	sadd.s32 $0x3E00, s0;
	s7 =	sadd.s32 $0xDC00, s0;
	s13 =	smul.u32 $0x4E000, s14  }
0x9: {  	s19 =	smul.u32 $0x4E20, s14;
	s20 =	sadd.s32 $0x138000, s2;
	p0 =	sne.s32 s14, $0x0  }
0xa: {  	s5 =	sor.u32 s3, s5;
	_ =	strace $0x8000004A;
	s9 =	smul.u32 $0x27100, s3  }
0xb: {  	s10 =	ssub.s32 $0x2, s3;
	s3 =	smul.u32 $0x2710, s3;
	[dreg:$0x9] =	wrdreg s20  }
0xc: {  	s5 =	smul.u32 $0x2710, s5;
	[dreg:$0x4] =	wrdreg s8;
	s8 =	sadd.s32 s8, s0  }
0xd: {  	s11 =	sshrl.u32 s10, $0x1;
	s18 =	sshrl.u32 s13, $0x2;
	s13 =	simm.s32 $0x0  }
0xe: {  	s9 =	sadd.s32 s9, s0;
	s10 =	ssub.s32 s10, s11;
	s11 =	sadd.s32 s18, s2  }
0xf: {  	s8 =	sadd.s32 $0x3EC00, s8;
	s0 =	sadd.s32 $0x65C00, s0;
	[dreg:$0x7] =	wrdreg s11  }
0x10: {  	s3 =	sadd.s32 s3, s19;
	s5 =	sshrl.u32 s5, $0x3;
	[dreg:$0x8] =	wrdreg s8  }
0x11: {  	[dreg:$0xa] =	wrdreg s0;
	s24 =	sadd.s32 $0x240, s3;
	s25 =	sadd.s32 $0x65E00, s9  }
0x12: {  	s26 =	smax.u32 s10, $0x1;
	s8 =	simm.s32 $0x3;
	[dreg:$0xf] =	wrdreg s25  }
0x13: {  	s9 =	simm.s32 $0x5;
	s21 =	sadd.s32 s6, s5;
	[dreg:$0x10] =	wrdreg s26  }
0x14: {  	s12 =	sadd.s32 $0x4E0, s5;
	s22 =	sadd.s32 s7, s5;
	[dreg:$0xb] =	wrdreg s21  }
0x15: {  	s10 =	simm.s32 $0x2;
	s16 =	sadd.s32 s6, s12;
	[dreg:$0xc] =	wrdreg s22  }
0x16: {  	s23 =	sadd.s32 $0x18, s5;
	s17 =	sadd.s32 s7, s12;
	[dreg:$0x5] =	wrdreg s16  }
0x17: {  	s11 =	simm.s32 $0x4;
	s5 =	sadd.s32 s6, s23;
	[dreg:$0x6] =	wrdreg s17  }
0x18: {  	s0 =	sadd.s32 s7, s23;
	s22 =	sadd.s32 $0x180, s3;
	[dreg:$0xd] =	wrdreg s5  }
0x19: {  	s3 =	simm.s32 $0x6500;
	s12 =	simm.s32 $0x6;
	[dreg:$0xe] =	wrdreg s0  }
0x1a: {  	s0 =	sshrl.u32 s24, $0x3;
	s24 =	simm.s32 $0x7;
	s5 =	simm.s32 $0x300  }
0x1b: {  	s20 =	sadd.s32 s0, s7;
	s21 =	sadd.s32 s0, s6;
	s0 =	simm.s32 $0x100  }
.LBB2_1:
0x1c: {  	s14 =	rddreg [dreg:$0x5];
	s15 =	simm.s32 $0x400  }
0x1d: {  	[tilespmem:s15], [sflag:$0x7] =	stream.linear.gather [hbm4b:s14+s4], $0x10, $0x38;
	[tilespmem:$0x1FD80] =	vst v63  }
0x1e: {  	_ =	swait.ge [sflag:s24], $0x10  }
0x1f: {  	[sflag:s24] =	ssyncset.done $0x0  }
0x20: {  	s18 =	simm.s32 $0x480;
	s26 =	rddreg [dreg:$0x6];
	[sflag:s24] =	ssyncadd.s32 $0xFFFFFFF0  }
0x21: {  	[tilespmem:s18], [sflag:$0x7] =	stream.linear.gather [hbm4b:s26+s4], $0x10, $0x38;
	[tilespmem:$0x1FD80] =	vst v63  }
0x22: {  	_ =	swait.ge [sflag:s24], $0x10  }
0x23: {  	s19 =	simm.s32 $0x10;
	s16 =	stileid.u32;
	[sflag:s24] =	ssyncset.done $0x0  }
0x24: {  	s14 =	sshll.u32 s16, $0x6;
	s17 =	rddreg [dreg:$0x7];
	[sflag:s24] =	ssyncadd.s32 $0xFFFFFFF0  }
0x25: {  	[tilespmem:s28], [sflag:$0x1] =	stream.indirect.gather [hbm4b:s1+s19], $0x80, s15, s19, $0xb8;
	[tilespmem:$0x1FD80] =	vst v63  }
0x26: {  	s14 =	sor.u32 $0x1C07, s14;
	s16 =	rddreg [dreg:$0x8];
	s15 =	sshrl.u32 s17, $0x3  }
0x27: {  	[spmem:s15], [sflag:s14] =	dma.local [hbm:s16], $0x2700  }
0x28: {  	_ =	swait.ge [sflag:s24], $0x2700  }
0x29: {  	[sflag:s24] =	ssyncset.done $0x0;
	s16 =	rddreg [dreg:$0x9]  }
0x2a: {  	s17 =	rddreg [dreg:$0xa];
	[sflag:s24] =	ssyncadd.s32 $0xFFFFD900;
	s16 =	sshrl.u32 @!p0 s16, $0x3  }
0x2b: {  	[spmem:s16], [sflag:s14] =	dma.local @!p0 [hbm:s17], $0x100  }
0x2c: {  	s17 =	simm.s32 @!p0 $0x7  }
0x2d: {  	_ =	swait.ge @!p0 [sflag:s17], $0x100  }
0x2e: {  	[sflag:s17] =	ssyncset.done @!p0 $0x0  }
0x2f: {  	[sflag:s17] =	ssyncadd.s32 @!p0 $0xFFFFFF00  }
0x30: {  	[bflag:$0x0] =	sbarrier.arrive $0xFFFF  }
0x31: {  	_ =	swait.ge [sflag:s29], $0x800  }
0x32: {  	[sflag:s29] =	ssyncset.done $0x0  }
0x33: {  	[sflag:s29] =	ssyncadd.s32 $0xFFFFF800  }
0x34: {  	[spmem:s2] =	stream.indirect.scatter.add.f32 [tilespmem:s28], [sflag:$0x7], $0x80, s18, s19, $0xb8;
	[tilespmem:$0x1FD80] =	vst v63  }
0x35: {  	_ =	swait.ge [sflag:s24], $0x800  }
0x36: {  	[sflag:s24] =	ssyncset.done $0x0  }
0x37: {  	s19 =	rddreg [dreg:$0xb];
	[sflag:s24] =	ssyncadd.s32 $0xFFFFF800  }
0x38: {  	[tilespmem:s4], [sflag:$0x7] =	stream.linear.gather [hbm4b:s19+s4], $0xC0, $0x38;
	[tilespmem:$0x1FD80] =	vst v63  }
0x39: {  	_ =	swait.ge [sflag:s24], $0xC0  }
0x3a: {  	[sflag:s24] =	ssyncset.done $0x0  }
0x3b: {  	[sflag:s24] =	ssyncadd.s32 $0xFFFFFF40  }
0x3c: {  	[tilespmem:s28], [sflag:$0x1] =	stream.indirect.gather [hbm4b:s1+s30], $0x80, s4, s30, $0xb8;
	[tilespmem:$0x1FD80] =	vst v63  }
0x3d: {  	s23 =	rddreg [dreg:$0xc]  }
0x3e: {  	[tilespmem:s31], [sflag:$0x3] =	stream.linear.gather [hbm4b:s23+s4], $0xC0, $0x38;
	[tilespmem:$0x1FD80] =	vst v63  }
0x3f: {  	s25 =	rddreg [dreg:$0xd]  }
0x40: {  	[tilespmem:s0], [sflag:$0x7] =	stream.linear.gather [hbm4b:s25+s4], $0xC0, $0x38;
	[tilespmem:$0x1FD80] =	vst v63  }
0x41: {  	_ =	swait.ge [sflag:s24], $0xC0  }
0x42: {  	[sflag:s24] =	ssyncset.done $0x0  }
0x43: {  	[sflag:s24] =	ssyncadd.s32 $0xFFFFFF40  }
0x44: {  	[tilespmem:s3], [sflag:$0x2] =	stream.indirect.gather [hbm4b:s1+s30], $0x80, s0, s30, $0xb8;
	[tilespmem:$0x1FD80] =	vst v63  }
0x45: {  	s26 =	rddreg [dreg:$0xe]  }
0x46: {  	[tilespmem:s5], [sflag:$0x4] =	stream.linear.gather [hbm4b:s26+s4], $0xC0, $0x38;
	[tilespmem:$0x1FD80] =	vst v63  }
0x47: {  	_ =	swait.ge [sflag:s29], $0x6000  }
0x48: {  	s18 =	sshrl.u32 s22, $0x3;
	[sflag:s29] =	ssyncset.done $0x0  }
0x49: {  	s23 =	sadd.s32 s6, s18;
	[sflag:s29] =	ssyncadd.s32 $0xFFFFA000  }
0x4a: {  	[tilespmem:s4], [sflag:$0x5] =	stream.linear.gather [hbm4b:s23+s4], $0xC0, $0x38;
	[tilespmem:$0x1FD80] =	vst v63  }
0x4b: {  	_ =	swait.ge [sflag:s8], $0xC0  }
0x4c: {  	[sflag:s8] =	ssyncset.done $0x0  }
0x4d: {  	[sflag:s8] =	ssyncadd.s32 $0xFFFFFF40  }
0x4e: {  	[spmem:s2] =	stream.indirect.scatter.add.f32 [tilespmem:s28], [sflag:$0x7], $0x80, s31, s30, $0xb8;
	[tilespmem:$0x1FD80] =	vst v63  }
0x4f: {  	_ =	swait.ge [sflag:s24], $0x6000  }
0x50: {  	[sflag:s24] =	ssyncset.done $0x0  }
0x51: {  	[sflag:s24] =	ssyncadd.s32 $0xFFFFA000  }
0x52: {  	_ =	swait.ge [sflag:s9], $0xC0  }
0x53: {  	[sflag:s9] =	ssyncset.done $0x0  }
0x54: {  	[sflag:s9] =	ssyncadd.s32 $0xFFFFFF40  }
0x55: {  	[tilespmem:s28], [sflag:$0x1] =	stream.indirect.gather [hbm4b:s1+s30], $0x80, s4, s30, $0xb8;
	[tilespmem:$0x1FD80] =	vst v63  }
0x56: {  	s17 =	sadd.s32 s7, s18  }
0x57: {  	[tilespmem:s31], [sflag:$0x3] =	stream.linear.gather [hbm4b:s17+s4], $0xC0, $0x38;
	[tilespmem:$0x1FD80] =	vst v63  }
0x58: {  	_ =	swait.ge [sflag:s10], $0x6000  }
0x59: {  	[sflag:s10] =	ssyncset.done $0x0  }
0x5a: {  	s25 =	sadd.s32 $0x0, s21;
	[sflag:s10] =	ssyncadd.s32 $0xFFFFA000  }
0x5b: {  	[tilespmem:s0], [sflag:$0x6] =	stream.linear.gather [hbm4b:s25+s4], $0xC0, $0x38;
	[tilespmem:$0x1FD80] =	vst v63  }
0x5c: {  	_ =	swait.ge [sflag:s11], $0xC0  }
0x5d: {  	[sflag:s11] =	ssyncset.done $0x0  }
0x5e: {  	[sflag:s11] =	ssyncadd.s32 $0xFFFFFF40  }
0x5f: {  	[spmem:s2] =	stream.indirect.scatter.add.f32 [tilespmem:s3], [sflag:$0x7], $0x80, s5, s30, $0xb8;
	[tilespmem:$0x1FD80] =	vst v63  }
0x60: {  	_ =	swait.ge [sflag:s24], $0x6000  }
0x61: {  	[sflag:s24] =	ssyncset.done $0x0  }
0x62: {  	[sflag:s24] =	ssyncadd.s32 $0xFFFFA000  }
0x63: {  	_ =	swait.ge [sflag:s12], $0xC0  }
0x64: {  	[sflag:s12] =	ssyncset.done $0x0  }
0x65: {  	[sflag:s12] =	ssyncadd.s32 $0xFFFFFF40  }
0x66: {  	[tilespmem:s3], [sflag:$0x2] =	stream.indirect.gather [hbm4b:s1+s30], $0x80, s0, s30, $0xb8;
	[tilespmem:$0x1FD80] =	vst v63  }
0x67: {  	s26 =	sadd.s32 $0x0, s20  }
0x68: {  	[tilespmem:s5], [sflag:$0x4] =	stream.linear.gather [hbm4b:s26+s4], $0xC0, $0x38;
	[tilespmem:$0x1FD80] =	vst v63  }
0x69: {  	s19 =	simm.s32 $0x60;
	_ =	swait.ge [sflag:s29], $0x6000  }
0x6a: {  	s23 =	sadd.s32 $0x180, s22;
	s17 =	simm.s32 $0x30;
	[sflag:s29] =	ssyncset.done $0x0  }
.LBB2_2:
0x6b: {  	p1 =	sne.s32 s19, $0x480;
	s26 =	sshrl.u32 s23, $0x3;
	[sflag:s29] =	ssyncadd.s32 $0xFFFFA000  }
0x6c: {  	s25 =	smov.u32 s19;
	s19 =	sadd.s32 $0x30, s19;
	s18 =	sadd.s32 s6, s26  }
0x6d: {  	[tilespmem:s4], [sflag:$0x5] =	stream.linear.gather [hbm4b:s18+s4], $0xC0, $0x38;
	[tilespmem:$0x1FD80] =	vst v63  }
0x6e: {  	_ =	swait.ge [sflag:s8], $0xC0  }
0x6f: {  	[sflag:s8] =	ssyncset.done $0x0  }
0x70: {  	[sflag:s8] =	ssyncadd.s32 $0xFFFFFF40  }
0x71: {  	[spmem:s2] =	stream.indirect.scatter.add.f32 [tilespmem:s28], [sflag:$0x7], $0x80, s31, s30, $0xb8;
	[tilespmem:$0x1FD80] =	vst v63  }
0x72: {  	_ =	swait.ge [sflag:s24], $0x6000  }
0x73: {  	[sflag:s24] =	ssyncset.done $0x0  }
0x74: {  	[sflag:s24] =	ssyncadd.s32 $0xFFFFA000  }
0x75: {  	_ =	swait.ge [sflag:s9], $0xC0  }
0x76: {  	[sflag:s9] =	ssyncset.done $0x0  }
0x77: {  	[sflag:s9] =	ssyncadd.s32 $0xFFFFFF40  }
0x78: {  	[tilespmem:s28], [sflag:$0x1] =	stream.indirect.gather [hbm4b:s1+s30], $0x80, s4, s30, $0xb8;
	[tilespmem:$0x1FD80] =	vst v63  }
0x79: {  	s18 =	sadd.s32 s7, s26  }
0x7a: {  	[tilespmem:s31], [sflag:$0x3] =	stream.linear.gather [hbm4b:s18+s4], $0xC0, $0x38;
	[tilespmem:$0x1FD80] =	vst v63  }
0x7b: {  	_ =	swait.ge [sflag:s10], $0x6000  }
0x7c: {  	[sflag:s10] =	ssyncset.done $0x0  }
0x7d: {  	s18 =	sadd.s32 s17, s21;
	[sflag:s10] =	ssyncadd.s32 $0xFFFFA000  }
0x7e: {  	[tilespmem:s0], [sflag:$0x6] =	stream.linear.gather [hbm4b:s18+s4], $0xC0, $0x38;
	[tilespmem:$0x1FD80] =	vst v63  }
0x7f: {  	_ =	swait.ge [sflag:s11], $0xC0  }
0x80: {  	[sflag:s11] =	ssyncset.done $0x0  }
0x81: {  	[sflag:s11] =	ssyncadd.s32 $0xFFFFFF40  }
0x82: {  	[spmem:s2] =	stream.indirect.scatter.add.f32 [tilespmem:s3], [sflag:$0x7], $0x80, s5, s30, $0xb8;
	[tilespmem:$0x1FD80] =	vst v63  }
0x83: {  	_ =	swait.ge [sflag:s24], $0x6000  }
0x84: {  	[sflag:s24] =	ssyncset.done $0x0  }
0x85: {  	[sflag:s24] =	ssyncadd.s32 $0xFFFFA000  }
0x86: {  	_ =	swait.ge [sflag:s12], $0xC0  }
0x87: {  	[sflag:s12] =	ssyncset.done $0x0  }
0x88: {  	[sflag:s12] =	ssyncadd.s32 $0xFFFFFF40  }
0x89: {  	[tilespmem:s3], [sflag:$0x2] =	stream.indirect.gather [hbm4b:s1+s30], $0x80, s0, s30, $0xb8;
	[tilespmem:$0x1FD80] =	vst v63  }
.Ltmp0:
0x8a: {  	_ = 	snop;
	(pc) =	sbr.rel @p1 .LBB2_2-.Ltmp0, $4  }
0x8b: {  	s18 =	sadd.s32 s17, s20;
	s17 =	smov.u32 s25  }
0x8c: {  	[tilespmem:s5], [sflag:$0x4] =	stream.linear.gather [hbm4b:s18+s4], $0xC0, $0x38;
	[tilespmem:$0x1FD80] =	vst v63  }
0x8d: {  	_ =	swait.ge [sflag:s29], $0x6000  }
0x8e: {  	s23 =	sadd.s32 $0x180, s23;
	[sflag:s29] =	ssyncset.done $0x0  }
0x8f: {  	s18 =	sshrl.u32 s23, $0x3  }
0x90: {  	[sflag:s29] =	ssyncadd.s32 $0xFFFFA000;
	s19 =	sadd.s32 s6, s18  }
0x91: {  	[tilespmem:s4], [sflag:$0x5] =	stream.linear.gather [hbm4b:s19+s4], $0xC0, $0x38;
	[tilespmem:$0x1FD80] =	vst v63  }
0x92: {  	_ =	swait.ge [sflag:s8], $0xC0  }
0x93: {  	[sflag:s8] =	ssyncset.done $0x0  }
0x94: {  	[sflag:s8] =	ssyncadd.s32 $0xFFFFFF40  }
0x95: {  	[spmem:s2] =	stream.indirect.scatter.add.f32 [tilespmem:s28], [sflag:$0x7], $0x80, s31, s30, $0xb8;
	[tilespmem:$0x1FD80] =	vst v63  }
0x96: {  	_ =	swait.ge [sflag:s24], $0x6000  }
0x97: {  	[sflag:s24] =	ssyncset.done $0x0  }
0x98: {  	[sflag:s24] =	ssyncadd.s32 $0xFFFFA000  }
0x99: {  	_ =	swait.ge [sflag:s9], $0xC0  }
0x9a: {  	[sflag:s9] =	ssyncset.done $0x0  }
0x9b: {  	[sflag:s9] =	ssyncadd.s32 $0xFFFFFF40  }
0x9c: {  	[tilespmem:s28], [sflag:$0x1] =	stream.indirect.gather [hbm4b:s1+s30], $0x80, s4, s30, $0xb8;
	[tilespmem:$0x1FD80] =	vst v63  }
0x9d: {  	s18 =	sadd.s32 s7, s18  }
0x9e: {  	[tilespmem:s31], [sflag:$0x3] =	stream.linear.gather [hbm4b:s18+s4], $0xC0, $0x38;
	[tilespmem:$0x1FD80] =	vst v63  }
0x9f: {  	_ =	swait.ge [sflag:s10], $0x6000  }
0xa0: {  	[sflag:s10] =	ssyncset.done $0x0  }
0xa1: {  	s19 =	sadd.s32 s17, s21;
	[sflag:s10] =	ssyncadd.s32 $0xFFFFA000  }
0xa2: {  	[tilespmem:s0], [sflag:$0x6] =	stream.linear.gather [hbm4b:s19+s4], $0xC0, $0x38;
	[tilespmem:$0x1FD80] =	vst v63  }
0xa3: {  	_ =	swait.ge [sflag:s11], $0xC0  }
0xa4: {  	[sflag:s11] =	ssyncset.done $0x0  }
0xa5: {  	[sflag:s11] =	ssyncadd.s32 $0xFFFFFF40  }
0xa6: {  	[spmem:s2] =	stream.indirect.scatter.add.f32 [tilespmem:s3], [sflag:$0x7], $0x80, s5, s30, $0xb8;
	[tilespmem:$0x1FD80] =	vst v63  }
0xa7: {  	_ =	swait.ge [sflag:s24], $0x6000  }
0xa8: {  	[sflag:s24] =	ssyncset.done $0x0  }
0xa9: {  	[sflag:s24] =	ssyncadd.s32 $0xFFFFA000  }
0xaa: {  	_ =	swait.ge [sflag:s12], $0xC0  }
0xab: {  	[sflag:s12] =	ssyncset.done $0x0  }
0xac: {  	[sflag:s12] =	ssyncadd.s32 $0xFFFFFF40  }
0xad: {  	[tilespmem:s3], [sflag:$0x2] =	stream.indirect.gather [hbm4b:s1+s30], $0x80, s0, s30, $0xb8;
	[tilespmem:$0x1FD80] =	vst v63  }
0xae: {  	s23 =	sadd.s32 s17, s20  }
0xaf: {  	[tilespmem:s5], [sflag:$0x4] =	stream.linear.gather [hbm4b:s23+s4], $0xC0, $0x38;
	[tilespmem:$0x1FD80] =	vst v63  }
0xb0: {  	_ =	swait.ge [sflag:s29], $0x6000  }
0xb1: {  	[sflag:s29] =	ssyncset.done $0x0  }
0xb2: {  	[sflag:s29] =	ssyncadd.s32 $0xFFFFA000  }
0xb3: {  	_ =	swait.ge [sflag:s8], $0xC0  }
0xb4: {  	[sflag:s8] =	ssyncset.done $0x0  }
0xb5: {  	[sflag:s8] =	ssyncadd.s32 $0xFFFFFF40  }
0xb6: {  	[spmem:s2] =	stream.indirect.scatter.add.f32 [tilespmem:s28], [sflag:$0x7], $0x80, s31, s30, $0xb8;
	[tilespmem:$0x1FD80] =	vst v63  }
0xb7: {  	_ =	swait.ge [sflag:s24], $0x6000  }
0xb8: {  	[sflag:s24] =	ssyncset.done $0x0  }
0xb9: {  	[sflag:s24] =	ssyncadd.s32 $0xFFFFA000  }
0xba: {  	_ =	swait.ge [sflag:s10], $0x6000  }
0xbb: {  	[sflag:s10] =	ssyncset.done $0x0  }
0xbc: {  	[sflag:s10] =	ssyncadd.s32 $0xFFFFA000  }
0xbd: {  	_ =	swait.ge [sflag:s11], $0xC0  }
0xbe: {  	[sflag:s11] =	ssyncset.done $0x0  }
0xbf: {  	[sflag:s11] =	ssyncadd.s32 $0xFFFFFF40  }
0xc0: {  	[spmem:s2] =	stream.indirect.scatter.add.f32 [tilespmem:s3], [sflag:$0x7], $0x80, s5, s30, $0xb8;
	[tilespmem:$0x1FD80] =	vst v63  }
0xc1: {  	_ =	swait.ge [sflag:s24], $0x6000  }
0xc2: {  	[sflag:s24] =	ssyncset.done $0x0  }
0xc3: {  	[sflag:s24] =	ssyncadd.s32 $0xFFFFA000  }
0xc4: {  	[bflag:$0x0] =	sbarrier.arrive $0xFFFF  }
0xc5: {  	s25 =	rddreg [dreg:$0x4]  }
0xc6: {  	s18 =	rddreg [dreg:$0xf]  }
0xc7: {  	s17 =	sadd.s32 s25, s18  }
0xc8: {  	[hbm:s17], [sflag:s14] =	dma.local [spmem:s15], $0x2700  }
0xc9: {  	_ =	swait.ge [sflag:s24], $0x2700  }
0xca: {  	[sflag:s24] =	ssyncset.done $0x0  }
0xcb: {  	s15 =	sadd.s32 @!p0 $0x27000, s18;
	[sflag:s24] =	ssyncadd.s32 $0xFFFFD900  }
0xcc: {  	[hbm:s15], [sflag:s14] =	dma.local @!p0 [spmem:s16], $0x100  }
0xcd: {  	s14 =	simm.s32 @!p0 $0x7  }
0xce: {  	_ =	swait.ge @!p0 [sflag:s14], $0x100  }
0xcf: {  	s13 =	sadd.s32 $0x1, s13;
	s26 =	rddreg [dreg:$0x10]  }
0xd0: {  	p1 =	sne.s32 s13, s26  }
.Ltmp1:
0xd1: {  	_ = 	snop;
	(pc) =	sbr.rel @p1 .LBB2_1-.Ltmp1, $3  }
0xd2: {  	_ =	sdelay $0x1  }
0xd3: {  	[sflag:s14] =	ssyncset.done @!p0 $0x0  }
0xd4: {  	[sflag:s14] =	ssyncadd.s32 @!p0 $0xFFFFFF00  }
0xd5: {  	_ =	sfence.sel $0x180000  }
0xd6: {  	[bflag:$0x0] =	sbarrier.arrive $0xFFFF  }
0xd7: {  	_ =	strace $0x9000004A  }
0xd8: {  	[bflag:$0x2] =	sbarrier.arrive $0xFFFF  }
0xd9: {  	s0 =	rddreg [dreg:$0x3]  }
0xda: {  	s0 =	sadd.s32 @!p0 $0x100000, s0  }
0xdb: {  	[sflag:s0] =	ssyncadd.tile.s32 @!p0 $0x1;
	_ =	shalt  }
.Lfunc_end2:
_tile_overlayer_lowered:
.L_overlay_start_2:
0xdc: {  	(tag) =	ssettag $0x2  }
0xdd: {  	s0 =	rddreg [dreg:$0x0];
	s2 =	stileid.u32  }
0xde: {  	s1 =	rddreg [dreg:$0x1];
	p0 =	sne.s32 s2, $0x0  }
0xdf: {  	s3 =	rddreg [dreg:$0x2];
	[bflag:$0x3] =	sbarrier.arrive $0xFFFF;
	s2 =	simm.s32 @!p0 $0x1C07  }
0xe0: {  	[timem:s3], [sflag:s2] =	dma.local @!p0 [hbm:s0], s1  }
0xe1: {  	s0 =	simm.s32 @!p0 $0x7  }
0xe2: {  	_ =	swait.ge @!p0 [sflag:s0], s1  }
0xe3: {  	s1 =	ssub.s32 @!p0 $0x0, s1;
	[sflag:s0] =	ssyncset.done @!p0 $0x0  }
0xe4: {  	[sflag:s0] =	ssyncadd.s32 @!p0 s1  }
0xe5: {  	[bflag:$0x3] =	sbarrier.arrive $0xFFFF  }
0xe6: {  	_ =	shalt  }

// kernel: kernel.18.cloned.1.call-start
scs
__scs_entry_jumppad:
0x0: {  	(pc) =	sbr.rel $0x88, $3  }
0x1: {  	(tag) =	ssettag $0x0;
	lr =	simm.s32 $0x1  }
0x2: {  	[smem:$0x3F97] =	sst lr;
	_ =	strace $0xD0000000  }
0x3: {  	_ = 	snop  }
0x4: {  	_ = 	snop  }
0x5: {  	_ = 	snop  }
0x6: {  	_ = 	snop  }
0x7: {  	_ = 	snop  }
__scs_overlays_trampoline_lowered:
0x8: {  	[smem:$0x3FA6] =	sst s0  }
0x9: {  	[smem:$0x3FA7] =	sst s1  }
0xa: {  	[smem:$0x3FA8] =	sst s2  }
0xb: {  	[smem:$0x3FA9] =	sst s3  }
0xc: {  	[smem:$0x3FAA] =	sst s4  }
0xd: {  	[smem:$0x3FAB] =	sst s5  }
0xe: {  	[smem:$0x3FAC] =	sst s6  }
0xf: {  	[smem:$0x3FAD] =	sst s7  }
0x10: {  	[smem:$0x3FAE] =	sst s8  }
0x11: {  	[smem:$0x3FAF] =	sst s9;
	s0 =	simm.s32 @!p0 $0x0  }
0x12: {  	s1 =	sld [smem:$0x3F95];
	s0 =	simm.s32 @p0 $0x1  }
0x13: {  	[smem:$0x3FB0] =	sst s0;
	s0 =	simm.s32 @!p1 $0x0  }
0x14: {  	s2 =	sld [smem:$0x3F94];
	s0 =	simm.s32 @p1 $0x1  }
0x15: {  	[smem:$0x3FB1] =	sst s0;
	s0 =	simm.s32 @!p2 $0x0  }
0x16: {  	s3 =	sld [smem:$0x3FDB];
	s0 =	simm.s32 @p2 $0x1  }
0x17: {  	s4 =	simm.s32 $0x1BF5;
	[smem:$0x3FB3] =	sst s0  }
0x18: {  	s0 =	sld [smem:$0x3F96];
	_ =	swait.ge [sflag:s4], $0x0  }
0x19: {  	s7 =	sld [smem:$0x3F97]  }
0x1a: {  	s8 =	sadd.s32 $0xFFFFE003, lr  }
0x1b: {  	s9 =	sadd.s32 $0xFFFFFEF7, lr;
	s5 =	simm.s32 $0xFFFFFFFF;
	p2 =	slt.u32 s8, $0xFFFFF086  }
0x1c: {  	p1 =	slt.u32 s9, $0xF7A;
	s5 =	simm.s32 @!p2 $0x0  }
0x1d: {  	s5 =	simm.s32 @p1 $0x1;
	p0 =	seq.s32 s7, s2  }
0x1e: {  	s7 =	smul.u32 @!p0 $0xF7A, s2;
	p2 =	seq.s32 @!p0 s5, $0x0  }
0x1f: {  	s9 =	smul.u32 $0xF7A, s1;
	s8 =	simm.s32 @!p0 $0x1BF5;
	p2 =	por !p2, p0  }
0x20: {  	[sflag:s8] =	ssyncset.s32 @!p0 $0xFFFFF086;
	s6 =	sadd.s32 @!p0 s3, s7;
	s7 =	simm.s32 @!p0 $0x108  }
0x21: {  	s3 =	sadd.s32 s3, s9;
	s6 =	sadd.s32 @!p0 $0x88, s6;
	s7 =	simm.s32 @p2 $0x1082  }
0x22: {  	[simem:s7], [sflag:s8] =	dma.local @!p0 [hbm:s6], $0xF7A  }
0x23: {  	s9 =	sor.u32 $0xD0000000, s2;
	s6 =	simm.s32 $0x108;
	_ =	swait.ge @!p0 [sflag:s8], $0x0  }
0x24: {  	s3 =	sadd.s32 $0x88, s3;
	s6 =	simm.s32 @!p1 $0x1082;
	[sflag:s4] =	ssyncset.s32 $0xFFFFF086  }
0x25: {  	[simem:s6], [sflag:s4] =	dma.local [hbm:s3], $0xF7A  }
0x26: {  	[smem:$0x3F97] =	sst s1;
	(tag) =	ssettag s2;
	_ =	strace s9  }
0x27: {  	s1 =	sld [smem:$0x3FA7]  }
0x28: {  	s2 =	sld [smem:$0x3FA8]  }
0x29: {  	s4 =	sld [smem:$0x3FAA]  }
0x2a: {  	p0 =	seq.s32 s5, $0x0;
	s5 =	sld [smem:$0x3FAB]  }
0x2b: {  	s6 =	sld [smem:$0x3FAC]  }
0x2c: {  	s7 =	sld [smem:$0x3FAD]  }
0x2d: {  	s3 =	simm.s32 $0x108;
	s8 =	sld [smem:$0x3FAE]  }
0x2e: {  	s3 =	simm.s32 @!p0 $0x1082;
	s9 =	sld [smem:$0x3FAF]  }
0x2f: {  	lr =	sadd.s32 s0, s3;
	s0 =	sld [smem:$0x3FA6]  }
0x30: {  	s3 =	sld [smem:$0x3FA9]  }
0x31: {  	[smem:$0x3FB2] =	sst s10  }
0x32: {  	s10 =	sld [smem:$0x3FB0];
	_ =	sdelay $0x3  }
0x33: {  	p0 =	seq.s32 s10, $0x1;
	s10 =	sld [smem:$0x3FB2];
	_ =	sdelay $0x3  }
0x34: {  	[smem:$0x3FB2] =	sst s10  }
0x35: {  	s10 =	sld [smem:$0x3FB1];
	_ =	sdelay $0x3  }
0x36: {  	p1 =	seq.s32 s10, $0x1;
	s10 =	sld [smem:$0x3FB2];
	_ =	sdelay $0x3  }
0x37: {  	[smem:$0x3FB2] =	sst s10  }
0x38: {  	s10 =	sld [smem:$0x3FB3]  }
0x39: {  	_ = 	snop;
	(pc) =	sbr.ind lr, $3  }
0x3a: {  	_ = 	snop  }
0x3b: {  	_ = 	snop  }
0x3c: {  	p2 =	seq.s32 s10, $0x1;
	s10 =	sld [smem:$0x3FB2]  }
0x3d: {  	_ =	shalt  }
0x3e: {  	_ =	shalt  }
0x3f: {  	_ =	shalt  }
0x40: {  	_ =	shalt  }
0x41: {  	_ =	shalt  }
0x42: {  	_ =	shalt  }
0x43: {  	_ =	shalt  }
0x44: {  	_ =	shalt  }
0x45: {  	_ =	shalt  }
0x46: {  	_ =	shalt  }
0x47: {  	_ =	shalt  }
0x48: {  	_ =	shalt  }
0x49: {  	_ =	shalt  }
0x4a: {  	_ =	shalt  }
0x4b: {  	_ =	shalt  }
0x4c: {  	_ =	shalt  }
0x4d: {  	_ =	shalt  }
0x4e: {  	_ =	shalt  }
0x4f: {  	_ =	shalt  }
0x50: {  	_ =	shalt  }
0x51: {  	_ =	shalt  }
0x52: {  	_ =	shalt  }
0x53: {  	_ =	shalt  }
0x54: {  	_ =	shalt  }
0x55: {  	_ =	shalt  }
0x56: {  	_ =	shalt  }
0x57: {  	_ =	shalt  }
0x58: {  	_ =	shalt  }
0x59: {  	_ =	shalt  }
0x5a: {  	_ =	shalt  }
0x5b: {  	_ =	shalt  }
0x5c: {  	_ =	shalt  }
0x5d: {  	_ =	shalt  }
0x5e: {  	_ =	shalt  }
0x5f: {  	_ =	shalt  }
0x60: {  	_ =	shalt  }
0x61: {  	_ =	shalt  }
0x62: {  	_ =	shalt  }
0x63: {  	_ =	shalt  }
0x64: {  	_ =	shalt  }
0x65: {  	_ =	shalt  }
0x66: {  	_ =	shalt  }
0x67: {  	_ =	shalt  }
0x68: {  	_ =	shalt  }
0x69: {  	_ =	shalt  }
0x6a: {  	_ =	shalt  }
0x6b: {  	_ =	shalt  }
0x6c: {  	_ =	shalt  }
0x6d: {  	_ =	shalt  }
0x6e: {  	_ =	shalt  }
0x6f: {  	_ =	shalt  }
0x70: {  	_ =	shalt  }
0x71: {  	_ =	shalt  }
0x72: {  	_ =	shalt  }
0x73: {  	_ =	shalt  }
0x74: {  	_ =	shalt  }
0x75: {  	_ =	shalt  }
0x76: {  	_ =	shalt  }
0x77: {  	_ =	shalt  }
0x78: {  	_ =	shalt  }
0x79: {  	_ =	shalt  }
0x7a: {  	_ =	shalt  }
0x7b: {  	_ =	shalt  }
0x7c: {  	_ =	shalt  }
0x7d: {  	_ =	shalt  }
0x7e: {  	_ =	shalt  }
0x7f: {  	_ =	shalt  }
0x80: {  	_ =	shalt  }
0x81: {  	_ =	shalt  }
0x82: {  	_ =	shalt  }
0x83: {  	_ =	shalt  }
0x84: {  	_ =	shalt  }
0x85: {  	_ =	shalt  }
0x86: {  	_ =	shalt  }
0x87: {  	_ =	shalt  }
.Lfunc_end0:
.L_simem_size_0:
called_computation.2_lowered:
.L_overlay_start_0:
0x88: {  	s2 =	sld [smem:$0x3FD9]  }
0x89: {  	s3 =	sld [smem:$0x3FFE];
	_ =	sdelay $0x1  }
0x8a: {  	s1 =	srdreg.scid  }
0x8b: {  	s0 =	sand.u32 $0x1, s1  }
0x8c: {  	s14 =	sshll.u32 s0, $0xA;
	s2 =	sadd.s32 s3, s2  }
0x8d: {  	s2 =	sadd.s32 s2, s14  }
0x8e: {  	[smem:$0x3FBE] =	sst s2  }
0x8f: {  	_ = 	snop  }
0x90: {  	s2 =	sld [smem:$0x3FD0];
	_ =	sdelay $0x2  }
0x91: {  	s15 =	simm.s32 $0xA;
	s4 =	simm.s32 $0x10  }
0x92: {  	[smem:s4], [sflag:s15] =	dma.local [hbm:s2], $0x1  }
0x93: {  	_ =	swait.eq [sflag:s15], $0x1  }
0x94: {  	[sflag:s15] =	ssyncset.done $0x0  }
0x95: {  	[sflag:s15] =	ssyncadd.s32 $0xFFFFFFFF  }
0x96: {  	s16 =	sld [smem:$0x10];
	(tm) =	ssettm $0x1  }
0x97: {  	s17 =	sld [smem:$0x3FFB];
	_ =	sdelay $0x3  }
0x98: {  	_ =	strace s17  }
0x99: {  	s3 =	sld [smem:$0x3FFC];
	_ =	sdelay $0x3  }
0x9a: {  	_ =	strace s3  }
0x9b: {  	s3 =	sld [smem:$0x3FFD];
	_ =	sdelay $0x3  }
0x9c: {  	_ =	strace s3  }
0x9d: {  	_ =	strace $0x8FFFFFFF  }
0x9e: {  	s18 =	sld [smem:$0x3FDB];
	_ =	sdelay $0x1  }
0x9f: {  	s19 =	simm.s32 $_scs_section_size  }
0xa0: {  	s5 =	simm.s32 $_size__tile_overlayer_lowered;
	s6 =	simm.s32 $_tile_overlayer_lowered  }
0xa1: {  	s22 =	simm.s32 $0x1BFF;
	s21 =	sshll.u32 s6, $0x1;
	s3 =	sadd.s32 s19, s18  }
0xa2: {  	s7 =	simm.s32 $0x0;
	s20 =	sshll.u32 s5, $0x1;
	s5 =	sadd.s32 s21, s3  }
0xa3: {  	[timem:s7], [sflag:s22] =	dma.local [hbm:s5], s20  }
0xa4: {  	_ =	swait.ge [sflag:s22], s20  }
0xa5: {  	s4 =	ssub.s32 $0x0, s20;
	[sflag:s22] =	ssyncset.done $0x0  }
0xa6: {  	[sflag:s22] =	ssyncadd.s32 s4;
	_ =	sdelay $0x1  }
0xa7: {  	s23 =	simm.s32 $0x1B8B  }
0xa8: {  	_ =	swait.ge [sflag:s23], $0x1  }
0xa9: {  	[sflag:s23] =	ssyncset.done $0x0  }
0xaa: {  	s25 =	simm.s32 $0x1B8E;
	s24 =	sld [smem:$0x3FFE];
	[sflag:s23] =	ssyncadd.s32 $0xFFFFFFFF  }
0xab: {  	s26 =	simm.s32 $execute0_lowered;
	[smem:$0x3FD2] =	sst s25  }
0xac: {  	s5 =	sshll.u32 s26, $0x1;
	_ =	strace $0x8000004C;
	[dreg:$0x1] =	wrdreg $0xFFFFFFFF  }
0xad: {  	s28 =	simm.s32 $_size_execute0_lowered;
	s3 =	sadd.s32 s3, s5;
	[dreg:$0x0] =	wrdreg $0x0  }
0xae: {  	s5 =	sshll.u32 s28, $0x1;
	[dreg:$0x2] =	wrdreg s3  }
0xaf: {  	[dreg:$0x3] =	wrdreg s5  }
0xb0: {  	[dreg:$0x4] =	wrdreg $0xC0  }
0xb1: {  	_ =	task [dreg:s7], $0x5FFFF  }
0xb2: {  	[dreg:$0x1] =	wrdreg $0xFFFFFFFF  }
0xb3: {  	[dreg:$0x0] =	wrdreg $0x60  }
0xb4: {  	[dreg:$0x2] =	wrdreg s16  }
0xb5: {  	[dreg:$0x3] =	wrdreg s24  }
0xb6: {  	[dreg:$0x4] =	wrdreg $0xC5000  }
0xb7: {  	[dreg:$0x5] =	wrdreg $0x9  }
0xb8: {  	_ =	task.clear_ibuf [dreg:s7], $0x6FFFF;
	_ =	strace $0x9000004C  }
0xb9: {  	s29 =	simm.s32 $0x9;
	_ =	strace $0x8000004E  }
0xba: {  	_ =	swait.ge [sflag:s29], $0x1  }
0xbb: {  	[sflag:s29] =	ssyncadd.s32 $0xFFFFFFFF  }
0xbc: {  	_ =	strace $0x9000004E  }
0xbd: {  	_ =	sfence  }
0xbe: {  	s30 =	sld [smem:$0x0];
	_ =	sdelay $0x2  }
0xbf: {  	s31 =	sshll.u32 s1, $0xD;
	s1 =	sshrl.u32 s1, $0x2  }
0xc0: {  	s3 =	sand.u32 $0x4000, s31;
	s1 =	sadd.s32 s1, s30  }
0xc1: {  	s0 =	sor.u32 s3, s0;
	s1 =	sshll.u32 s1, $0x11  }
0xc2: {  	s0 =	sor.u32 s1, s0  }
0xc3: {  	s0 =	sadd.s32 $0x8F2B, s0  }
0xc4: {  	[sflag:s0] =	ssyncadd.remote.s32 $0x1  }
0xc5: {  	_ =	sfence.sel $0xFFFF  }
0xc6: {  	[dreg:$0x0] =	wrdreg $0xFFFFFFFF;
	(pc) =	sbr.abs _section_cstart, $3  }
0xc7: {  	[dreg:$0x1] =	wrdreg $0xFFFFFFFF  }
0xc8: {  	_ =	task.clear_ibuf [dreg:s7], $0x2FFFF;
	_ =	strace $0x9FFFFFFF  }
0xc9: {  	(tm) =	ssettm $0x7FFFFFFF  }
tec
execute0_lowered:
.L_overlay_start_1:
0x0: {  	(tag) =	ssettag $0x1  }
0x1: {  	s1 =	rddreg [dreg:$0x0]  }
0x2: {  	s0 =	rddreg [dreg:$0x1]  }
0x3: {  	s2 =	rddreg [dreg:$0x2]  }
0x4: {  	s14 =	stileid.u32;
	s3 =	srdreg.scid  }
0x5: {  	s4 =	simm.s32 $0x0;
	s28 =	simm.s32 $0x500;
	s29 =	simm.s32 $0x1  }
0x6: {  	s30 =	simm.s32 $0xC0;
	s31 =	simm.s32 $0x200;
	s3 =	sand.u32 $0x1, s3  }
0x7: {  	s5 =	sshll.u32 s14, $0x1;
	[smem:$0x7FF] =	sst s4;
	s8 =	smul.u32 $0x2700, s14  }
0x8: {  	s6 =	sadd.s32 $0x3E00, s0;
	s7 =	sadd.s32 $0xDC00, s0;
	s13 =	smul.u32 $0x4E000, s14  }
0x9: {  	s19 =	smul.u32 $0x4E20, s14;
	s20 =	sadd.s32 $0x138000, s2;
	p0 =	sne.s32 s14, $0x0  }
0xa: {  	s5 =	sor.u32 s3, s5;
	_ =	strace $0x8000004D;
	s9 =	smul.u32 $0x27100, s3  }
0xb: {  	s10 =	ssub.s32 $0x2, s3;
	s3 =	smul.u32 $0x2710, s3;
	[dreg:$0x9] =	wrdreg s20  }
0xc: {  	s5 =	smul.u32 $0x2710, s5;
	[dreg:$0x4] =	wrdreg s8;
	s8 =	sadd.s32 s8, s0  }
0xd: {  	s11 =	sshrl.u32 s10, $0x1;
	s18 =	sshrl.u32 s13, $0x2;
	s13 =	simm.s32 $0x0  }
0xe: {  	s9 =	sadd.s32 s9, s0;
	s10 =	ssub.s32 s10, s11;
	s11 =	sadd.s32 s18, s2  }
0xf: {  	s8 =	sadd.s32 $0x3EC00, s8;
	s0 =	sadd.s32 $0x65C00, s0;
	[dreg:$0x7] =	wrdreg s11  }
0x10: {  	s3 =	sadd.s32 s3, s19;
	s5 =	sshrl.u32 s5, $0x3;
	[dreg:$0x8] =	wrdreg s8  }
0x11: {  	[dreg:$0xa] =	wrdreg s0;
	s24 =	sadd.s32 $0x240, s3;
	s25 =	sadd.s32 $0x65E00, s9  }
0x12: {  	s26 =	smax.u32 s10, $0x1;
	s8 =	simm.s32 $0x3;
	[dreg:$0xf] =	wrdreg s25  }
0x13: {  	s9 =	simm.s32 $0x5;
	s21 =	sadd.s32 s6, s5;
	[dreg:$0x10] =	wrdreg s26  }
0x14: {  	s12 =	sadd.s32 $0x4E0, s5;
	s22 =	sadd.s32 s7, s5;
	[dreg:$0xb] =	wrdreg s21  }
0x15: {  	s10 =	simm.s32 $0x2;
	s16 =	sadd.s32 s6, s12;
	[dreg:$0xc] =	wrdreg s22  }
0x16: {  	s23 =	sadd.s32 $0x18, s5;
	s17 =	sadd.s32 s7, s12;
	[dreg:$0x5] =	wrdreg s16  }
0x17: {  	s11 =	simm.s32 $0x4;
	s5 =	sadd.s32 s6, s23;
	[dreg:$0x6] =	wrdreg s17  }
0x18: {  	s0 =	sadd.s32 s7, s23;
	s22 =	sadd.s32 $0x180, s3;
	[dreg:$0xd] =	wrdreg s5  }
0x19: {  	s3 =	simm.s32 $0x6500;
	s12 =	simm.s32 $0x6;
	[dreg:$0xe] =	wrdreg s0  }
0x1a: {  	s0 =	sshrl.u32 s24, $0x3;
	s24 =	simm.s32 $0x7;
	s5 =	simm.s32 $0x300  }
0x1b: {  	s20 =	sadd.s32 s0, s7;
	s21 =	sadd.s32 s0, s6;
	s0 =	simm.s32 $0x100  }
.LBB2_1:
0x1c: {  	s14 =	rddreg [dreg:$0x5];
	s15 =	simm.s32 $0x400  }
0x1d: {  	[tilespmem:s15], [sflag:$0x7] =	stream.linear.gather [hbm4b:s14+s4], $0x10, $0x38;
	[tilespmem:$0x1FD80] =	vst v63  }
0x1e: {  	_ =	swait.ge [sflag:s24], $0x10  }
0x1f: {  	[sflag:s24] =	ssyncset.done $0x0  }
0x20: {  	s18 =	simm.s32 $0x480;
	s26 =	rddreg [dreg:$0x6];
	[sflag:s24] =	ssyncadd.s32 $0xFFFFFFF0  }
0x21: {  	[tilespmem:s18], [sflag:$0x7] =	stream.linear.gather [hbm4b:s26+s4], $0x10, $0x38;
	[tilespmem:$0x1FD80] =	vst v63  }
0x22: {  	_ =	swait.ge [sflag:s24], $0x10  }
0x23: {  	s19 =	simm.s32 $0x10;
	s16 =	stileid.u32;
	[sflag:s24] =	ssyncset.done $0x0  }
0x24: {  	s14 =	sshll.u32 s16, $0x6;
	s17 =	rddreg [dreg:$0x7];
	[sflag:s24] =	ssyncadd.s32 $0xFFFFFFF0  }
0x25: {  	[tilespmem:s28], [sflag:$0x1] =	stream.indirect.gather [hbm4b:s1+s19], $0x80, s15, s19, $0xb8;
	[tilespmem:$0x1FD80] =	vst v63  }
0x26: {  	s14 =	sor.u32 $0x1C07, s14;
	s16 =	rddreg [dreg:$0x8];
	s15 =	sshrl.u32 s17, $0x3  }
0x27: {  	[spmem:s15], [sflag:s14] =	dma.local [hbm:s16], $0x2700  }
0x28: {  	_ =	swait.ge [sflag:s24], $0x2700  }
0x29: {  	[sflag:s24] =	ssyncset.done $0x0;
	s16 =	rddreg [dreg:$0x9]  }
0x2a: {  	s17 =	rddreg [dreg:$0xa];
	[sflag:s24] =	ssyncadd.s32 $0xFFFFD900;
	s16 =	sshrl.u32 @!p0 s16, $0x3  }
0x2b: {  	[spmem:s16], [sflag:s14] =	dma.local @!p0 [hbm:s17], $0x100  }
0x2c: {  	s17 =	simm.s32 @!p0 $0x7  }
0x2d: {  	_ =	swait.ge @!p0 [sflag:s17], $0x100  }
0x2e: {  	[sflag:s17] =	ssyncset.done @!p0 $0x0  }
0x2f: {  	[sflag:s17] =	ssyncadd.s32 @!p0 $0xFFFFFF00  }
0x30: {  	[bflag:$0x0] =	sbarrier.arrive $0xFFFF  }
0x31: {  	_ =	swait.ge [sflag:s29], $0x800  }
0x32: {  	[sflag:s29] =	ssyncset.done $0x0  }
0x33: {  	[sflag:s29] =	ssyncadd.s32 $0xFFFFF800  }
0x34: {  	[spmem:s2] =	stream.indirect.scatter.add.f32 [tilespmem:s28], [sflag:$0x7], $0x80, s18, s19, $0xb8;
	[tilespmem:$0x1FD80] =	vst v63  }
0x35: {  	_ =	swait.ge [sflag:s24], $0x800  }
0x36: {  	[sflag:s24] =	ssyncset.done $0x0  }
0x37: {  	s19 =	rddreg [dreg:$0xb];
	[sflag:s24] =	ssyncadd.s32 $0xFFFFF800  }
0x38: {  	[tilespmem:s4], [sflag:$0x7] =	stream.linear.gather [hbm4b:s19+s4], $0xC0, $0x38;
	[tilespmem:$0x1FD80] =	vst v63  }
0x39: {  	_ =	swait.ge [sflag:s24], $0xC0  }
0x3a: {  	[sflag:s24] =	ssyncset.done $0x0  }
0x3b: {  	[sflag:s24] =	ssyncadd.s32 $0xFFFFFF40  }
0x3c: {  	[tilespmem:s28], [sflag:$0x1] =	stream.indirect.gather [hbm4b:s1+s30], $0x80, s4, s30, $0xb8;
	[tilespmem:$0x1FD80] =	vst v63  }
0x3d: {  	s23 =	rddreg [dreg:$0xc]  }
0x3e: {  	[tilespmem:s31], [sflag:$0x3] =	stream.linear.gather [hbm4b:s23+s4], $0xC0, $0x38;
	[tilespmem:$0x1FD80] =	vst v63  }
0x3f: {  	s25 =	rddreg [dreg:$0xd]  }
0x40: {  	[tilespmem:s0], [sflag:$0x7] =	stream.linear.gather [hbm4b:s25+s4], $0xC0, $0x38;
	[tilespmem:$0x1FD80] =	vst v63  }
0x41: {  	_ =	swait.ge [sflag:s24], $0xC0  }
0x42: {  	[sflag:s24] =	ssyncset.done $0x0  }
0x43: {  	[sflag:s24] =	ssyncadd.s32 $0xFFFFFF40  }
0x44: {  	[tilespmem:s3], [sflag:$0x2] =	stream.indirect.gather [hbm4b:s1+s30], $0x80, s0, s30, $0xb8;
	[tilespmem:$0x1FD80] =	vst v63  }
0x45: {  	s26 =	rddreg [dreg:$0xe]  }
0x46: {  	[tilespmem:s5], [sflag:$0x4] =	stream.linear.gather [hbm4b:s26+s4], $0xC0, $0x38;
	[tilespmem:$0x1FD80] =	vst v63  }
0x47: {  	_ =	swait.ge [sflag:s29], $0x6000  }
0x48: {  	s18 =	sshrl.u32 s22, $0x3;
	[sflag:s29] =	ssyncset.done $0x0  }
0x49: {  	s23 =	sadd.s32 s6, s18;
	[sflag:s29] =	ssyncadd.s32 $0xFFFFA000  }
0x4a: {  	[tilespmem:s4], [sflag:$0x5] =	stream.linear.gather [hbm4b:s23+s4], $0xC0, $0x38;
	[tilespmem:$0x1FD80] =	vst v63  }
0x4b: {  	_ =	swait.ge [sflag:s8], $0xC0  }
0x4c: {  	[sflag:s8] =	ssyncset.done $0x0  }
0x4d: {  	[sflag:s8] =	ssyncadd.s32 $0xFFFFFF40  }
0x4e: {  	[spmem:s2] =	stream.indirect.scatter.add.f32 [tilespmem:s28], [sflag:$0x7], $0x80, s31, s30, $0xb8;
	[tilespmem:$0x1FD80] =	vst v63  }
0x4f: {  	_ =	swait.ge [sflag:s24], $0x6000  }
0x50: {  	[sflag:s24] =	ssyncset.done $0x0  }
0x51: {  	[sflag:s24] =	ssyncadd.s32 $0xFFFFA000  }
0x52: {  	_ =	swait.ge [sflag:s9], $0xC0  }
0x53: {  	[sflag:s9] =	ssyncset.done $0x0  }
0x54: {  	[sflag:s9] =	ssyncadd.s32 $0xFFFFFF40  }
0x55: {  	[tilespmem:s28], [sflag:$0x1] =	stream.indirect.gather [hbm4b:s1+s30], $0x80, s4, s30, $0xb8;
	[tilespmem:$0x1FD80] =	vst v63  }
0x56: {  	s17 =	sadd.s32 s7, s18  }
0x57: {  	[tilespmem:s31], [sflag:$0x3] =	stream.linear.gather [hbm4b:s17+s4], $0xC0, $0x38;
	[tilespmem:$0x1FD80] =	vst v63  }
0x58: {  	_ =	swait.ge [sflag:s10], $0x6000  }
0x59: {  	[sflag:s10] =	ssyncset.done $0x0  }
0x5a: {  	s25 =	sadd.s32 $0x0, s21;
	[sflag:s10] =	ssyncadd.s32 $0xFFFFA000  }
0x5b: {  	[tilespmem:s0], [sflag:$0x6] =	stream.linear.gather [hbm4b:s25+s4], $0xC0, $0x38;
	[tilespmem:$0x1FD80] =	vst v63  }
0x5c: {  	_ =	swait.ge [sflag:s11], $0xC0  }
0x5d: {  	[sflag:s11] =	ssyncset.done $0x0  }
0x5e: {  	[sflag:s11] =	ssyncadd.s32 $0xFFFFFF40  }
0x5f: {  	[spmem:s2] =	stream.indirect.scatter.add.f32 [tilespmem:s3], [sflag:$0x7], $0x80, s5, s30, $0xb8;
	[tilespmem:$0x1FD80] =	vst v63  }
0x60: {  	_ =	swait.ge [sflag:s24], $0x6000  }
0x61: {  	[sflag:s24] =	ssyncset.done $0x0  }
0x62: {  	[sflag:s24] =	ssyncadd.s32 $0xFFFFA000  }
0x63: {  	_ =	swait.ge [sflag:s12], $0xC0  }
0x64: {  	[sflag:s12] =	ssyncset.done $0x0  }
0x65: {  	[sflag:s12] =	ssyncadd.s32 $0xFFFFFF40  }
0x66: {  	[tilespmem:s3], [sflag:$0x2] =	stream.indirect.gather [hbm4b:s1+s30], $0x80, s0, s30, $0xb8;
	[tilespmem:$0x1FD80] =	vst v63  }
0x67: {  	s26 =	sadd.s32 $0x0, s20  }
0x68: {  	[tilespmem:s5], [sflag:$0x4] =	stream.linear.gather [hbm4b:s26+s4], $0xC0, $0x38;
	[tilespmem:$0x1FD80] =	vst v63  }
0x69: {  	s19 =	simm.s32 $0x60;
	_ =	swait.ge [sflag:s29], $0x6000  }
0x6a: {  	s23 =	sadd.s32 $0x180, s22;
	s17 =	simm.s32 $0x30;
	[sflag:s29] =	ssyncset.done $0x0  }
.LBB2_2:
0x6b: {  	p1 =	sne.s32 s19, $0x480;
	s26 =	sshrl.u32 s23, $0x3;
	[sflag:s29] =	ssyncadd.s32 $0xFFFFA000  }
0x6c: {  	s25 =	smov.u32 s19;
	s19 =	sadd.s32 $0x30, s19;
	s18 =	sadd.s32 s6, s26  }
0x6d: {  	[tilespmem:s4], [sflag:$0x5] =	stream.linear.gather [hbm4b:s18+s4], $0xC0, $0x38;
	[tilespmem:$0x1FD80] =	vst v63  }
0x6e: {  	_ =	swait.ge [sflag:s8], $0xC0  }
0x6f: {  	[sflag:s8] =	ssyncset.done $0x0  }
0x70: {  	[sflag:s8] =	ssyncadd.s32 $0xFFFFFF40  }
0x71: {  	[spmem:s2] =	stream.indirect.scatter.add.f32 [tilespmem:s28], [sflag:$0x7], $0x80, s31, s30, $0xb8;
	[tilespmem:$0x1FD80] =	vst v63  }
0x72: {  	_ =	swait.ge [sflag:s24], $0x6000  }
0x73: {  	[sflag:s24] =	ssyncset.done $0x0  }
0x74: {  	[sflag:s24] =	ssyncadd.s32 $0xFFFFA000  }
0x75: {  	_ =	swait.ge [sflag:s9], $0xC0  }
0x76: {  	[sflag:s9] =	ssyncset.done $0x0  }
0x77: {  	[sflag:s9] =	ssyncadd.s32 $0xFFFFFF40  }
0x78: {  	[tilespmem:s28], [sflag:$0x1] =	stream.indirect.gather [hbm4b:s1+s30], $0x80, s4, s30, $0xb8;
	[tilespmem:$0x1FD80] =	vst v63  }
0x79: {  	s18 =	sadd.s32 s7, s26  }
0x7a: {  	[tilespmem:s31], [sflag:$0x3] =	stream.linear.gather [hbm4b:s18+s4], $0xC0, $0x38;
	[tilespmem:$0x1FD80] =	vst v63  }
0x7b: {  	_ =	swait.ge [sflag:s10], $0x6000  }
0x7c: {  	[sflag:s10] =	ssyncset.done $0x0  }
0x7d: {  	s18 =	sadd.s32 s17, s21;
	[sflag:s10] =	ssyncadd.s32 $0xFFFFA000  }
0x7e: {  	[tilespmem:s0], [sflag:$0x6] =	stream.linear.gather [hbm4b:s18+s4], $0xC0, $0x38;
	[tilespmem:$0x1FD80] =	vst v63  }
0x7f: {  	_ =	swait.ge [sflag:s11], $0xC0  }
0x80: {  	[sflag:s11] =	ssyncset.done $0x0  }
0x81: {  	[sflag:s11] =	ssyncadd.s32 $0xFFFFFF40  }
0x82: {  	[spmem:s2] =	stream.indirect.scatter.add.f32 [tilespmem:s3], [sflag:$0x7], $0x80, s5, s30, $0xb8;
	[tilespmem:$0x1FD80] =	vst v63  }
0x83: {  	_ =	swait.ge [sflag:s24], $0x6000  }
0x84: {  	[sflag:s24] =	ssyncset.done $0x0  }
0x85: {  	[sflag:s24] =	ssyncadd.s32 $0xFFFFA000  }
0x86: {  	_ =	swait.ge [sflag:s12], $0xC0  }
0x87: {  	[sflag:s12] =	ssyncset.done $0x0  }
0x88: {  	[sflag:s12] =	ssyncadd.s32 $0xFFFFFF40  }
0x89: {  	[tilespmem:s3], [sflag:$0x2] =	stream.indirect.gather [hbm4b:s1+s30], $0x80, s0, s30, $0xb8;
	[tilespmem:$0x1FD80] =	vst v63  }
.Ltmp0:
0x8a: {  	_ = 	snop;
	(pc) =	sbr.rel @p1 .LBB2_2-.Ltmp0, $4  }
0x8b: {  	s18 =	sadd.s32 s17, s20;
	s17 =	smov.u32 s25  }
0x8c: {  	[tilespmem:s5], [sflag:$0x4] =	stream.linear.gather [hbm4b:s18+s4], $0xC0, $0x38;
	[tilespmem:$0x1FD80] =	vst v63  }
0x8d: {  	_ =	swait.ge [sflag:s29], $0x6000  }
0x8e: {  	s23 =	sadd.s32 $0x180, s23;
	[sflag:s29] =	ssyncset.done $0x0  }
0x8f: {  	s18 =	sshrl.u32 s23, $0x3  }
0x90: {  	[sflag:s29] =	ssyncadd.s32 $0xFFFFA000;
	s19 =	sadd.s32 s6, s18  }
0x91: {  	[tilespmem:s4], [sflag:$0x5] =	stream.linear.gather [hbm4b:s19+s4], $0xC0, $0x38;
	[tilespmem:$0x1FD80] =	vst v63  }
0x92: {  	_ =	swait.ge [sflag:s8], $0xC0  }
0x93: {  	[sflag:s8] =	ssyncset.done $0x0  }
0x94: {  	[sflag:s8] =	ssyncadd.s32 $0xFFFFFF40  }
0x95: {  	[spmem:s2] =	stream.indirect.scatter.add.f32 [tilespmem:s28], [sflag:$0x7], $0x80, s31, s30, $0xb8;
	[tilespmem:$0x1FD80] =	vst v63  }
0x96: {  	_ =	swait.ge [sflag:s24], $0x6000  }
0x97: {  	[sflag:s24] =	ssyncset.done $0x0  }
0x98: {  	[sflag:s24] =	ssyncadd.s32 $0xFFFFA000  }
0x99: {  	_ =	swait.ge [sflag:s9], $0xC0  }
0x9a: {  	[sflag:s9] =	ssyncset.done $0x0  }
0x9b: {  	[sflag:s9] =	ssyncadd.s32 $0xFFFFFF40  }
0x9c: {  	[tilespmem:s28], [sflag:$0x1] =	stream.indirect.gather [hbm4b:s1+s30], $0x80, s4, s30, $0xb8;
	[tilespmem:$0x1FD80] =	vst v63  }
0x9d: {  	s18 =	sadd.s32 s7, s18  }
0x9e: {  	[tilespmem:s31], [sflag:$0x3] =	stream.linear.gather [hbm4b:s18+s4], $0xC0, $0x38;
	[tilespmem:$0x1FD80] =	vst v63  }
0x9f: {  	_ =	swait.ge [sflag:s10], $0x6000  }
0xa0: {  	[sflag:s10] =	ssyncset.done $0x0  }
0xa1: {  	s19 =	sadd.s32 s17, s21;
	[sflag:s10] =	ssyncadd.s32 $0xFFFFA000  }
0xa2: {  	[tilespmem:s0], [sflag:$0x6] =	stream.linear.gather [hbm4b:s19+s4], $0xC0, $0x38;
	[tilespmem:$0x1FD80] =	vst v63  }
0xa3: {  	_ =	swait.ge [sflag:s11], $0xC0  }
0xa4: {  	[sflag:s11] =	ssyncset.done $0x0  }
0xa5: {  	[sflag:s11] =	ssyncadd.s32 $0xFFFFFF40  }
0xa6: {  	[spmem:s2] =	stream.indirect.scatter.add.f32 [tilespmem:s3], [sflag:$0x7], $0x80, s5, s30, $0xb8;
	[tilespmem:$0x1FD80] =	vst v63  }
0xa7: {  	_ =	swait.ge [sflag:s24], $0x6000  }
0xa8: {  	[sflag:s24] =	ssyncset.done $0x0  }
0xa9: {  	[sflag:s24] =	ssyncadd.s32 $0xFFFFA000  }
0xaa: {  	_ =	swait.ge [sflag:s12], $0xC0  }
0xab: {  	[sflag:s12] =	ssyncset.done $0x0  }
0xac: {  	[sflag:s12] =	ssyncadd.s32 $0xFFFFFF40  }
0xad: {  	[tilespmem:s3], [sflag:$0x2] =	stream.indirect.gather [hbm4b:s1+s30], $0x80, s0, s30, $0xb8;
	[tilespmem:$0x1FD80] =	vst v63  }
0xae: {  	s23 =	sadd.s32 s17, s20  }
0xaf: {  	[tilespmem:s5], [sflag:$0x4] =	stream.linear.gather [hbm4b:s23+s4], $0xC0, $0x38;
	[tilespmem:$0x1FD80] =	vst v63  }
0xb0: {  	_ =	swait.ge [sflag:s29], $0x6000  }
0xb1: {  	[sflag:s29] =	ssyncset.done $0x0  }
0xb2: {  	[sflag:s29] =	ssyncadd.s32 $0xFFFFA000  }
0xb3: {  	_ =	swait.ge [sflag:s8], $0xC0  }
0xb4: {  	[sflag:s8] =	ssyncset.done $0x0  }
0xb5: {  	[sflag:s8] =	ssyncadd.s32 $0xFFFFFF40  }
0xb6: {  	[spmem:s2] =	stream.indirect.scatter.add.f32 [tilespmem:s28], [sflag:$0x7], $0x80, s31, s30, $0xb8;
	[tilespmem:$0x1FD80] =	vst v63  }
0xb7: {  	_ =	swait.ge [sflag:s24], $0x6000  }
0xb8: {  	[sflag:s24] =	ssyncset.done $0x0  }
0xb9: {  	[sflag:s24] =	ssyncadd.s32 $0xFFFFA000  }
0xba: {  	_ =	swait.ge [sflag:s10], $0x6000  }
0xbb: {  	[sflag:s10] =	ssyncset.done $0x0  }
0xbc: {  	[sflag:s10] =	ssyncadd.s32 $0xFFFFA000  }
0xbd: {  	_ =	swait.ge [sflag:s11], $0xC0  }
0xbe: {  	[sflag:s11] =	ssyncset.done $0x0  }
0xbf: {  	[sflag:s11] =	ssyncadd.s32 $0xFFFFFF40  }
0xc0: {  	[spmem:s2] =	stream.indirect.scatter.add.f32 [tilespmem:s3], [sflag:$0x7], $0x80, s5, s30, $0xb8;
	[tilespmem:$0x1FD80] =	vst v63  }
0xc1: {  	_ =	swait.ge [sflag:s24], $0x6000  }
0xc2: {  	[sflag:s24] =	ssyncset.done $0x0  }
0xc3: {  	[sflag:s24] =	ssyncadd.s32 $0xFFFFA000  }
0xc4: {  	[bflag:$0x0] =	sbarrier.arrive $0xFFFF  }
0xc5: {  	s25 =	rddreg [dreg:$0x4]  }
0xc6: {  	s18 =	rddreg [dreg:$0xf]  }
0xc7: {  	s17 =	sadd.s32 s25, s18  }
0xc8: {  	[hbm:s17], [sflag:s14] =	dma.local [spmem:s15], $0x2700  }
0xc9: {  	_ =	swait.ge [sflag:s24], $0x2700  }
0xca: {  	[sflag:s24] =	ssyncset.done $0x0  }
0xcb: {  	s15 =	sadd.s32 @!p0 $0x27000, s18;
	[sflag:s24] =	ssyncadd.s32 $0xFFFFD900  }
0xcc: {  	[hbm:s15], [sflag:s14] =	dma.local @!p0 [spmem:s16], $0x100  }
0xcd: {  	s14 =	simm.s32 @!p0 $0x7  }
0xce: {  	_ =	swait.ge @!p0 [sflag:s14], $0x100  }
0xcf: {  	s13 =	sadd.s32 $0x1, s13;
	s26 =	rddreg [dreg:$0x10]  }
0xd0: {  	p1 =	sne.s32 s13, s26  }
.Ltmp1:
0xd1: {  	_ = 	snop;
	(pc) =	sbr.rel @p1 .LBB2_1-.Ltmp1, $3  }
0xd2: {  	_ =	sdelay $0x1  }
0xd3: {  	[sflag:s14] =	ssyncset.done @!p0 $0x0  }
0xd4: {  	[sflag:s14] =	ssyncadd.s32 @!p0 $0xFFFFFF00  }
0xd5: {  	_ =	sfence.sel $0x180000  }
0xd6: {  	[bflag:$0x0] =	sbarrier.arrive $0xFFFF  }
0xd7: {  	_ =	strace $0x9000004D  }
0xd8: {  	[bflag:$0x2] =	sbarrier.arrive $0xFFFF  }
0xd9: {  	s0 =	rddreg [dreg:$0x3]  }
0xda: {  	s0 =	sadd.s32 @!p0 $0x100000, s0  }
0xdb: {  	[sflag:s0] =	ssyncadd.tile.s32 @!p0 $0x1;
	_ =	shalt  }
.Lfunc_end2:
_tile_overlayer_lowered:
.L_overlay_start_2:
0xdc: {  	(tag) =	ssettag $0x2  }
0xdd: {  	s0 =	rddreg [dreg:$0x0];
	s2 =	stileid.u32  }
0xde: {  	s1 =	rddreg [dreg:$0x1];
	p0 =	sne.s32 s2, $0x0  }
0xdf: {  	s3 =	rddreg [dreg:$0x2];
	[bflag:$0x3] =	sbarrier.arrive $0xFFFF;
	s2 =	simm.s32 @!p0 $0x1C07  }
0xe0: {  	[timem:s3], [sflag:s2] =	dma.local @!p0 [hbm:s0], s1  }
0xe1: {  	s0 =	simm.s32 @!p0 $0x7  }
0xe2: {  	_ =	swait.ge @!p0 [sflag:s0], s1  }
0xe3: {  	s1 =	ssub.s32 @!p0 $0x0, s1;
	[sflag:s0] =	ssyncset.done @!p0 $0x0  }
0xe4: {  	[sflag:s0] =	ssyncadd.s32 @!p0 s1  }
0xe5: {  	[bflag:$0x3] =	sbarrier.arrive $0xFFFF  }
0xe6: {  	_ =	shalt  }

// kernel: kernel.21.cloned.1.call-start
scs
__scs_entry_jumppad:
0x0: {  	(pc) =	sbr.rel $0x88, $3  }
0x1: {  	(tag) =	ssettag $0x0;
	lr =	simm.s32 $0x1  }
0x2: {  	[smem:$0x3F97] =	sst lr;
	_ =	strace $0xD0000000  }
0x3: {  	_ = 	snop  }
0x4: {  	_ = 	snop  }
0x5: {  	_ = 	snop  }
0x6: {  	_ = 	snop  }
0x7: {  	_ = 	snop  }
__scs_overlays_trampoline_lowered:
0x8: {  	[smem:$0x3FA6] =	sst s0  }
0x9: {  	[smem:$0x3FA7] =	sst s1  }
0xa: {  	[smem:$0x3FA8] =	sst s2  }
0xb: {  	[smem:$0x3FA9] =	sst s3  }
0xc: {  	[smem:$0x3FAA] =	sst s4  }
0xd: {  	[smem:$0x3FAB] =	sst s5  }
0xe: {  	[smem:$0x3FAC] =	sst s6  }
0xf: {  	[smem:$0x3FAD] =	sst s7  }
0x10: {  	[smem:$0x3FAE] =	sst s8  }
0x11: {  	[smem:$0x3FAF] =	sst s9;
	s0 =	simm.s32 @!p0 $0x0  }
0x12: {  	s1 =	sld [smem:$0x3F95];
	s0 =	simm.s32 @p0 $0x1  }
0x13: {  	[smem:$0x3FB0] =	sst s0;
	s0 =	simm.s32 @!p1 $0x0  }
0x14: {  	s2 =	sld [smem:$0x3F94];
	s0 =	simm.s32 @p1 $0x1  }
0x15: {  	[smem:$0x3FB1] =	sst s0;
	s0 =	simm.s32 @!p2 $0x0  }
0x16: {  	s3 =	sld [smem:$0x3FDB];
	s0 =	simm.s32 @p2 $0x1  }
0x17: {  	s4 =	simm.s32 $0x1BF5;
	[smem:$0x3FB3] =	sst s0  }
0x18: {  	s0 =	sld [smem:$0x3F96];
	_ =	swait.ge [sflag:s4], $0x0  }
0x19: {  	s7 =	sld [smem:$0x3F97]  }
0x1a: {  	s8 =	sadd.s32 $0xFFFFE003, lr  }
0x1b: {  	s9 =	sadd.s32 $0xFFFFFEF7, lr;
	s5 =	simm.s32 $0xFFFFFFFF;
	p2 =	slt.u32 s8, $0xFFFFF086  }
0x1c: {  	p1 =	slt.u32 s9, $0xF7A;
	s5 =	simm.s32 @!p2 $0x0  }
0x1d: {  	s5 =	simm.s32 @p1 $0x1;
	p0 =	seq.s32 s7, s2  }
0x1e: {  	s7 =	smul.u32 @!p0 $0xF7A, s2;
	p2 =	seq.s32 @!p0 s5, $0x0  }
0x1f: {  	s9 =	smul.u32 $0xF7A, s1;
	s8 =	simm.s32 @!p0 $0x1BF5;
	p2 =	por !p2, p0  }
0x20: {  	[sflag:s8] =	ssyncset.s32 @!p0 $0xFFFFF086;
	s6 =	sadd.s32 @!p0 s3, s7;
	s7 =	simm.s32 @!p0 $0x108  }
0x21: {  	s3 =	sadd.s32 s3, s9;
	s6 =	sadd.s32 @!p0 $0x88, s6;
	s7 =	simm.s32 @p2 $0x1082  }
0x22: {  	[simem:s7], [sflag:s8] =	dma.local @!p0 [hbm:s6], $0xF7A  }
0x23: {  	s9 =	sor.u32 $0xD0000000, s2;
	s6 =	simm.s32 $0x108;
	_ =	swait.ge @!p0 [sflag:s8], $0x0  }
0x24: {  	s3 =	sadd.s32 $0x88, s3;
	s6 =	simm.s32 @!p1 $0x1082;
	[sflag:s4] =	ssyncset.s32 $0xFFFFF086  }
0x25: {  	[simem:s6], [sflag:s4] =	dma.local [hbm:s3], $0xF7A  }
0x26: {  	[smem:$0x3F97] =	sst s1;
	(tag) =	ssettag s2;
	_ =	strace s9  }
0x27: {  	s1 =	sld [smem:$0x3FA7]  }
0x28: {  	s2 =	sld [smem:$0x3FA8]  }
0x29: {  	s4 =	sld [smem:$0x3FAA]  }
0x2a: {  	p0 =	seq.s32 s5, $0x0;
	s5 =	sld [smem:$0x3FAB]  }
0x2b: {  	s6 =	sld [smem:$0x3FAC]  }
0x2c: {  	s7 =	sld [smem:$0x3FAD]  }
0x2d: {  	s3 =	simm.s32 $0x108;
	s8 =	sld [smem:$0x3FAE]  }
0x2e: {  	s3 =	simm.s32 @!p0 $0x1082;
	s9 =	sld [smem:$0x3FAF]  }
0x2f: {  	lr =	sadd.s32 s0, s3;
	s0 =	sld [smem:$0x3FA6]  }
0x30: {  	s3 =	sld [smem:$0x3FA9]  }
0x31: {  	[smem:$0x3FB2] =	sst s10  }
0x32: {  	s10 =	sld [smem:$0x3FB0];
	_ =	sdelay $0x3  }
0x33: {  	p0 =	seq.s32 s10, $0x1;
	s10 =	sld [smem:$0x3FB2];
	_ =	sdelay $0x3  }
0x34: {  	[smem:$0x3FB2] =	sst s10  }
0x35: {  	s10 =	sld [smem:$0x3FB1];
	_ =	sdelay $0x3  }
0x36: {  	p1 =	seq.s32 s10, $0x1;
	s10 =	sld [smem:$0x3FB2];
	_ =	sdelay $0x3  }
0x37: {  	[smem:$0x3FB2] =	sst s10  }
0x38: {  	s10 =	sld [smem:$0x3FB3]  }
0x39: {  	_ = 	snop;
	(pc) =	sbr.ind lr, $3  }
0x3a: {  	_ = 	snop  }
0x3b: {  	_ = 	snop  }
0x3c: {  	p2 =	seq.s32 s10, $0x1;
	s10 =	sld [smem:$0x3FB2]  }
0x3d: {  	_ =	shalt  }
0x3e: {  	_ =	shalt  }
0x3f: {  	_ =	shalt  }
0x40: {  	_ =	shalt  }
0x41: {  	_ =	shalt  }
0x42: {  	_ =	shalt  }
0x43: {  	_ =	shalt  }
0x44: {  	_ =	shalt  }
0x45: {  	_ =	shalt  }
0x46: {  	_ =	shalt  }
0x47: {  	_ =	shalt  }
0x48: {  	_ =	shalt  }
0x49: {  	_ =	shalt  }
0x4a: {  	_ =	shalt  }
0x4b: {  	_ =	shalt  }
0x4c: {  	_ =	shalt  }
0x4d: {  	_ =	shalt  }
0x4e: {  	_ =	shalt  }
0x4f: {  	_ =	shalt  }
0x50: {  	_ =	shalt  }
0x51: {  	_ =	shalt  }
0x52: {  	_ =	shalt  }
0x53: {  	_ =	shalt  }
0x54: {  	_ =	shalt  }
0x55: {  	_ =	shalt  }
0x56: {  	_ =	shalt  }
0x57: {  	_ =	shalt  }
0x58: {  	_ =	shalt  }
0x59: {  	_ =	shalt  }
0x5a: {  	_ =	shalt  }
0x5b: {  	_ =	shalt  }
0x5c: {  	_ =	shalt  }
0x5d: {  	_ =	shalt  }
0x5e: {  	_ =	shalt  }
0x5f: {  	_ =	shalt  }
0x60: {  	_ =	shalt  }
0x61: {  	_ =	shalt  }
0x62: {  	_ =	shalt  }
0x63: {  	_ =	shalt  }
0x64: {  	_ =	shalt  }
0x65: {  	_ =	shalt  }
0x66: {  	_ =	shalt  }
0x67: {  	_ =	shalt  }
0x68: {  	_ =	shalt  }
0x69: {  	_ =	shalt  }
0x6a: {  	_ =	shalt  }
0x6b: {  	_ =	shalt  }
0x6c: {  	_ =	shalt  }
0x6d: {  	_ =	shalt  }
0x6e: {  	_ =	shalt  }
0x6f: {  	_ =	shalt  }
0x70: {  	_ =	shalt  }
0x71: {  	_ =	shalt  }
0x72: {  	_ =	shalt  }
0x73: {  	_ =	shalt  }
0x74: {  	_ =	shalt  }
0x75: {  	_ =	shalt  }
0x76: {  	_ =	shalt  }
0x77: {  	_ =	shalt  }
0x78: {  	_ =	shalt  }
0x79: {  	_ =	shalt  }
0x7a: {  	_ =	shalt  }
0x7b: {  	_ =	shalt  }
0x7c: {  	_ =	shalt  }
0x7d: {  	_ =	shalt  }
0x7e: {  	_ =	shalt  }
0x7f: {  	_ =	shalt  }
0x80: {  	_ =	shalt  }
0x81: {  	_ =	shalt  }
0x82: {  	_ =	shalt  }
0x83: {  	_ =	shalt  }
0x84: {  	_ =	shalt  }
0x85: {  	_ =	shalt  }
0x86: {  	_ =	shalt  }
0x87: {  	_ =	shalt  }
.Lfunc_end0:
.L_simem_size_0:
called_computation.3_lowered:
.L_overlay_start_0:
0x88: {  	s2 =	sld [smem:$0x3FD9]  }
0x89: {  	s3 =	sld [smem:$0x3FFE];
	_ =	sdelay $0x1  }
0x8a: {  	s1 =	srdreg.scid  }
0x8b: {  	s0 =	sand.u32 $0x1, s1  }
0x8c: {  	s14 =	sshll.u32 s0, $0xA;
	s2 =	sadd.s32 s3, s2  }
0x8d: {  	s2 =	sadd.s32 s2, s14  }
0x8e: {  	[smem:$0x3FBE] =	sst s2  }
0x8f: {  	_ = 	snop  }
0x90: {  	s2 =	sld [smem:$0x3FD0];
	_ =	sdelay $0x2  }
0x91: {  	s15 =	simm.s32 $0xA;
	s4 =	simm.s32 $0x10  }
0x92: {  	[smem:s4], [sflag:s15] =	dma.local [hbm:s2], $0x1  }
0x93: {  	_ =	swait.eq [sflag:s15], $0x1  }
0x94: {  	[sflag:s15] =	ssyncset.done $0x0  }
0x95: {  	[sflag:s15] =	ssyncadd.s32 $0xFFFFFFFF  }
0x96: {  	s16 =	sld [smem:$0x11];
	(tm) =	ssettm $0x1  }
0x97: {  	s17 =	sld [smem:$0x3FFB];
	_ =	sdelay $0x3  }
0x98: {  	_ =	strace s17  }
0x99: {  	s3 =	sld [smem:$0x3FFC];
	_ =	sdelay $0x3  }
0x9a: {  	_ =	strace s3  }
0x9b: {  	s3 =	sld [smem:$0x3FFD];
	_ =	sdelay $0x3  }
0x9c: {  	_ =	strace s3  }
0x9d: {  	_ =	strace $0x8FFFFFFF  }
0x9e: {  	s18 =	sld [smem:$0x3FDB];
	_ =	sdelay $0x1  }
0x9f: {  	s19 =	simm.s32 $_scs_section_size  }
0xa0: {  	s5 =	simm.s32 $_size__tile_overlayer_lowered;
	s6 =	simm.s32 $_tile_overlayer_lowered  }
0xa1: {  	s22 =	simm.s32 $0x1BFF;
	s21 =	sshll.u32 s6, $0x1;
	s3 =	sadd.s32 s19, s18  }
0xa2: {  	s7 =	simm.s32 $0x0;
	s20 =	sshll.u32 s5, $0x1;
	s5 =	sadd.s32 s21, s3  }
0xa3: {  	[timem:s7], [sflag:s22] =	dma.local [hbm:s5], s20  }
0xa4: {  	_ =	swait.ge [sflag:s22], s20  }
0xa5: {  	s4 =	ssub.s32 $0x0, s20;
	[sflag:s22] =	ssyncset.done $0x0  }
0xa6: {  	[sflag:s22] =	ssyncadd.s32 s4;
	_ =	sdelay $0x1  }
0xa7: {  	s23 =	simm.s32 $0x1B8B  }
0xa8: {  	_ =	swait.ge [sflag:s23], $0x1  }
0xa9: {  	[sflag:s23] =	ssyncset.done $0x0  }
0xaa: {  	s25 =	simm.s32 $0x1B8E;
	s24 =	sld [smem:$0x3FFE];
	[sflag:s23] =	ssyncadd.s32 $0xFFFFFFFF  }
0xab: {  	s26 =	simm.s32 $execute0_lowered;
	[smem:$0x3FD2] =	sst s25  }
0xac: {  	s5 =	sshll.u32 s26, $0x1;
	_ =	strace $0x8000004F;
	[dreg:$0x1] =	wrdreg $0xFFFFFFFF  }
0xad: {  	s28 =	simm.s32 $_size_execute0_lowered;
	s3 =	sadd.s32 s3, s5;
	[dreg:$0x0] =	wrdreg $0x0  }
0xae: {  	s5 =	sshll.u32 s28, $0x1;
	[dreg:$0x2] =	wrdreg s3  }
0xaf: {  	[dreg:$0x3] =	wrdreg s5  }
0xb0: {  	[dreg:$0x4] =	wrdreg $0xC0  }
0xb1: {  	_ =	task [dreg:s7], $0x5FFFF  }
0xb2: {  	[dreg:$0x1] =	wrdreg $0xFFFFFFFF  }
0xb3: {  	[dreg:$0x0] =	wrdreg $0x60  }
0xb4: {  	[dreg:$0x2] =	wrdreg s16  }
0xb5: {  	[dreg:$0x3] =	wrdreg s24  }
0xb6: {  	[dreg:$0x4] =	wrdreg $0xC5000  }
0xb7: {  	[dreg:$0x5] =	wrdreg $0x9  }
0xb8: {  	_ =	task.clear_ibuf [dreg:s7], $0x6FFFF;
	_ =	strace $0x9000004F  }
0xb9: {  	s29 =	simm.s32 $0x9;
	_ =	strace $0x80000051  }
0xba: {  	_ =	swait.ge [sflag:s29], $0x1  }
0xbb: {  	[sflag:s29] =	ssyncadd.s32 $0xFFFFFFFF  }
0xbc: {  	_ =	strace $0x90000051  }
0xbd: {  	_ =	sfence  }
0xbe: {  	s30 =	sld [smem:$0x0];
	_ =	sdelay $0x2  }
0xbf: {  	s31 =	sshll.u32 s1, $0xD;
	s1 =	sshrl.u32 s1, $0x2  }
0xc0: {  	s3 =	sand.u32 $0x4000, s31;
	s1 =	sadd.s32 s1, s30  }
0xc1: {  	s0 =	sor.u32 s3, s0;
	s1 =	sshll.u32 s1, $0x11  }
0xc2: {  	s0 =	sor.u32 s1, s0  }
0xc3: {  	s0 =	sadd.s32 $0x8F2B, s0  }
0xc4: {  	[sflag:s0] =	ssyncadd.remote.s32 $0x1  }
0xc5: {  	_ =	sfence.sel $0xFFFF  }
0xc6: {  	[dreg:$0x0] =	wrdreg $0xFFFFFFFF;
	(pc) =	sbr.abs _section_cstart, $3  }
0xc7: {  	[dreg:$0x1] =	wrdreg $0xFFFFFFFF  }
0xc8: {  	_ =	task.clear_ibuf [dreg:s7], $0x2FFFF;
	_ =	strace $0x9FFFFFFF  }
0xc9: {  	(tm) =	ssettm $0x7FFFFFFF  }
tec
execute0_lowered:
.L_overlay_start_1:
0x0: {  	(tag) =	ssettag $0x1  }
0x1: {  	s1 =	rddreg [dreg:$0x0]  }
0x2: {  	s0 =	rddreg [dreg:$0x1]  }
0x3: {  	s2 =	rddreg [dreg:$0x2]  }
0x4: {  	s14 =	stileid.u32;
	s3 =	srdreg.scid  }
0x5: {  	s4 =	simm.s32 $0x0;
	s28 =	simm.s32 $0x500;
	s29 =	simm.s32 $0x1  }
0x6: {  	s30 =	simm.s32 $0xC0;
	s31 =	simm.s32 $0x200;
	s3 =	sand.u32 $0x1, s3  }
0x7: {  	s5 =	sshll.u32 s14, $0x1;
	[smem:$0x7FF] =	sst s4;
	s8 =	smul.u32 $0x2700, s14  }
0x8: {  	s6 =	sadd.s32 $0x3E00, s0;
	s7 =	sadd.s32 $0xDC00, s0;
	s13 =	smul.u32 $0x4E000, s14  }
0x9: {  	s19 =	smul.u32 $0x4E20, s14;
	s20 =	sadd.s32 $0x138000, s2;
	p0 =	sne.s32 s14, $0x0  }
0xa: {  	s5 =	sor.u32 s3, s5;
	_ =	strace $0x80000050;
	s9 =	smul.u32 $0x27100, s3  }
0xb: {  	s10 =	ssub.s32 $0x2, s3;
	s3 =	smul.u32 $0x2710, s3;
	[dreg:$0x9] =	wrdreg s20  }
0xc: {  	s5 =	smul.u32 $0x2710, s5;
	[dreg:$0x4] =	wrdreg s8;
	s8 =	sadd.s32 s8, s0  }
0xd: {  	s11 =	sshrl.u32 s10, $0x1;
	s18 =	sshrl.u32 s13, $0x2;
	s13 =	simm.s32 $0x0  }
0xe: {  	s9 =	sadd.s32 s9, s0;
	s10 =	ssub.s32 s10, s11;
	s11 =	sadd.s32 s18, s2  }
0xf: {  	s8 =	sadd.s32 $0x3EC00, s8;
	s0 =	sadd.s32 $0x65C00, s0;
	[dreg:$0x7] =	wrdreg s11  }
0x10: {  	s3 =	sadd.s32 s3, s19;
	s5 =	sshrl.u32 s5, $0x3;
	[dreg:$0x8] =	wrdreg s8  }
0x11: {  	[dreg:$0xa] =	wrdreg s0;
	s24 =	sadd.s32 $0x240, s3;
	s25 =	sadd.s32 $0x65E00, s9  }
0x12: {  	s26 =	smax.u32 s10, $0x1;
	s8 =	simm.s32 $0x3;
	[dreg:$0xf] =	wrdreg s25  }
0x13: {  	s9 =	simm.s32 $0x5;
	s21 =	sadd.s32 s6, s5;
	[dreg:$0x10] =	wrdreg s26  }
0x14: {  	s12 =	sadd.s32 $0x4E0, s5;
	s22 =	sadd.s32 s7, s5;
	[dreg:$0xb] =	wrdreg s21  }
0x15: {  	s10 =	simm.s32 $0x2;
	s16 =	sadd.s32 s6, s12;
	[dreg:$0xc] =	wrdreg s22  }
0x16: {  	s23 =	sadd.s32 $0x18, s5;
	s17 =	sadd.s32 s7, s12;
	[dreg:$0x5] =	wrdreg s16  }
0x17: {  	s11 =	simm.s32 $0x4;
	s5 =	sadd.s32 s6, s23;
	[dreg:$0x6] =	wrdreg s17  }
0x18: {  	s0 =	sadd.s32 s7, s23;
	s22 =	sadd.s32 $0x180, s3;
	[dreg:$0xd] =	wrdreg s5  }
0x19: {  	s3 =	simm.s32 $0x6500;
	s12 =	simm.s32 $0x6;
	[dreg:$0xe] =	wrdreg s0  }
0x1a: {  	s0 =	sshrl.u32 s24, $0x3;
	s24 =	simm.s32 $0x7;
	s5 =	simm.s32 $0x300  }
0x1b: {  	s20 =	sadd.s32 s0, s7;
	s21 =	sadd.s32 s0, s6;
	s0 =	simm.s32 $0x100  }
.LBB2_1:
0x1c: {  	s14 =	rddreg [dreg:$0x5];
	s15 =	simm.s32 $0x400  }
0x1d: {  	[tilespmem:s15], [sflag:$0x7] =	stream.linear.gather [hbm4b:s14+s4], $0x10, $0x38;
	[tilespmem:$0x1FD80] =	vst v63  }
0x1e: {  	_ =	swait.ge [sflag:s24], $0x10  }
0x1f: {  	[sflag:s24] =	ssyncset.done $0x0  }
0x20: {  	s18 =	simm.s32 $0x480;
	s26 =	rddreg [dreg:$0x6];
	[sflag:s24] =	ssyncadd.s32 $0xFFFFFFF0  }
0x21: {  	[tilespmem:s18], [sflag:$0x7] =	stream.linear.gather [hbm4b:s26+s4], $0x10, $0x38;
	[tilespmem:$0x1FD80] =	vst v63  }
0x22: {  	_ =	swait.ge [sflag:s24], $0x10  }
0x23: {  	s19 =	simm.s32 $0x10;
	s16 =	stileid.u32;
	[sflag:s24] =	ssyncset.done $0x0  }
0x24: {  	s14 =	sshll.u32 s16, $0x6;
	s17 =	rddreg [dreg:$0x7];
	[sflag:s24] =	ssyncadd.s32 $0xFFFFFFF0  }
0x25: {  	[tilespmem:s28], [sflag:$0x1] =	stream.indirect.gather [hbm4b:s1+s19], $0x80, s15, s19, $0xb8;
	[tilespmem:$0x1FD80] =	vst v63  }
0x26: {  	s14 =	sor.u32 $0x1C07, s14;
	s16 =	rddreg [dreg:$0x8];
	s15 =	sshrl.u32 s17, $0x3  }
0x27: {  	[spmem:s15], [sflag:s14] =	dma.local [hbm:s16], $0x2700  }
0x28: {  	_ =	swait.ge [sflag:s24], $0x2700  }
0x29: {  	[sflag:s24] =	ssyncset.done $0x0;
	s16 =	rddreg [dreg:$0x9]  }
0x2a: {  	s17 =	rddreg [dreg:$0xa];
	[sflag:s24] =	ssyncadd.s32 $0xFFFFD900;
	s16 =	sshrl.u32 @!p0 s16, $0x3  }
0x2b: {  	[spmem:s16], [sflag:s14] =	dma.local @!p0 [hbm:s17], $0x100  }
0x2c: {  	s17 =	simm.s32 @!p0 $0x7  }
0x2d: {  	_ =	swait.ge @!p0 [sflag:s17], $0x100  }
0x2e: {  	[sflag:s17] =	ssyncset.done @!p0 $0x0  }
0x2f: {  	[sflag:s17] =	ssyncadd.s32 @!p0 $0xFFFFFF00  }
0x30: {  	[bflag:$0x0] =	sbarrier.arrive $0xFFFF  }
0x31: {  	_ =	swait.ge [sflag:s29], $0x800  }
0x32: {  	[sflag:s29] =	ssyncset.done $0x0  }
0x33: {  	[sflag:s29] =	ssyncadd.s32 $0xFFFFF800  }
0x34: {  	[spmem:s2] =	stream.indirect.scatter.add.f32 [tilespmem:s28], [sflag:$0x7], $0x80, s18, s19, $0xb8;
	[tilespmem:$0x1FD80] =	vst v63  }
0x35: {  	_ =	swait.ge [sflag:s24], $0x800  }
0x36: {  	[sflag:s24] =	ssyncset.done $0x0  }
0x37: {  	s19 =	rddreg [dreg:$0xb];
	[sflag:s24] =	ssyncadd.s32 $0xFFFFF800  }
0x38: {  	[tilespmem:s4], [sflag:$0x7] =	stream.linear.gather [hbm4b:s19+s4], $0xC0, $0x38;
	[tilespmem:$0x1FD80] =	vst v63  }
0x39: {  	_ =	swait.ge [sflag:s24], $0xC0  }
0x3a: {  	[sflag:s24] =	ssyncset.done $0x0  }
0x3b: {  	[sflag:s24] =	ssyncadd.s32 $0xFFFFFF40  }
0x3c: {  	[tilespmem:s28], [sflag:$0x1] =	stream.indirect.gather [hbm4b:s1+s30], $0x80, s4, s30, $0xb8;
	[tilespmem:$0x1FD80] =	vst v63  }
0x3d: {  	s23 =	rddreg [dreg:$0xc]  }
0x3e: {  	[tilespmem:s31], [sflag:$0x3] =	stream.linear.gather [hbm4b:s23+s4], $0xC0, $0x38;
	[tilespmem:$0x1FD80] =	vst v63  }
0x3f: {  	s25 =	rddreg [dreg:$0xd]  }
0x40: {  	[tilespmem:s0], [sflag:$0x7] =	stream.linear.gather [hbm4b:s25+s4], $0xC0, $0x38;
	[tilespmem:$0x1FD80] =	vst v63  }
0x41: {  	_ =	swait.ge [sflag:s24], $0xC0  }
0x42: {  	[sflag:s24] =	ssyncset.done $0x0  }
0x43: {  	[sflag:s24] =	ssyncadd.s32 $0xFFFFFF40  }
0x44: {  	[tilespmem:s3], [sflag:$0x2] =	stream.indirect.gather [hbm4b:s1+s30], $0x80, s0, s30, $0xb8;
	[tilespmem:$0x1FD80] =	vst v63  }
0x45: {  	s26 =	rddreg [dreg:$0xe]  }
0x46: {  	[tilespmem:s5], [sflag:$0x4] =	stream.linear.gather [hbm4b:s26+s4], $0xC0, $0x38;
	[tilespmem:$0x1FD80] =	vst v63  }
0x47: {  	_ =	swait.ge [sflag:s29], $0x6000  }
0x48: {  	s18 =	sshrl.u32 s22, $0x3;
	[sflag:s29] =	ssyncset.done $0x0  }
0x49: {  	s23 =	sadd.s32 s6, s18;
	[sflag:s29] =	ssyncadd.s32 $0xFFFFA000  }
0x4a: {  	[tilespmem:s4], [sflag:$0x5] =	stream.linear.gather [hbm4b:s23+s4], $0xC0, $0x38;
	[tilespmem:$0x1FD80] =	vst v63  }
0x4b: {  	_ =	swait.ge [sflag:s8], $0xC0  }
0x4c: {  	[sflag:s8] =	ssyncset.done $0x0  }
0x4d: {  	[sflag:s8] =	ssyncadd.s32 $0xFFFFFF40  }
0x4e: {  	[spmem:s2] =	stream.indirect.scatter.add.f32 [tilespmem:s28], [sflag:$0x7], $0x80, s31, s30, $0xb8;
	[tilespmem:$0x1FD80] =	vst v63  }
0x4f: {  	_ =	swait.ge [sflag:s24], $0x6000  }
0x50: {  	[sflag:s24] =	ssyncset.done $0x0  }
0x51: {  	[sflag:s24] =	ssyncadd.s32 $0xFFFFA000  }
0x52: {  	_ =	swait.ge [sflag:s9], $0xC0  }
0x53: {  	[sflag:s9] =	ssyncset.done $0x0  }
0x54: {  	[sflag:s9] =	ssyncadd.s32 $0xFFFFFF40  }
0x55: {  	[tilespmem:s28], [sflag:$0x1] =	stream.indirect.gather [hbm4b:s1+s30], $0x80, s4, s30, $0xb8;
	[tilespmem:$0x1FD80] =	vst v63  }
0x56: {  	s17 =	sadd.s32 s7, s18  }
0x57: {  	[tilespmem:s31], [sflag:$0x3] =	stream.linear.gather [hbm4b:s17+s4], $0xC0, $0x38;
	[tilespmem:$0x1FD80] =	vst v63  }
0x58: {  	_ =	swait.ge [sflag:s10], $0x6000  }
0x59: {  	[sflag:s10] =	ssyncset.done $0x0  }
0x5a: {  	s25 =	sadd.s32 $0x0, s21;
	[sflag:s10] =	ssyncadd.s32 $0xFFFFA000  }
0x5b: {  	[tilespmem:s0], [sflag:$0x6] =	stream.linear.gather [hbm4b:s25+s4], $0xC0, $0x38;
	[tilespmem:$0x1FD80] =	vst v63  }
0x5c: {  	_ =	swait.ge [sflag:s11], $0xC0  }
0x5d: {  	[sflag:s11] =	ssyncset.done $0x0  }
0x5e: {  	[sflag:s11] =	ssyncadd.s32 $0xFFFFFF40  }
0x5f: {  	[spmem:s2] =	stream.indirect.scatter.add.f32 [tilespmem:s3], [sflag:$0x7], $0x80, s5, s30, $0xb8;
	[tilespmem:$0x1FD80] =	vst v63  }
0x60: {  	_ =	swait.ge [sflag:s24], $0x6000  }
0x61: {  	[sflag:s24] =	ssyncset.done $0x0  }
0x62: {  	[sflag:s24] =	ssyncadd.s32 $0xFFFFA000  }
0x63: {  	_ =	swait.ge [sflag:s12], $0xC0  }
0x64: {  	[sflag:s12] =	ssyncset.done $0x0  }
0x65: {  	[sflag:s12] =	ssyncadd.s32 $0xFFFFFF40  }
0x66: {  	[tilespmem:s3], [sflag:$0x2] =	stream.indirect.gather [hbm4b:s1+s30], $0x80, s0, s30, $0xb8;
	[tilespmem:$0x1FD80] =	vst v63  }
0x67: {  	s26 =	sadd.s32 $0x0, s20  }
0x68: {  	[tilespmem:s5], [sflag:$0x4] =	stream.linear.gather [hbm4b:s26+s4], $0xC0, $0x38;
	[tilespmem:$0x1FD80] =	vst v63  }
0x69: {  	s19 =	simm.s32 $0x60;
	_ =	swait.ge [sflag:s29], $0x6000  }
0x6a: {  	s23 =	sadd.s32 $0x180, s22;
	s17 =	simm.s32 $0x30;
	[sflag:s29] =	ssyncset.done $0x0  }
.LBB2_2:
0x6b: {  	p1 =	sne.s32 s19, $0x480;
	s26 =	sshrl.u32 s23, $0x3;
	[sflag:s29] =	ssyncadd.s32 $0xFFFFA000  }
0x6c: {  	s25 =	smov.u32 s19;
	s19 =	sadd.s32 $0x30, s19;
	s18 =	sadd.s32 s6, s26  }
0x6d: {  	[tilespmem:s4], [sflag:$0x5] =	stream.linear.gather [hbm4b:s18+s4], $0xC0, $0x38;
	[tilespmem:$0x1FD80] =	vst v63  }
0x6e: {  	_ =	swait.ge [sflag:s8], $0xC0  }
0x6f: {  	[sflag:s8] =	ssyncset.done $0x0  }
0x70: {  	[sflag:s8] =	ssyncadd.s32 $0xFFFFFF40  }
0x71: {  	[spmem:s2] =	stream.indirect.scatter.add.f32 [tilespmem:s28], [sflag:$0x7], $0x80, s31, s30, $0xb8;
	[tilespmem:$0x1FD80] =	vst v63  }
0x72: {  	_ =	swait.ge [sflag:s24], $0x6000  }
0x73: {  	[sflag:s24] =	ssyncset.done $0x0  }
0x74: {  	[sflag:s24] =	ssyncadd.s32 $0xFFFFA000  }
0x75: {  	_ =	swait.ge [sflag:s9], $0xC0  }
0x76: {  	[sflag:s9] =	ssyncset.done $0x0  }
0x77: {  	[sflag:s9] =	ssyncadd.s32 $0xFFFFFF40  }
0x78: {  	[tilespmem:s28], [sflag:$0x1] =	stream.indirect.gather [hbm4b:s1+s30], $0x80, s4, s30, $0xb8;
	[tilespmem:$0x1FD80] =	vst v63  }
0x79: {  	s18 =	sadd.s32 s7, s26  }
0x7a: {  	[tilespmem:s31], [sflag:$0x3] =	stream.linear.gather [hbm4b:s18+s4], $0xC0, $0x38;
	[tilespmem:$0x1FD80] =	vst v63  }
0x7b: {  	_ =	swait.ge [sflag:s10], $0x6000  }
0x7c: {  	[sflag:s10] =	ssyncset.done $0x0  }
0x7d: {  	s18 =	sadd.s32 s17, s21;
	[sflag:s10] =	ssyncadd.s32 $0xFFFFA000  }
0x7e: {  	[tilespmem:s0], [sflag:$0x6] =	stream.linear.gather [hbm4b:s18+s4], $0xC0, $0x38;
	[tilespmem:$0x1FD80] =	vst v63  }
0x7f: {  	_ =	swait.ge [sflag:s11], $0xC0  }
0x80: {  	[sflag:s11] =	ssyncset.done $0x0  }
0x81: {  	[sflag:s11] =	ssyncadd.s32 $0xFFFFFF40  }
0x82: {  	[spmem:s2] =	stream.indirect.scatter.add.f32 [tilespmem:s3], [sflag:$0x7], $0x80, s5, s30, $0xb8;
	[tilespmem:$0x1FD80] =	vst v63  }
0x83: {  	_ =	swait.ge [sflag:s24], $0x6000  }
0x84: {  	[sflag:s24] =	ssyncset.done $0x0  }
0x85: {  	[sflag:s24] =	ssyncadd.s32 $0xFFFFA000  }
0x86: {  	_ =	swait.ge [sflag:s12], $0xC0  }
0x87: {  	[sflag:s12] =	ssyncset.done $0x0  }
0x88: {  	[sflag:s12] =	ssyncadd.s32 $0xFFFFFF40  }
0x89: {  	[tilespmem:s3], [sflag:$0x2] =	stream.indirect.gather [hbm4b:s1+s30], $0x80, s0, s30, $0xb8;
	[tilespmem:$0x1FD80] =	vst v63  }
.Ltmp0:
0x8a: {  	_ = 	snop;
	(pc) =	sbr.rel @p1 .LBB2_2-.Ltmp0, $4  }
0x8b: {  	s18 =	sadd.s32 s17, s20;
	s17 =	smov.u32 s25  }
0x8c: {  	[tilespmem:s5], [sflag:$0x4] =	stream.linear.gather [hbm4b:s18+s4], $0xC0, $0x38;
	[tilespmem:$0x1FD80] =	vst v63  }
0x8d: {  	_ =	swait.ge [sflag:s29], $0x6000  }
0x8e: {  	s23 =	sadd.s32 $0x180, s23;
	[sflag:s29] =	ssyncset.done $0x0  }
0x8f: {  	s18 =	sshrl.u32 s23, $0x3  }
0x90: {  	[sflag:s29] =	ssyncadd.s32 $0xFFFFA000;
	s19 =	sadd.s32 s6, s18  }
0x91: {  	[tilespmem:s4], [sflag:$0x5] =	stream.linear.gather [hbm4b:s19+s4], $0xC0, $0x38;
	[tilespmem:$0x1FD80] =	vst v63  }
0x92: {  	_ =	swait.ge [sflag:s8], $0xC0  }
0x93: {  	[sflag:s8] =	ssyncset.done $0x0  }
0x94: {  	[sflag:s8] =	ssyncadd.s32 $0xFFFFFF40  }
0x95: {  	[spmem:s2] =	stream.indirect.scatter.add.f32 [tilespmem:s28], [sflag:$0x7], $0x80, s31, s30, $0xb8;
	[tilespmem:$0x1FD80] =	vst v63  }
0x96: {  	_ =	swait.ge [sflag:s24], $0x6000  }
0x97: {  	[sflag:s24] =	ssyncset.done $0x0  }
0x98: {  	[sflag:s24] =	ssyncadd.s32 $0xFFFFA000  }
0x99: {  	_ =	swait.ge [sflag:s9], $0xC0  }
0x9a: {  	[sflag:s9] =	ssyncset.done $0x0  }
0x9b: {  	[sflag:s9] =	ssyncadd.s32 $0xFFFFFF40  }
0x9c: {  	[tilespmem:s28], [sflag:$0x1] =	stream.indirect.gather [hbm4b:s1+s30], $0x80, s4, s30, $0xb8;
	[tilespmem:$0x1FD80] =	vst v63  }
0x9d: {  	s18 =	sadd.s32 s7, s18  }
0x9e: {  	[tilespmem:s31], [sflag:$0x3] =	stream.linear.gather [hbm4b:s18+s4], $0xC0, $0x38;
	[tilespmem:$0x1FD80] =	vst v63  }
0x9f: {  	_ =	swait.ge [sflag:s10], $0x6000  }
0xa0: {  	[sflag:s10] =	ssyncset.done $0x0  }
0xa1: {  	s19 =	sadd.s32 s17, s21;
	[sflag:s10] =	ssyncadd.s32 $0xFFFFA000  }
0xa2: {  	[tilespmem:s0], [sflag:$0x6] =	stream.linear.gather [hbm4b:s19+s4], $0xC0, $0x38;
	[tilespmem:$0x1FD80] =	vst v63  }
0xa3: {  	_ =	swait.ge [sflag:s11], $0xC0  }
0xa4: {  	[sflag:s11] =	ssyncset.done $0x0  }
0xa5: {  	[sflag:s11] =	ssyncadd.s32 $0xFFFFFF40  }
0xa6: {  	[spmem:s2] =	stream.indirect.scatter.add.f32 [tilespmem:s3], [sflag:$0x7], $0x80, s5, s30, $0xb8;
	[tilespmem:$0x1FD80] =	vst v63  }
0xa7: {  	_ =	swait.ge [sflag:s24], $0x6000  }
0xa8: {  	[sflag:s24] =	ssyncset.done $0x0  }
0xa9: {  	[sflag:s24] =	ssyncadd.s32 $0xFFFFA000  }
0xaa: {  	_ =	swait.ge [sflag:s12], $0xC0  }
0xab: {  	[sflag:s12] =	ssyncset.done $0x0  }
0xac: {  	[sflag:s12] =	ssyncadd.s32 $0xFFFFFF40  }
0xad: {  	[tilespmem:s3], [sflag:$0x2] =	stream.indirect.gather [hbm4b:s1+s30], $0x80, s0, s30, $0xb8;
	[tilespmem:$0x1FD80] =	vst v63  }
0xae: {  	s23 =	sadd.s32 s17, s20  }
0xaf: {  	[tilespmem:s5], [sflag:$0x4] =	stream.linear.gather [hbm4b:s23+s4], $0xC0, $0x38;
	[tilespmem:$0x1FD80] =	vst v63  }
0xb0: {  	_ =	swait.ge [sflag:s29], $0x6000  }
0xb1: {  	[sflag:s29] =	ssyncset.done $0x0  }
0xb2: {  	[sflag:s29] =	ssyncadd.s32 $0xFFFFA000  }
0xb3: {  	_ =	swait.ge [sflag:s8], $0xC0  }
0xb4: {  	[sflag:s8] =	ssyncset.done $0x0  }
0xb5: {  	[sflag:s8] =	ssyncadd.s32 $0xFFFFFF40  }
0xb6: {  	[spmem:s2] =	stream.indirect.scatter.add.f32 [tilespmem:s28], [sflag:$0x7], $0x80, s31, s30, $0xb8;
	[tilespmem:$0x1FD80] =	vst v63  }
0xb7: {  	_ =	swait.ge [sflag:s24], $0x6000  }
0xb8: {  	[sflag:s24] =	ssyncset.done $0x0  }
0xb9: {  	[sflag:s24] =	ssyncadd.s32 $0xFFFFA000  }
0xba: {  	_ =	swait.ge [sflag:s10], $0x6000  }
0xbb: {  	[sflag:s10] =	ssyncset.done $0x0  }
0xbc: {  	[sflag:s10] =	ssyncadd.s32 $0xFFFFA000  }
0xbd: {  	_ =	swait.ge [sflag:s11], $0xC0  }
0xbe: {  	[sflag:s11] =	ssyncset.done $0x0  }
0xbf: {  	[sflag:s11] =	ssyncadd.s32 $0xFFFFFF40  }
0xc0: {  	[spmem:s2] =	stream.indirect.scatter.add.f32 [tilespmem:s3], [sflag:$0x7], $0x80, s5, s30, $0xb8;
	[tilespmem:$0x1FD80] =	vst v63  }
0xc1: {  	_ =	swait.ge [sflag:s24], $0x6000  }
0xc2: {  	[sflag:s24] =	ssyncset.done $0x0  }
0xc3: {  	[sflag:s24] =	ssyncadd.s32 $0xFFFFA000  }
0xc4: {  	[bflag:$0x0] =	sbarrier.arrive $0xFFFF  }
0xc5: {  	s25 =	rddreg [dreg:$0x4]  }
0xc6: {  	s18 =	rddreg [dreg:$0xf]  }
0xc7: {  	s17 =	sadd.s32 s25, s18  }
0xc8: {  	[hbm:s17], [sflag:s14] =	dma.local [spmem:s15], $0x2700  }
0xc9: {  	_ =	swait.ge [sflag:s24], $0x2700  }
0xca: {  	[sflag:s24] =	ssyncset.done $0x0  }
0xcb: {  	s15 =	sadd.s32 @!p0 $0x27000, s18;
	[sflag:s24] =	ssyncadd.s32 $0xFFFFD900  }
0xcc: {  	[hbm:s15], [sflag:s14] =	dma.local @!p0 [spmem:s16], $0x100  }
0xcd: {  	s14 =	simm.s32 @!p0 $0x7  }
0xce: {  	_ =	swait.ge @!p0 [sflag:s14], $0x100  }
0xcf: {  	s13 =	sadd.s32 $0x1, s13;
	s26 =	rddreg [dreg:$0x10]  }
0xd0: {  	p1 =	sne.s32 s13, s26  }
.Ltmp1:
0xd1: {  	_ = 	snop;
	(pc) =	sbr.rel @p1 .LBB2_1-.Ltmp1, $3  }
0xd2: {  	_ =	sdelay $0x1  }
0xd3: {  	[sflag:s14] =	ssyncset.done @!p0 $0x0  }
0xd4: {  	[sflag:s14] =	ssyncadd.s32 @!p0 $0xFFFFFF00  }
0xd5: {  	_ =	sfence.sel $0x180000  }
0xd6: {  	[bflag:$0x0] =	sbarrier.arrive $0xFFFF  }
0xd7: {  	_ =	strace $0x90000050  }
0xd8: {  	[bflag:$0x2] =	sbarrier.arrive $0xFFFF  }
0xd9: {  	s0 =	rddreg [dreg:$0x3]  }
0xda: {  	s0 =	sadd.s32 @!p0 $0x100000, s0  }
0xdb: {  	[sflag:s0] =	ssyncadd.tile.s32 @!p0 $0x1;
	_ =	shalt  }
.Lfunc_end2:
_tile_overlayer_lowered:
.L_overlay_start_2:
0xdc: {  	(tag) =	ssettag $0x2  }
0xdd: {  	s0 =	rddreg [dreg:$0x0];
	s2 =	stileid.u32  }
0xde: {  	s1 =	rddreg [dreg:$0x1];
	p0 =	sne.s32 s2, $0x0  }
0xdf: {  	s3 =	rddreg [dreg:$0x2];
	[bflag:$0x3] =	sbarrier.arrive $0xFFFF;
	s2 =	simm.s32 @!p0 $0x1C07  }
0xe0: {  	[timem:s3], [sflag:s2] =	dma.local @!p0 [hbm:s0], s1  }
0xe1: {  	s0 =	simm.s32 @!p0 $0x7  }
0xe2: {  	_ =	swait.ge @!p0 [sflag:s0], s1  }
0xe3: {  	s1 =	ssub.s32 @!p0 $0x0, s1;
	[sflag:s0] =	ssyncset.done @!p0 $0x0  }
0xe4: {  	[sflag:s0] =	ssyncadd.s32 @!p0 s1  }
0xe5: {  	[bflag:$0x3] =	sbarrier.arrive $0xFFFF  }
0xe6: {  	_ =	shalt  }

</sc_bundles>
